<compile_context>
chip_gen: v7x
topology: tpu7x:2x2x1
jax: 0.10.2.dev20260603
libtpu: 0.0.44.dev20260713+nightly
codegen_flags: <defaults>
</compile_context>

<pallas_src>
import jax
import jax.numpy as jnp
from jax import lax
from jax.experimental import pallas as pl
from jax.experimental.pallas import tpu as pltpu
from jax.experimental.pallas import tpu_sc as plsc

B, C, DIM = 4, 96, 384
OUT = 192
NPIX = DIM * DIM
NOUT = OUT * OUT
NPLANES = B * C
NTILES = 32
PLANES_PER_TILE = NPLANES // NTILES
HALF = NPIX // 2
IDX_CHUNK = 4608
NCHUNKS = NPIX // IDX_CHUNK
WIN_PER_CHUNK = IDX_CHUNK // 4
GROUPS_PER_CHUNK = WIN_PER_CHUNK // 16

NEG = float("-inf")


def _body(x_hbm, idx_hbm, out_hbm, half_v, out_v, ib0, ib1, tidx_s,
          sem0, sem1):
    sid = lax.axis_index("s")
    wid = sid * 2 + lax.axis_index("c")
    bufs = (ib0, ib1)
    sems = (sem0, sem1)
    iota4 = lax.iota(jnp.int32, 16) * 4

    for t in range(2):
        c0 = sid * 2 + t
        pltpu.sync_copy(idx_hbm.at[pl.ds(c0 * IDX_CHUNK, IDX_CHUNK)], ib0)

        for j in range(4):
            @plsc.parallel_loop(0, GROUPS_PER_CHUNK, unroll=4)
            def tr_body(g):
                v = plsc.load_gather(ib0, [g * 64 + iota4 + j])
                ib1[pl.ds(j * WIN_PER_CHUNK + g * 16, 16)] = v

        pltpu.sync_copy(ib1, tidx_s.at[pl.ds(c0 * IDX_CHUNK, IDX_CHUNK)])
    plsc.subcore_barrier()

    def plane_body(pi, carry):
        plane = wid * PLANES_PER_TILE + pi
        for h in range(2):
            pltpu.sync_copy(x_hbm.at[plane, pl.ds(h * HALF, HALF)], half_v)
            pltpu.async_copy(tidx_s.at[pl.ds(0, IDX_CHUNK)], ib0, sem0)
            pltpu.async_copy(tidx_s.at[pl.ds(IDX_CHUNK, IDX_CHUNK)], ib1,
                             sem1)

            def pair_body(i, carry2):
                for b in range(2):
                    c = 2 * i + b
                    buf, sem = bufs[b], sems[b]
                    pltpu.make_async_copy(
                        tidx_s.at[pl.ds(c * IDX_CHUNK, IDX_CHUNK)], buf,
                        sem).wait()

                    @plsc.parallel_loop(0, GROUPS_PER_CHUNK, unroll=4)
                    def group_body(g):
                        acc = None
                        for j in range(4):
                            kv = buf[pl.ds(j * WIN_PER_CHUNK + g * 16, 16)]
                            if h == 0:
                                m = kv < HALF
                                lc = jnp.minimum(kv, HALF - 1)
                            else:
                                lidx = kv - HALF
                                m = lidx >= 0
                                lc = jnp.maximum(lidx, 0)
                            v = plsc.load_gather(half_v, [lc])
                            sv = jnp.where(m, v, NEG)
                            acc = sv if acc is None else jnp.maximum(acc, sv)
                        sl = pl.ds(c * WIN_PER_CHUNK + g * 16, 16)
                        if h == 0:
                            out_v[sl] = acc
                        else:
                            out_v[sl] = jnp.maximum(out_v[sl], acc)

                    @pl.when(c + 2 < NCHUNKS)
                    def _prefetch():
                        pltpu.async_copy(
                            tidx_s.at[pl.ds((c + 2) * IDX_CHUNK, IDX_CHUNK)],
                            buf, sem)

                return carry2

            lax.fori_loop(0, NCHUNKS // 2, pair_body, 0)
        pltpu.sync_copy(out_v, out_hbm.at[plane, :])
        return carry

    lax.fori_loop(0, PLANES_PER_TILE, plane_body, 0)


def _make_kernel():
    mesh = plsc.VectorSubcoreMesh(core_axis_name="c", subcore_axis_name="s")
    return pl.kernel(
        _body,
        out_type=jax.ShapeDtypeStruct((NPLANES, NOUT), jnp.float32),
        mesh=mesh,
        scratch_types=[
            pltpu.VMEM((HALF,), jnp.float32),
            pltpu.VMEM((NOUT,), jnp.float32),
            pltpu.VMEM((IDX_CHUNK,), jnp.int32),
            pltpu.VMEM((IDX_CHUNK,), jnp.int32),
            pltpu.VMEM_SHARED((NPIX,), jnp.int32),
            pltpu.SemaphoreType.DMA,
            pltpu.SemaphoreType.DMA,
        ],
        compiler_params=pltpu.CompilerParams(needs_layout_passes=False),
    )


@jax.jit
def kernel(x, gather_idx):
    xf = x.reshape(NPLANES, NPIX)
    idx_flat = gather_idx.reshape(-1)
    out = _make_kernel()(xf, idx_flat)
    return out.reshape(B, C, OUT, OUT)

# --- scband reference (transcript-rebuilt; emitter-appended) ---
"""Pipeline reference for scband-deform-max-pool2d-22290880266905 (READ-ONLY COPY).

The authoritative reference and input builder live on the scoring server;
editing this copy changes nothing except your own understanding.
"""

import jax, jax.numpy as jnp
import numpy as np

DIM = 384
KS = 2
STRIDE = 2
PAD = 0
OUT = (DIM + 2 * PAD - (KS - 1) - 1) // STRIDE + 1  # 192
B, C = 4, 96


def _build_indices(seed=0):
    # Replicates DeformMaxPool2d.__init__ with perm = Permutar(DIM, 1).
    rng = np.random.RandomState(seed)
    # perm = Permutar(image_size=DIM, block_size=1): key permutes DIM*DIM pixels
    perm_key = np.argsort(rng.rand(DIM * DIM))
    inv_key = np.argsort(perm_key)  # inv_key[v] = k such that perm_key[k] == v
    # new_perm = Permutar(OUT, 1)
    new_key = np.argsort(rng.rand(OUT * OUT))
    # calculate_index_pool: kernel-center coordinates per output position
    cen = np.arange(-PAD + KS // 2 - 1, DIM + PAD - KS // 2, STRIDE)
    centers = np.zeros((OUT, OUT, 2), dtype=np.int64)
    centers[:, :, 0] = cen[:, None]
    centers[:, :, 1] = cen[None, :]
    cf = centers.reshape(OUT * OUT, 2)
    # new_perm.desordenar with block_size 1: output[place] = input[key[place]]
    shuffled = cf[new_key]  # [O*O, 2]
    # get_index_pool: offsets 0..KS-1 in each axis
    offs = np.array([[a, b] for a in range(KS) for b in range(KS)], dtype=np.int64)
    pos = shuffled[:, None, :] + offs[None, :, :]  # [O*O, KS*KS, 2]
    pos_flat = pos[..., 0] * DIM + pos[..., 1]
    # retrieve_original_pixels: org coordinate = inv_key[pos_flat] unflattened
    org_flat = inv_key[pos_flat]  # [O*O, KS*KS]
    return org_flat.astype(np.int32)


def setup_inputs(seed: int = 0) -> dict:
    key = jax.random.key(seed)
    x = jax.random.normal(key, (B, C, DIM, DIM), dtype=jnp.float32)
    gather_idx = jnp.asarray(_build_indices())  # int32[O*O, KS*KS], module state
    return {"x": x, "gather_idx": gather_idx}


def reference(x, gather_idx):
    Bq, Cq, H, W = x.shape
    xf = x.reshape(Bq, Cq, H * W)
    # gather the KS*KS (permutation-scrambled) pixels for every output location
    pixels = jnp.take(xf, gather_idx.reshape(-1), axis=2)
    pixels = pixels.reshape(Bq, Cq, OUT * OUT, KS * KS)
    out = jnp.max(pixels, axis=-1)
    return out.reshape(Bq, Cq, OUT, OUT)

if __name__ == "__main__":
    import jax
    _d = setup_inputs()
    print(jax.jit(kernel)(*tuple(_d.values())))

</pallas_src>

<mosaic_0001>
#map = affine_map<(d0, d1) -> (0, 0)>
#map1 = affine_map<(d0, d1) -> (0)>
module attributes {stable_mosaic.version = 14 : i64} {
  func.func @_body(%arg0: i32, %arg1: i32, %arg2: memref<384x147456xf32, #tpu.memory_space<hbm>>, %arg3: memref<147456xi32, #tpu.memory_space<hbm>>, %arg4: memref<384x36864xf32, #tpu.memory_space<hbm>>, %arg5: memref<73728xf32, #tpu.memory_space<vmem>>, %arg6: memref<36864xf32, #tpu.memory_space<vmem>>, %arg7: memref<4608xi32, #tpu.memory_space<vmem>>, %arg8: memref<4608xi32, #tpu.memory_space<vmem>>, %arg9: memref<147456xi32, #tpu.memory_space<vmem_shared>>, %arg10: memref<!tpu.dma_semaphore, #tpu.memory_space<semaphore_mem>>, %arg11: memref<!tpu.dma_semaphore, #tpu.memory_space<semaphore_mem>>) attributes {dimension_semantics = [#tpu.dimension_semantics<core_parallel>, #tpu.dimension_semantics<subcore_parallel>], iteration_bounds = array<i64: 2, 16>, scalar_prefetch = 0 : i64, scratch_operands = 7 : i64, tpu.core_type = #tpu.core_type<sc_vector_subcore>, window_params = [{transform_indices = #map}, {transform_indices = #map1}, {transform_indices = #map}]} {
    %mul3A = arith.constant 2 : i32
    %mul3A_0 = arith.muli %arg1, %mul3A : i32
    %add3A = arith.addi %mul3A_0, %arg0 : i32
    %iota3A = tpu.iota {dimensions = array<i32: 0>} : vector<16xi32>
    %mul3A_1 = arith.constant 4 : i32
    %mul3A_2 = vector.broadcast %mul3A_1 : i32 to vector<16xi32>
    %mul3A_3 = arith.muli %iota3A, %mul3A_2 : vector<16xi32>
    %mul3A_4 = arith.constant 2 : i32
    %mul3A_5 = arith.muli %arg1, %mul3A_4 : i32
    %add3A_6 = arith.constant 0 : i32
    %add3A_7 = arith.addi %mul3A_5, %add3A_6 : i32
    %mul3A_8 = arith.constant 4608 : i32
    %mul3A_9 = arith.muli %add3A_7, %mul3A_8 : i32
    "tpu.region"() ({
      %run_scoped3A = tpu.sem_alloc : memref<!tpu.dma_semaphore, #tpu.memory_space<semaphore_mem>>
      %dma_start3A = tpu.memref_slice %arg3[%mul3A_9] : memref<147456xi32, #tpu.memory_space<hbm>> -> memref<4608xi32, #tpu.memory_space<hbm>>
      %dma_start3A_48 = tpu.memref_slice %arg3[%mul3A_9] : memref<147456xi32, #tpu.memory_space<hbm>> -> memref<4608xi32, #tpu.memory_space<hbm>>
      tpu.enqueue_dma source(%dma_start3A_48 : memref<4608xi32, #tpu.memory_space<hbm>>) target(%arg7 : memref<4608xi32, #tpu.memory_space<vmem>>) target_semaphore(%run_scoped3A : memref<!tpu.dma_semaphore, #tpu.memory_space<semaphore_mem>>)
      %dma_wait3A = tpu.memref_slice %arg3[%mul3A_9] : memref<147456xi32, #tpu.memory_space<hbm>> -> memref<4608xi32, #tpu.memory_space<hbm>>
      %dma_wait3A_49 = tpu.memref_slice %arg3[%mul3A_9] : memref<147456xi32, #tpu.memory_space<hbm>> -> memref<4608xi32, #tpu.memory_space<hbm>>
      tpu.wait_dma2 semaphore(%run_scoped3A : memref<!tpu.dma_semaphore, #tpu.memory_space<semaphore_mem>>) src(%dma_wait3A_49 : memref<4608xi32, #tpu.memory_space<hbm>>) dst(%arg7 : memref<4608xi32, #tpu.memory_space<vmem>>)
      tpu.yield
    }) : () -> ()
    %parallel_loop3A = arith.constant 0 : i32
    %parallel_loop3A_10 = arith.constant 72 : i32
    %parallel_loop3A_11 = arith.constant 1 : i32
    scf.for %parallel_loop3A_48 = %parallel_loop3A to %parallel_loop3A_10 step %parallel_loop3A_11  : i32 {
      %parallel_loop3A_49 = arith.constant 64 : i32
      %parallel_loop3A_50 = arith.muli %parallel_loop3A_48, %parallel_loop3A_49 : i32
      %parallel_loop3A_51 = vector.broadcast %parallel_loop3A_50 : i32 to vector<16xi32>
      %parallel_loop3A_52 = arith.addi %parallel_loop3A_51, %mul3A_3 : vector<16xi32>
      %parallel_loop3A_53 = arith.constant 0 : i32
      %parallel_loop3A_54 = vector.broadcast %parallel_loop3A_53 : i32 to vector<16xi32>
      %parallel_loop3A_55 = arith.addi %parallel_loop3A_52, %parallel_loop3A_54 : vector<16xi32>
      %parallel_loop3A_56 = tpu.vector_load_idx %arg7[%parallel_loop3A_55] : memref<4608xi32, #tpu.memory_space<vmem>>[vector<16xi32>], vector<16xi32>,
      %parallel_loop3A_57 = arith.constant 16 : i32
      %parallel_loop3A_58 = arith.muli %parallel_loop3A_48, %parallel_loop3A_57 : i32
      %parallel_loop3A_59 = arith.constant 0 : i32
      %parallel_loop3A_60 = arith.addi %parallel_loop3A_59, %parallel_loop3A_58 : i32
      %parallel_loop3A_61 = arith.index_cast %parallel_loop3A_60 : i32 to index
      %parallel_loop3A_62 = tpu.vector_load %arg8[%parallel_loop3A_61] {strides = array<i32>} : memref<4608xi32, #tpu.memory_space<vmem>>, vector<16xi32>,
      tpu.vector_store %arg8[%parallel_loop3A_61], %parallel_loop3A_56 {strides = array<i32>} : memref<4608xi32, #tpu.memory_space<vmem>>, vector<16xi32>,
    } {sc.loop_unroll_factor = 4 : i64, sc.parallel_access}
    %parallel_loop3A_12 = arith.constant 0 : i32
    %parallel_loop3A_13 = arith.constant 72 : i32
    %parallel_loop3A_14 = arith.constant 1 : i32
    scf.for %parallel_loop3A_48 = %parallel_loop3A_12 to %parallel_loop3A_13 step %parallel_loop3A_14  : i32 {
      %parallel_loop3A_49 = arith.constant 64 : i32
      %parallel_loop3A_50 = arith.muli %parallel_loop3A_48, %parallel_loop3A_49 : i32
      %parallel_loop3A_51 = vector.broadcast %parallel_loop3A_50 : i32 to vector<16xi32>
      %parallel_loop3A_52 = arith.addi %parallel_loop3A_51, %mul3A_3 : vector<16xi32>
      %parallel_loop3A_53 = arith.constant 1 : i32
      %parallel_loop3A_54 = vector.broadcast %parallel_loop3A_53 : i32 to vector<16xi32>
      %parallel_loop3A_55 = arith.addi %parallel_loop3A_52, %parallel_loop3A_54 : vector<16xi32>
      %parallel_loop3A_56 = tpu.vector_load_idx %arg7[%parallel_loop3A_55] : memref<4608xi32, #tpu.memory_space<vmem>>[vector<16xi32>], vector<16xi32>,
      %parallel_loop3A_57 = arith.constant 16 : i32
      %parallel_loop3A_58 = arith.muli %parallel_loop3A_48, %parallel_loop3A_57 : i32
      %parallel_loop3A_59 = arith.constant 1152 : i32
      %parallel_loop3A_60 = arith.addi %parallel_loop3A_59, %parallel_loop3A_58 : i32
      %parallel_loop3A_61 = arith.index_cast %parallel_loop3A_60 : i32 to index
      %parallel_loop3A_62 = tpu.vector_load %arg8[%parallel_loop3A_61] {strides = array<i32>} : memref<4608xi32, #tpu.memory_space<vmem>>, vector<16xi32>,
      tpu.vector_store %arg8[%parallel_loop3A_61], %parallel_loop3A_56 {strides = array<i32>} : memref<4608xi32, #tpu.memory_space<vmem>>, vector<16xi32>,
    } {sc.loop_unroll_factor = 4 : i64, sc.parallel_access}
    %parallel_loop3A_15 = arith.constant 0 : i32
    %parallel_loop3A_16 = arith.constant 72 : i32
    %parallel_loop3A_17 = arith.constant 1 : i32
    scf.for %parallel_loop3A_48 = %parallel_loop3A_15 to %parallel_loop3A_16 step %parallel_loop3A_17  : i32 {
      %parallel_loop3A_49 = arith.constant 64 : i32
      %parallel_loop3A_50 = arith.muli %parallel_loop3A_48, %parallel_loop3A_49 : i32
      %parallel_loop3A_51 = vector.broadcast %parallel_loop3A_50 : i32 to vector<16xi32>
      %parallel_loop3A_52 = arith.addi %parallel_loop3A_51, %mul3A_3 : vector<16xi32>
      %parallel_loop3A_53 = arith.constant 2 : i32
      %parallel_loop3A_54 = vector.broadcast %parallel_loop3A_53 : i32 to vector<16xi32>
      %parallel_loop3A_55 = arith.addi %parallel_loop3A_52, %parallel_loop3A_54 : vector<16xi32>
      %parallel_loop3A_56 = tpu.vector_load_idx %arg7[%parallel_loop3A_55] : memref<4608xi32, #tpu.memory_space<vmem>>[vector<16xi32>], vector<16xi32>,
      %parallel_loop3A_57 = arith.constant 16 : i32
      %parallel_loop3A_58 = arith.muli %parallel_loop3A_48, %parallel_loop3A_57 : i32
      %parallel_loop3A_59 = arith.constant 2304 : i32
      %parallel_loop3A_60 = arith.addi %parallel_loop3A_59, %parallel_loop3A_58 : i32
      %parallel_loop3A_61 = arith.index_cast %parallel_loop3A_60 : i32 to index
      %parallel_loop3A_62 = tpu.vector_load %arg8[%parallel_loop3A_61] {strides = array<i32>} : memref<4608xi32, #tpu.memory_space<vmem>>, vector<16xi32>,
      tpu.vector_store %arg8[%parallel_loop3A_61], %parallel_loop3A_56 {strides = array<i32>} : memref<4608xi32, #tpu.memory_space<vmem>>, vector<16xi32>,
    } {sc.loop_unroll_factor = 4 : i64, sc.parallel_access}
    %parallel_loop3A_18 = arith.constant 0 : i32
    %parallel_loop3A_19 = arith.constant 72 : i32
    %parallel_loop3A_20 = arith.constant 1 : i32
    scf.for %parallel_loop3A_48 = %parallel_loop3A_18 to %parallel_loop3A_19 step %parallel_loop3A_20  : i32 {
      %parallel_loop3A_49 = arith.constant 64 : i32
      %parallel_loop3A_50 = arith.muli %parallel_loop3A_48, %parallel_loop3A_49 : i32
      %parallel_loop3A_51 = vector.broadcast %parallel_loop3A_50 : i32 to vector<16xi32>
      %parallel_loop3A_52 = arith.addi %parallel_loop3A_51, %mul3A_3 : vector<16xi32>
      %parallel_loop3A_53 = arith.constant 3 : i32
      %parallel_loop3A_54 = vector.broadcast %parallel_loop3A_53 : i32 to vector<16xi32>
      %parallel_loop3A_55 = arith.addi %parallel_loop3A_52, %parallel_loop3A_54 : vector<16xi32>
      %parallel_loop3A_56 = tpu.vector_load_idx %arg7[%parallel_loop3A_55] : memref<4608xi32, #tpu.memory_space<vmem>>[vector<16xi32>], vector<16xi32>,
      %parallel_loop3A_57 = arith.constant 16 : i32
      %parallel_loop3A_58 = arith.muli %parallel_loop3A_48, %parallel_loop3A_57 : i32
      %parallel_loop3A_59 = arith.constant 3456 : i32
      %parallel_loop3A_60 = arith.addi %parallel_loop3A_59, %parallel_loop3A_58 : i32
      %parallel_loop3A_61 = arith.index_cast %parallel_loop3A_60 : i32 to index
      %parallel_loop3A_62 = tpu.vector_load %arg8[%parallel_loop3A_61] {strides = array<i32>} : memref<4608xi32, #tpu.memory_space<vmem>>, vector<16xi32>,
      tpu.vector_store %arg8[%parallel_loop3A_61], %parallel_loop3A_56 {strides = array<i32>} : memref<4608xi32, #tpu.memory_space<vmem>>, vector<16xi32>,
    } {sc.loop_unroll_factor = 4 : i64, sc.parallel_access}
    %mul3A_21 = arith.constant 4608 : i32
    %mul3A_22 = arith.muli %add3A_7, %mul3A_21 : i32
    "tpu.region"() ({
      %run_scoped3A = tpu.sem_alloc : memref<!tpu.dma_semaphore, #tpu.memory_space<semaphore_mem>>
      %dma_start3A = tpu.memref_slice %arg9[%mul3A_22] : memref<147456xi32, #tpu.memory_space<vmem_shared>> -> memref<4608xi32, #tpu.memory_space<vmem_shared>>
      %dma_start3A_48 = tpu.memref_slice %arg9[%mul3A_22] : memref<147456xi32, #tpu.memory_space<vmem_shared>> -> memref<4608xi32, #tpu.memory_space<vmem_shared>>
      tpu.enqueue_dma source(%arg8 : memref<4608xi32, #tpu.memory_space<vmem>>) target(%dma_start3A_48 : memref<4608xi32, #tpu.memory_space<vmem_shared>>) target_semaphore(%run_scoped3A : memref<!tpu.dma_semaphore, #tpu.memory_space<semaphore_mem>>)
      %dma_wait3A = tpu.memref_slice %arg9[%mul3A_22] : memref<147456xi32, #tpu.memory_space<vmem_shared>> -> memref<4608xi32, #tpu.memory_space<vmem_shared>>
      %dma_wait3A_49 = tpu.memref_slice %arg9[%mul3A_22] : memref<147456xi32, #tpu.memory_space<vmem_shared>> -> memref<4608xi32, #tpu.memory_space<vmem_shared>>
      tpu.wait_dma2 semaphore(%run_scoped3A : memref<!tpu.dma_semaphore, #tpu.memory_space<semaphore_mem>>) src(%arg8 : memref<4608xi32, #tpu.memory_space<vmem>>) dst(%dma_wait3A_49 : memref<4608xi32, #tpu.memory_space<vmem_shared>>)
      tpu.yield
    }) : () -> ()
    %mul3A_23 = arith.constant 2 : i32
    %mul3A_24 = arith.muli %arg1, %mul3A_23 : i32
    %add3A_25 = arith.constant 1 : i32
    %add3A_26 = arith.addi %mul3A_24, %add3A_25 : i32
    %mul3A_27 = arith.constant 4608 : i32
    %mul3A_28 = arith.muli %add3A_26, %mul3A_27 : i32
    "tpu.region"() ({
      %run_scoped3A = tpu.sem_alloc : memref<!tpu.dma_semaphore, #tpu.memory_space<semaphore_mem>>
      %dma_start3A = tpu.memref_slice %arg3[%mul3A_28] : memref<147456xi32, #tpu.memory_space<hbm>> -> memref<4608xi32, #tpu.memory_space<hbm>>
      %dma_start3A_48 = tpu.memref_slice %arg3[%mul3A_28] : memref<147456xi32, #tpu.memory_space<hbm>> -> memref<4608xi32, #tpu.memory_space<hbm>>
      tpu.enqueue_dma source(%dma_start3A_48 : memref<4608xi32, #tpu.memory_space<hbm>>) target(%arg7 : memref<4608xi32, #tpu.memory_space<vmem>>) target_semaphore(%run_scoped3A : memref<!tpu.dma_semaphore, #tpu.memory_space<semaphore_mem>>)
      %dma_wait3A = tpu.memref_slice %arg3[%mul3A_28] : memref<147456xi32, #tpu.memory_space<hbm>> -> memref<4608xi32, #tpu.memory_space<hbm>>
      %dma_wait3A_49 = tpu.memref_slice %arg3[%mul3A_28] : memref<147456xi32, #tpu.memory_space<hbm>> -> memref<4608xi32, #tpu.memory_space<hbm>>
      tpu.wait_dma2 semaphore(%run_scoped3A : memref<!tpu.dma_semaphore, #tpu.memory_space<semaphore_mem>>) src(%dma_wait3A_49 : memref<4608xi32, #tpu.memory_space<hbm>>) dst(%arg7 : memref<4608xi32, #tpu.memory_space<vmem>>)
      tpu.yield
    }) : () -> ()
    %parallel_loop3A_29 = arith.constant 0 : i32
    %parallel_loop3A_30 = arith.constant 72 : i32
    %parallel_loop3A_31 = arith.constant 1 : i32
    scf.for %parallel_loop3A_48 = %parallel_loop3A_29 to %parallel_loop3A_30 step %parallel_loop3A_31  : i32 {
      %parallel_loop3A_49 = arith.constant 64 : i32
      %parallel_loop3A_50 = arith.muli %parallel_loop3A_48, %parallel_loop3A_49 : i32
      %parallel_loop3A_51 = vector.broadcast %parallel_loop3A_50 : i32 to vector<16xi32>
      %parallel_loop3A_52 = arith.addi %parallel_loop3A_51, %mul3A_3 : vector<16xi32>
      %parallel_loop3A_53 = arith.constant 0 : i32
      %parallel_loop3A_54 = vector.broadcast %parallel_loop3A_53 : i32 to vector<16xi32>
      %parallel_loop3A_55 = arith.addi %parallel_loop3A_52, %parallel_loop3A_54 : vector<16xi32>
      %parallel_loop3A_56 = tpu.vector_load_idx %arg7[%parallel_loop3A_55] : memref<4608xi32, #tpu.memory_space<vmem>>[vector<16xi32>], vector<16xi32>,
      %parallel_loop3A_57 = arith.constant 16 : i32
      %parallel_loop3A_58 = arith.muli %parallel_loop3A_48, %parallel_loop3A_57 : i32
      %parallel_loop3A_59 = arith.constant 0 : i32
      %parallel_loop3A_60 = arith.addi %parallel_loop3A_59, %parallel_loop3A_58 : i32
      %parallel_loop3A_61 = arith.index_cast %parallel_loop3A_60 : i32 to index
      %parallel_loop3A_62 = tpu.vector_load %arg8[%parallel_loop3A_61] {strides = array<i32>} : memref<4608xi32, #tpu.memory_space<vmem>>, vector<16xi32>,
      tpu.vector_store %arg8[%parallel_loop3A_61], %parallel_loop3A_56 {strides = array<i32>} : memref<4608xi32, #tpu.memory_space<vmem>>, vector<16xi32>,
    } {sc.loop_unroll_factor = 4 : i64, sc.parallel_access}
    %parallel_loop3A_32 = arith.constant 0 : i32
    %parallel_loop3A_33 = arith.constant 72 : i32
    %parallel_loop3A_34 = arith.constant 1 : i32
    scf.for %parallel_loop3A_48 = %parallel_loop3A_32 to %parallel_loop3A_33 step %parallel_loop3A_34  : i32 {
      %parallel_loop3A_49 = arith.constant 64 : i32
      %parallel_loop3A_50 = arith.muli %parallel_loop3A_48, %parallel_loop3A_49 : i32
      %parallel_loop3A_51 = vector.broadcast %parallel_loop3A_50 : i32 to vector<16xi32>
      %parallel_loop3A_52 = arith.addi %parallel_loop3A_51, %mul3A_3 : vector<16xi32>
      %parallel_loop3A_53 = arith.constant 1 : i32
      %parallel_loop3A_54 = vector.broadcast %parallel_loop3A_53 : i32 to vector<16xi32>
      %parallel_loop3A_55 = arith.addi %parallel_loop3A_52, %parallel_loop3A_54 : vector<16xi32>
      %parallel_loop3A_56 = tpu.vector_load_idx %arg7[%parallel_loop3A_55] : memref<4608xi32, #tpu.memory_space<vmem>>[vector<16xi32>], vector<16xi32>,
      %parallel_loop3A_57 = arith.constant 16 : i32
      %parallel_loop3A_58 = arith.muli %parallel_loop3A_48, %parallel_loop3A_57 : i32
      %parallel_loop3A_59 = arith.constant 1152 : i32
      %parallel_loop3A_60 = arith.addi %parallel_loop3A_59, %parallel_loop3A_58 : i32
      %parallel_loop3A_61 = arith.index_cast %parallel_loop3A_60 : i32 to index
      %parallel_loop3A_62 = tpu.vector_load %arg8[%parallel_loop3A_61] {strides = array<i32>} : memref<4608xi32, #tpu.memory_space<vmem>>, vector<16xi32>,
      tpu.vector_store %arg8[%parallel_loop3A_61], %parallel_loop3A_56 {strides = array<i32>} : memref<4608xi32, #tpu.memory_space<vmem>>, vector<16xi32>,
    } {sc.loop_unroll_factor = 4 : i64, sc.parallel_access}
    %parallel_loop3A_35 = arith.constant 0 : i32
    %parallel_loop3A_36 = arith.constant 72 : i32
    %parallel_loop3A_37 = arith.constant 1 : i32
    scf.for %parallel_loop3A_48 = %parallel_loop3A_35 to %parallel_loop3A_36 step %parallel_loop3A_37  : i32 {
      %parallel_loop3A_49 = arith.constant 64 : i32
      %parallel_loop3A_50 = arith.muli %parallel_loop3A_48, %parallel_loop3A_49 : i32
      %parallel_loop3A_51 = vector.broadcast %parallel_loop3A_50 : i32 to vector<16xi32>
      %parallel_loop3A_52 = arith.addi %parallel_loop3A_51, %mul3A_3 : vector<16xi32>
      %parallel_loop3A_53 = arith.constant 2 : i32
      %parallel_loop3A_54 = vector.broadcast %parallel_loop3A_53 : i32 to vector<16xi32>
      %parallel_loop3A_55 = arith.addi %parallel_loop3A_52, %parallel_loop3A_54 : vector<16xi32>
      %parallel_loop3A_56 = tpu.vector_load_idx %arg7[%parallel_loop3A_55] : memref<4608xi32, #tpu.memory_space<vmem>>[vector<16xi32>], vector<16xi32>,
      %parallel_loop3A_57 = arith.constant 16 : i32
      %parallel_loop3A_58 = arith.muli %parallel_loop3A_48, %parallel_loop3A_57 : i32
      %parallel_loop3A_59 = arith.constant 2304 : i32
      %parallel_loop3A_60 = arith.addi %parallel_loop3A_59, %parallel_loop3A_58 : i32
      %parallel_loop3A_61 = arith.index_cast %parallel_loop3A_60 : i32 to index
      %parallel_loop3A_62 = tpu.vector_load %arg8[%parallel_loop3A_61] {strides = array<i32>} : memref<4608xi32, #tpu.memory_space<vmem>>, vector<16xi32>,
      tpu.vector_store %arg8[%parallel_loop3A_61], %parallel_loop3A_56 {strides = array<i32>} : memref<4608xi32, #tpu.memory_space<vmem>>, vector<16xi32>,
    } {sc.loop_unroll_factor = 4 : i64, sc.parallel_access}
    %parallel_loop3A_38 = arith.constant 0 : i32
    %parallel_loop3A_39 = arith.constant 72 : i32
    %parallel_loop3A_40 = arith.constant 1 : i32
    scf.for %parallel_loop3A_48 = %parallel_loop3A_38 to %parallel_loop3A_39 step %parallel_loop3A_40  : i32 {
      %parallel_loop3A_49 = arith.constant 64 : i32
      %parallel_loop3A_50 = arith.muli %parallel_loop3A_48, %parallel_loop3A_49 : i32
      %parallel_loop3A_51 = vector.broadcast %parallel_loop3A_50 : i32 to vector<16xi32>
      %parallel_loop3A_52 = arith.addi %parallel_loop3A_51, %mul3A_3 : vector<16xi32>
      %parallel_loop3A_53 = arith.constant 3 : i32
      %parallel_loop3A_54 = vector.broadcast %parallel_loop3A_53 : i32 to vector<16xi32>
      %parallel_loop3A_55 = arith.addi %parallel_loop3A_52, %parallel_loop3A_54 : vector<16xi32>
      %parallel_loop3A_56 = tpu.vector_load_idx %arg7[%parallel_loop3A_55] : memref<4608xi32, #tpu.memory_space<vmem>>[vector<16xi32>], vector<16xi32>,
      %parallel_loop3A_57 = arith.constant 16 : i32
      %parallel_loop3A_58 = arith.muli %parallel_loop3A_48, %parallel_loop3A_57 : i32
      %parallel_loop3A_59 = arith.constant 3456 : i32
      %parallel_loop3A_60 = arith.addi %parallel_loop3A_59, %parallel_loop3A_58 : i32
      %parallel_loop3A_61 = arith.index_cast %parallel_loop3A_60 : i32 to index
      %parallel_loop3A_62 = tpu.vector_load %arg8[%parallel_loop3A_61] {strides = array<i32>} : memref<4608xi32, #tpu.memory_space<vmem>>, vector<16xi32>,
      tpu.vector_store %arg8[%parallel_loop3A_61], %parallel_loop3A_56 {strides = array<i32>} : memref<4608xi32, #tpu.memory_space<vmem>>, vector<16xi32>,
    } {sc.loop_unroll_factor = 4 : i64, sc.parallel_access}
    %mul3A_41 = arith.constant 4608 : i32
    %mul3A_42 = arith.muli %add3A_26, %mul3A_41 : i32
    "tpu.region"() ({
      %run_scoped3A = tpu.sem_alloc : memref<!tpu.dma_semaphore, #tpu.memory_space<semaphore_mem>>
      %dma_start3A = tpu.memref_slice %arg9[%mul3A_42] : memref<147456xi32, #tpu.memory_space<vmem_shared>> -> memref<4608xi32, #tpu.memory_space<vmem_shared>>
      %dma_start3A_48 = tpu.memref_slice %arg9[%mul3A_42] : memref<147456xi32, #tpu.memory_space<vmem_shared>> -> memref<4608xi32, #tpu.memory_space<vmem_shared>>
      tpu.enqueue_dma source(%arg8 : memref<4608xi32, #tpu.memory_space<vmem>>) target(%dma_start3A_48 : memref<4608xi32, #tpu.memory_space<vmem_shared>>) target_semaphore(%run_scoped3A : memref<!tpu.dma_semaphore, #tpu.memory_space<semaphore_mem>>)
      %dma_wait3A = tpu.memref_slice %arg9[%mul3A_42] : memref<147456xi32, #tpu.memory_space<vmem_shared>> -> memref<4608xi32, #tpu.memory_space<vmem_shared>>
      %dma_wait3A_49 = tpu.memref_slice %arg9[%mul3A_42] : memref<147456xi32, #tpu.memory_space<vmem_shared>> -> memref<4608xi32, #tpu.memory_space<vmem_shared>>
      tpu.wait_dma2 semaphore(%run_scoped3A : memref<!tpu.dma_semaphore, #tpu.memory_space<semaphore_mem>>) src(%arg8 : memref<4608xi32, #tpu.memory_space<vmem>>) dst(%dma_wait3A_49 : memref<4608xi32, #tpu.memory_space<vmem_shared>>)
      tpu.yield
    }) : () -> ()
    %barrier3A = arith.constant 0 : index
    tpu.barrier barrier_id(%barrier3A)
    %scan3A = arith.constant 0 : i32
    %scan3A_43 = arith.constant 0 : i32
    %scan3A_44 = arith.constant 12 : i32
    %scan3A_45 = arith.addi %scan3A_43, %scan3A_44 : i32
    %scan3A_46 = arith.constant 1 : i32
    scf.for %scan3A_48 = %scan3A_43 to %scan3A_45 step %scan3A_46  : i32 {
      %mul3A_49 = arith.constant 12 : i32
      %mul3A_50 = arith.muli %add3A, %mul3A_49 : i32
      %add3A_51 = arith.addi %mul3A_50, %scan3A_48 : i32
      "tpu.region"() ({
        %run_scoped3A = tpu.sem_alloc : memref<!tpu.dma_semaphore, #tpu.memory_space<semaphore_mem>>
        %dma_start3A_79 = arith.constant 0 : i32
        %dma_start3A_80 = tpu.memref_slice %arg2[%add3A_51, %dma_start3A_79] : memref<384x147456xf32, #tpu.memory_space<hbm>> -> memref<1x73728xf32, #tpu.memory_space<hbm>>
        %dma_start3A_81 = tpu.memref_squeeze %dma_start3A_80 : memref<1x73728xf32, #tpu.memory_space<hbm>> -> memref<73728xf32, #tpu.memory_space<hbm>>
        %dma_start3A_82 = arith.constant 0 : i32
        %dma_start3A_83 = tpu.memref_slice %arg2[%add3A_51, %dma_start3A_82] : memref<384x147456xf32, #tpu.memory_space<hbm>> -> memref<1x73728xf32, #tpu.memory_space<hbm>>
        %dma_start3A_84 = tpu.memref_squeeze %dma_start3A_83 : memref<1x73728xf32, #tpu.memory_space<hbm>> -> memref<73728xf32, #tpu.memory_space<hbm>>
        tpu.enqueue_dma source(%dma_start3A_84 : memref<73728xf32, #tpu.memory_space<hbm>>) target(%arg5 : memref<73728xf32, #tpu.memory_space<vmem>>) target_semaphore(%run_scoped3A : memref<!tpu.dma_semaphore, #tpu.memory_space<semaphore_mem>>)
        %dma_wait3A = arith.constant 0 : i32
        %dma_wait3A_85 = tpu.memref_slice %arg2[%add3A_51, %dma_wait3A] : memref<384x147456xf32, #tpu.memory_space<hbm>> -> memref<1x73728xf32, #tpu.memory_space<hbm>>
        %dma_wait3A_86 = tpu.memref_squeeze %dma_wait3A_85 : memref<1x73728xf32, #tpu.memory_space<hbm>> -> memref<73728xf32, #tpu.memory_space<hbm>>
        %dma_wait3A_87 = arith.constant 0 : i32
        %dma_wait3A_88 = tpu.memref_slice %arg2[%add3A_51, %dma_wait3A_87] : memref<384x147456xf32, #tpu.memory_space<hbm>> -> memref<1x73728xf32, #tpu.memory_space<hbm>>
        %dma_wait3A_89 = tpu.memref_squeeze %dma_wait3A_88 : memref<1x73728xf32, #tpu.memory_space<hbm>> -> memref<73728xf32, #tpu.memory_space<hbm>>
        tpu.wait_dma2 semaphore(%run_scoped3A : memref<!tpu.dma_semaphore, #tpu.memory_space<semaphore_mem>>) src(%dma_wait3A_89 : memref<73728xf32, #tpu.memory_space<hbm>>) dst(%arg5 : memref<73728xf32, #tpu.memory_space<vmem>>)
        tpu.yield
      }) : () -> ()
      %dma_start3A = arith.constant 0 : i32
      %dma_start3A_52 = tpu.memref_slice %arg9[%dma_start3A] : memref<147456xi32, #tpu.memory_space<vmem_shared>> -> memref<4608xi32, #tpu.memory_space<vmem_shared>>
      %dma_start3A_53 = arith.constant 0 : i32
      %dma_start3A_54 = tpu.memref_slice %arg9[%dma_start3A_53] : memref<147456xi32, #tpu.memory_space<vmem_shared>> -> memref<4608xi32, #tpu.memory_space<vmem_shared>>
      tpu.enqueue_dma source(%dma_start3A_54 : memref<4608xi32, #tpu.memory_space<vmem_shared>>) target(%arg7 : memref<4608xi32, #tpu.memory_space<vmem>>) target_semaphore(%arg10 : memref<!tpu.dma_semaphore, #tpu.memory_space<semaphore_mem>>)
      %dma_start3A_55 = arith.constant 4608 : i32
      %dma_start3A_56 = tpu.memref_slice %arg9[%dma_start3A_55] : memref<147456xi32, #tpu.memory_space<vmem_shared>> -> memref<4608xi32, #tpu.memory_space<vmem_shared>>
      %dma_start3A_57 = arith.constant 4608 : i32
      %dma_start3A_58 = tpu.memref_slice %arg9[%dma_start3A_57] : memref<147456xi32, #tpu.memory_space<vmem_shared>> -> memref<4608xi32, #tpu.memory_space<vmem_shared>>
      tpu.enqueue_dma source(%dma_start3A_58 : memref<4608xi32, #tpu.memory_space<vmem_shared>>) target(%arg8 : memref<4608xi32, #tpu.memory_space<vmem>>) target_semaphore(%arg11 : memref<!tpu.dma_semaphore, #tpu.memory_space<semaphore_mem>>)
      %scan3A_59 = arith.constant 0 : i32
      %scan3A_60 = arith.constant 0 : i32
      %scan3A_61 = arith.constant 16 : i32
      %scan3A_62 = arith.addi %scan3A_60, %scan3A_61 : i32
      %scan3A_63 = arith.constant 1 : i32
      scf.for %scan3A_79 = %scan3A_60 to %scan3A_62 step %scan3A_63  : i32 {
        %mul3A_80 = arith.constant 2 : i32
        %mul3A_81 = arith.muli %mul3A_80, %scan3A_79 : i32
        %add3A_82 = arith.constant 0 : i32
        %add3A_83 = arith.addi %mul3A_81, %add3A_82 : i32
        %mul3A_84 = arith.constant 4608 : i32
        %mul3A_85 = arith.muli %add3A_83, %mul3A_84 : i32
        %dma_wait3A = tpu.memref_slice %arg9[%mul3A_85] : memref<147456xi32, #tpu.memory_space<vmem_shared>> -> memref<4608xi32, #tpu.memory_space<vmem_shared>>
        %dma_wait3A_86 = tpu.memref_slice %arg9[%mul3A_85] : memref<147456xi32, #tpu.memory_space<vmem_shared>> -> memref<4608xi32, #tpu.memory_space<vmem_shared>>
        tpu.wait_dma2 semaphore(%arg10 : memref<!tpu.dma_semaphore, #tpu.memory_space<semaphore_mem>>) src(%dma_wait3A_86 : memref<4608xi32, #tpu.memory_space<vmem_shared>>) dst(%arg7 : memref<4608xi32, #tpu.memory_space<vmem>>)
        %parallel_loop3A_87 = arith.constant 0 : i32
        %parallel_loop3A_88 = arith.constant 72 : i32
        %parallel_loop3A_89 = arith.constant 1 : i32
        scf.for %parallel_loop3A_112 = %parallel_loop3A_87 to %parallel_loop3A_88 step %parallel_loop3A_89  : i32 {
          %parallel_loop3A_113 = arith.constant 16 : i32
          %parallel_loop3A_114 = arith.muli %parallel_loop3A_112, %parallel_loop3A_113 : i32
          %parallel_loop3A_115 = arith.constant 0 : i32
          %parallel_loop3A_116 = arith.addi %parallel_loop3A_115, %parallel_loop3A_114 : i32
          %parallel_loop3A_117 = arith.index_cast %parallel_loop3A_116 : i32 to index
          %parallel_loop3A_118 = tpu.vector_load %arg7[%parallel_loop3A_117] {strides = array<i32>} : memref<4608xi32, #tpu.memory_space<vmem>>, vector<16xi32>,
          %parallel_loop3A_119 = arith.constant 73728 : i32
          %parallel_loop3A_120 = vector.broadcast %parallel_loop3A_119 : i32 to vector<16xi32>
          %parallel_loop3A_121 = arith.cmpi slt, %parallel_loop3A_118, %parallel_loop3A_120 : vector<16xi32>
          %parallel_loop3A_122 = arith.constant 73727 : i32
          %parallel_loop3A_123 = vector.broadcast %parallel_loop3A_122 : i32 to vector<16xi32>
          %parallel_loop3A_124 = arith.minsi %parallel_loop3A_118, %parallel_loop3A_123 : vector<16xi32>
          %parallel_loop3A_125 = tpu.vector_load_idx %arg5[%parallel_loop3A_124] : memref<73728xf32, #tpu.memory_space<vmem>>[vector<16xi32>], vector<16xf32>,
          %parallel_loop3A_126 = arith.constant 0xFF800000 : f32
          %parallel_loop3A_127 = vector.broadcast %parallel_loop3A_126 : f32 to vector<16xf32>
          %parallel_loop3A_128 = arith.select %parallel_loop3A_121, %parallel_loop3A_125, %parallel_loop3A_127 : vector<16xi1>, vector<16xf32>
          %parallel_loop3A_129 = arith.constant 16 : i32
          %parallel_loop3A_130 = arith.muli %parallel_loop3A_112, %parallel_loop3A_129 : i32
          %parallel_loop3A_131 = arith.constant 1152 : i32
          %parallel_loop3A_132 = arith.addi %parallel_loop3A_131, %parallel_loop3A_130 : i32
          %parallel_loop3A_133 = arith.index_cast %parallel_loop3A_132 : i32 to index
          %parallel_loop3A_134 = tpu.vector_load %arg7[%parallel_loop3A_133] {strides = array<i32>} : memref<4608xi32, #tpu.memory_space<vmem>>, vector<16xi32>,
          %parallel_loop3A_135 = arith.constant 73728 : i32
          %parallel_loop3A_136 = vector.broadcast %parallel_loop3A_135 : i32 to vector<16xi32>
          %parallel_loop3A_137 = arith.cmpi slt, %parallel_loop3A_134, %parallel_loop3A_136 : vector<16xi32>
          %parallel_loop3A_138 = arith.constant 73727 : i32
          %parallel_loop3A_139 = vector.broadcast %parallel_loop3A_138 : i32 to vector<16xi32>
          %parallel_loop3A_140 = arith.minsi %parallel_loop3A_134, %parallel_loop3A_139 : vector<16xi32>
          %parallel_loop3A_141 = tpu.vector_load_idx %arg5[%parallel_loop3A_140] : memref<73728xf32, #tpu.memory_space<vmem>>[vector<16xi32>], vector<16xf32>,
          %parallel_loop3A_142 = arith.constant 0xFF800000 : f32
          %parallel_loop3A_143 = vector.broadcast %parallel_loop3A_142 : f32 to vector<16xf32>
          %parallel_loop3A_144 = arith.select %parallel_loop3A_137, %parallel_loop3A_141, %parallel_loop3A_143 : vector<16xi1>, vector<16xf32>
          %parallel_loop3A_145 = arith.maximumf %parallel_loop3A_128, %parallel_loop3A_144 : vector<16xf32>
          %parallel_loop3A_146 = arith.constant 16 : i32
          %parallel_loop3A_147 = arith.muli %parallel_loop3A_112, %parallel_loop3A_146 : i32
          %parallel_loop3A_148 = arith.constant 2304 : i32
          %parallel_loop3A_149 = arith.addi %parallel_loop3A_148, %parallel_loop3A_147 : i32
          %parallel_loop3A_150 = arith.index_cast %parallel_loop3A_149 : i32 to index
          %parallel_loop3A_151 = tpu.vector_load %arg7[%parallel_loop3A_150] {strides = array<i32>} : memref<4608xi32, #tpu.memory_space<vmem>>, vector<16xi32>,
          %parallel_loop3A_152 = arith.constant 73728 : i32
          %parallel_loop3A_153 = vector.broadcast %parallel_loop3A_152 : i32 to vector<16xi32>
          %parallel_loop3A_154 = arith.cmpi slt, %parallel_loop3A_151, %parallel_loop3A_153 : vector<16xi32>
          %parallel_loop3A_155 = arith.constant 73727 : i32
          %parallel_loop3A_156 = vector.broadcast %parallel_loop3A_155 : i32 to vector<16xi32>
          %parallel_loop3A_157 = arith.minsi %parallel_loop3A_151, %parallel_loop3A_156 : vector<16xi32>
          %parallel_loop3A_158 = tpu.vector_load_idx %arg5[%parallel_loop3A_157] : memref<73728xf32, #tpu.memory_space<vmem>>[vector<16xi32>], vector<16xf32>,
          %parallel_loop3A_159 = arith.constant 0xFF800000 : f32
          %parallel_loop3A_160 = vector.broadcast %parallel_loop3A_159 : f32 to vector<16xf32>
          %parallel_loop3A_161 = arith.select %parallel_loop3A_154, %parallel_loop3A_158, %parallel_loop3A_160 : vector<16xi1>, vector<16xf32>
          %parallel_loop3A_162 = arith.maximumf %parallel_loop3A_145, %parallel_loop3A_161 : vector<16xf32>
          %parallel_loop3A_163 = arith.constant 16 : i32
          %parallel_loop3A_164 = arith.muli %parallel_loop3A_112, %parallel_loop3A_163 : i32
          %parallel_loop3A_165 = arith.constant 3456 : i32
          %parallel_loop3A_166 = arith.addi %parallel_loop3A_165, %parallel_loop3A_164 : i32
          %parallel_loop3A_167 = arith.index_cast %parallel_loop3A_166 : i32 to index
          %parallel_loop3A_168 = tpu.vector_load %arg7[%parallel_loop3A_167] {strides = array<i32>} : memref<4608xi32, #tpu.memory_space<vmem>>, vector<16xi32>,
          %parallel_loop3A_169 = arith.constant 73728 : i32
          %parallel_loop3A_170 = vector.broadcast %parallel_loop3A_169 : i32 to vector<16xi32>
          %parallel_loop3A_171 = arith.cmpi slt, %parallel_loop3A_168, %parallel_loop3A_170 : vector<16xi32>
          %parallel_loop3A_172 = arith.constant 73727 : i32
          %parallel_loop3A_173 = vector.broadcast %parallel_loop3A_172 : i32 to vector<16xi32>
          %parallel_loop3A_174 = arith.minsi %parallel_loop3A_168, %parallel_loop3A_173 : vector<16xi32>
          %parallel_loop3A_175 = tpu.vector_load_idx %arg5[%parallel_loop3A_174] : memref<73728xf32, #tpu.memory_space<vmem>>[vector<16xi32>], vector<16xf32>,
          %parallel_loop3A_176 = arith.constant 0xFF800000 : f32
          %parallel_loop3A_177 = vector.broadcast %parallel_loop3A_176 : f32 to vector<16xf32>
          %parallel_loop3A_178 = arith.select %parallel_loop3A_171, %parallel_loop3A_175, %parallel_loop3A_177 : vector<16xi1>, vector<16xf32>
          %parallel_loop3A_179 = arith.maximumf %parallel_loop3A_162, %parallel_loop3A_178 : vector<16xf32>
          %parallel_loop3A_180 = arith.constant 1152 : i32
          %parallel_loop3A_181 = arith.muli %add3A_83, %parallel_loop3A_180 : i32
          %parallel_loop3A_182 = arith.constant 16 : i32
          %parallel_loop3A_183 = arith.muli %parallel_loop3A_112, %parallel_loop3A_182 : i32
          %parallel_loop3A_184 = arith.addi %parallel_loop3A_181, %parallel_loop3A_183 : i32
          %parallel_loop3A_185 = arith.index_cast %parallel_loop3A_184 : i32 to index
          %parallel_loop3A_186 = tpu.vector_load %arg6[%parallel_loop3A_185] {strides = array<i32>} : memref<36864xf32, #tpu.memory_space<vmem>>, vector<16xf32>,
          tpu.vector_store %arg6[%parallel_loop3A_185], %parallel_loop3A_179 {strides = array<i32>} : memref<36864xf32, #tpu.memory_space<vmem>>, vector<16xf32>,
        } {sc.loop_unroll_factor = 4 : i64, sc.parallel_access}
        %add3A_90 = arith.constant 2 : i32
        %add3A_91 = arith.addi %add3A_83, %add3A_90 : i32
        %lt3A = arith.constant 32 : i32
        %lt3A_92 = arith.cmpi slt, %add3A_91, %lt3A : i32
        %convert_element_type3A = arith.extui %lt3A_92 : i1 to i32
        %cond3A = arith.constant 0 : i32
        %cond3A_93 = arith.cmpi ne, %convert_element_type3A, %cond3A : i32
        scf.if %cond3A_93 {
          %add3A_112 = arith.constant 2 : i32
          %add3A_113 = arith.addi %add3A_83, %add3A_112 : i32
          %mul3A_114 = arith.constant 4608 : i32
          %mul3A_115 = arith.muli %add3A_113, %mul3A_114 : i32
          %dma_start3A_116 = tpu.memref_slice %arg9[%mul3A_115] : memref<147456xi32, #tpu.memory_space<vmem_shared>> -> memref<4608xi32, #tpu.memory_space<vmem_shared>>
          %dma_start3A_117 = tpu.memref_slice %arg9[%mul3A_115] : memref<147456xi32, #tpu.memory_space<vmem_shared>> -> memref<4608xi32, #tpu.memory_space<vmem_shared>>
          tpu.enqueue_dma source(%dma_start3A_117 : memref<4608xi32, #tpu.memory_space<vmem_shared>>) target(%arg7 : memref<4608xi32, #tpu.memory_space<vmem>>) target_semaphore(%arg10 : memref<!tpu.dma_semaphore, #tpu.memory_space<semaphore_mem>>)
        } else {
        }
        %mul3A_94 = arith.constant 2 : i32
        %mul3A_95 = arith.muli %mul3A_94, %scan3A_79 : i32
        %add3A_96 = arith.constant 1 : i32
        %add3A_97 = arith.addi %mul3A_95, %add3A_96 : i32
        %mul3A_98 = arith.constant 4608 : i32
        %mul3A_99 = arith.muli %add3A_97, %mul3A_98 : i32
        %dma_wait3A_100 = tpu.memref_slice %arg9[%mul3A_99] : memref<147456xi32, #tpu.memory_space<vmem_shared>> -> memref<4608xi32, #tpu.memory_space<vmem_shared>>
        %dma_wait3A_101 = tpu.memref_slice %arg9[%mul3A_99] : memref<147456xi32, #tpu.memory_space<vmem_shared>> -> memref<4608xi32, #tpu.memory_space<vmem_shared>>
        tpu.wait_dma2 semaphore(%arg11 : memref<!tpu.dma_semaphore, #tpu.memory_space<semaphore_mem>>) src(%dma_wait3A_101 : memref<4608xi32, #tpu.memory_space<vmem_shared>>) dst(%arg8 : memref<4608xi32, #tpu.memory_space<vmem>>)
        %parallel_loop3A_102 = arith.constant 0 : i32
        %parallel_loop3A_103 = arith.constant 72 : i32
        %parallel_loop3A_104 = arith.constant 1 : i32
        scf.for %parallel_loop3A_112 = %parallel_loop3A_102 to %parallel_loop3A_103 step %parallel_loop3A_104  : i32 {
          %parallel_loop3A_113 = arith.constant 16 : i32
          %parallel_loop3A_114 = arith.muli %parallel_loop3A_112, %parallel_loop3A_113 : i32
          %parallel_loop3A_115 = arith.constant 0 : i32
          %parallel_loop3A_116 = arith.addi %parallel_loop3A_115, %parallel_loop3A_114 : i32
          %parallel_loop3A_117 = arith.index_cast %parallel_loop3A_116 : i32 to index
          %parallel_loop3A_118 = tpu.vector_load %arg8[%parallel_loop3A_117] {strides = array<i32>} : memref<4608xi32, #tpu.memory_space<vmem>>, vector<16xi32>,
          %parallel_loop3A_119 = arith.constant 73728 : i32
          %parallel_loop3A_120 = vector.broadcast %parallel_loop3A_119 : i32 to vector<16xi32>
          %parallel_loop3A_121 = arith.cmpi slt, %parallel_loop3A_118, %parallel_loop3A_120 : vector<16xi32>
          %parallel_loop3A_122 = arith.constant 73727 : i32
          %parallel_loop3A_123 = vector.broadcast %parallel_loop3A_122 : i32 to vector<16xi32>
          %parallel_loop3A_124 = arith.minsi %parallel_loop3A_118, %parallel_loop3A_123 : vector<16xi32>
          %parallel_loop3A_125 = tpu.vector_load_idx %arg5[%parallel_loop3A_124] : memref<73728xf32, #tpu.memory_space<vmem>>[vector<16xi32>], vector<16xf32>,
          %parallel_loop3A_126 = arith.constant 0xFF800000 : f32
          %parallel_loop3A_127 = vector.broadcast %parallel_loop3A_126 : f32 to vector<16xf32>
          %parallel_loop3A_128 = arith.select %parallel_loop3A_121, %parallel_loop3A_125, %parallel_loop3A_127 : vector<16xi1>, vector<16xf32>
          %parallel_loop3A_129 = arith.constant 16 : i32
          %parallel_loop3A_130 = arith.muli %parallel_loop3A_112, %parallel_loop3A_129 : i32
          %parallel_loop3A_131 = arith.constant 1152 : i32
          %parallel_loop3A_132 = arith.addi %parallel_loop3A_131, %parallel_loop3A_130 : i32
          %parallel_loop3A_133 = arith.index_cast %parallel_loop3A_132 : i32 to index
          %parallel_loop3A_134 = tpu.vector_load %arg8[%parallel_loop3A_133] {strides = array<i32>} : memref<4608xi32, #tpu.memory_space<vmem>>, vector<16xi32>,
          %parallel_loop3A_135 = arith.constant 73728 : i32
          %parallel_loop3A_136 = vector.broadcast %parallel_loop3A_135 : i32 to vector<16xi32>
          %parallel_loop3A_137 = arith.cmpi slt, %parallel_loop3A_134, %parallel_loop3A_136 : vector<16xi32>
          %parallel_loop3A_138 = arith.constant 73727 : i32
          %parallel_loop3A_139 = vector.broadcast %parallel_loop3A_138 : i32 to vector<16xi32>
          %parallel_loop3A_140 = arith.minsi %parallel_loop3A_134, %parallel_loop3A_139 : vector<16xi32>
          %parallel_loop3A_141 = tpu.vector_load_idx %arg5[%parallel_loop3A_140] : memref<73728xf32, #tpu.memory_space<vmem>>[vector<16xi32>], vector<16xf32>,
          %parallel_loop3A_142 = arith.constant 0xFF800000 : f32
          %parallel_loop3A_143 = vector.broadcast %parallel_loop3A_142 : f32 to vector<16xf32>
          %parallel_loop3A_144 = arith.select %parallel_loop3A_137, %parallel_loop3A_141, %parallel_loop3A_143 : vector<16xi1>, vector<16xf32>
          %parallel_loop3A_145 = arith.maximumf %parallel_loop3A_128, %parallel_loop3A_144 : vector<16xf32>
          %parallel_loop3A_146 = arith.constant 16 : i32
          %parallel_loop3A_147 = arith.muli %parallel_loop3A_112, %parallel_loop3A_146 : i32
          %parallel_loop3A_148 = arith.constant 2304 : i32
          %parallel_loop3A_149 = arith.addi %parallel_loop3A_148, %parallel_loop3A_147 : i32
          %parallel_loop3A_150 = arith.index_cast %parallel_loop3A_149 : i32 to index
          %parallel_loop3A_151 = tpu.vector_load %arg8[%parallel_loop3A_150] {strides = array<i32>} : memref<4608xi32, #tpu.memory_space<vmem>>, vector<16xi32>,
          %parallel_loop3A_152 = arith.constant 73728 : i32
          %parallel_loop3A_153 = vector.broadcast %parallel_loop3A_152 : i32 to vector<16xi32>
          %parallel_loop3A_154 = arith.cmpi slt, %parallel_loop3A_151, %parallel_loop3A_153 : vector<16xi32>
          %parallel_loop3A_155 = arith.constant 73727 : i32
          %parallel_loop3A_156 = vector.broadcast %parallel_loop3A_155 : i32 to vector<16xi32>
          %parallel_loop3A_157 = arith.minsi %parallel_loop3A_151, %parallel_loop3A_156 : vector<16xi32>
          %parallel_loop3A_158 = tpu.vector_load_idx %arg5[%parallel_loop3A_157] : memref<73728xf32, #tpu.memory_space<vmem>>[vector<16xi32>], vector<16xf32>,
          %parallel_loop3A_159 = arith.constant 0xFF800000 : f32
          %parallel_loop3A_160 = vector.broadcast %parallel_loop3A_159 : f32 to vector<16xf32>
          %parallel_loop3A_161 = arith.select %parallel_loop3A_154, %parallel_loop3A_158, %parallel_loop3A_160 : vector<16xi1>, vector<16xf32>
          %parallel_loop3A_162 = arith.maximumf %parallel_loop3A_145, %parallel_loop3A_161 : vector<16xf32>
          %parallel_loop3A_163 = arith.constant 16 : i32
          %parallel_loop3A_164 = arith.muli %parallel_loop3A_112, %parallel_loop3A_163 : i32
          %parallel_loop3A_165 = arith.constant 3456 : i32
          %parallel_loop3A_166 = arith.addi %parallel_loop3A_165, %parallel_loop3A_164 : i32
          %parallel_loop3A_167 = arith.index_cast %parallel_loop3A_166 : i32 to index
          %parallel_loop3A_168 = tpu.vector_load %arg8[%parallel_loop3A_167] {strides = array<i32>} : memref<4608xi32, #tpu.memory_space<vmem>>, vector<16xi32>,
          %parallel_loop3A_169 = arith.constant 73728 : i32
          %parallel_loop3A_170 = vector.broadcast %parallel_loop3A_169 : i32 to vector<16xi32>
          %parallel_loop3A_171 = arith.cmpi slt, %parallel_loop3A_168, %parallel_loop3A_170 : vector<16xi32>
          %parallel_loop3A_172 = arith.constant 73727 : i32
          %parallel_loop3A_173 = vector.broadcast %parallel_loop3A_172 : i32 to vector<16xi32>
          %parallel_loop3A_174 = arith.minsi %parallel_loop3A_168, %parallel_loop3A_173 : vector<16xi32>
          %parallel_loop3A_175 = tpu.vector_load_idx %arg5[%parallel_loop3A_174] : memref<73728xf32, #tpu.memory_space<vmem>>[vector<16xi32>], vector<16xf32>,
          %parallel_loop3A_176 = arith.constant 0xFF800000 : f32
          %parallel_loop3A_177 = vector.broadcast %parallel_loop3A_176 : f32 to vector<16xf32>
          %parallel_loop3A_178 = arith.select %parallel_loop3A_171, %parallel_loop3A_175, %parallel_loop3A_177 : vector<16xi1>, vector<16xf32>
          %parallel_loop3A_179 = arith.maximumf %parallel_loop3A_162, %parallel_loop3A_178 : vector<16xf32>
          %parallel_loop3A_180 = arith.constant 1152 : i32
          %parallel_loop3A_181 = arith.muli %add3A_97, %parallel_loop3A_180 : i32
          %parallel_loop3A_182 = arith.constant 16 : i32
          %parallel_loop3A_183 = arith.muli %parallel_loop3A_112, %parallel_loop3A_182 : i32
          %parallel_loop3A_184 = arith.addi %parallel_loop3A_181, %parallel_loop3A_183 : i32
          %parallel_loop3A_185 = arith.index_cast %parallel_loop3A_184 : i32 to index
          %parallel_loop3A_186 = tpu.vector_load %arg6[%parallel_loop3A_185] {strides = array<i32>} : memref<36864xf32, #tpu.memory_space<vmem>>, vector<16xf32>,
          tpu.vector_store %arg6[%parallel_loop3A_185], %parallel_loop3A_179 {strides = array<i32>} : memref<36864xf32, #tpu.memory_space<vmem>>, vector<16xf32>,
        } {sc.loop_unroll_factor = 4 : i64, sc.parallel_access}
        %add3A_105 = arith.constant 2 : i32
        %add3A_106 = arith.addi %add3A_97, %add3A_105 : i32
        %lt3A_107 = arith.constant 32 : i32
        %lt3A_108 = arith.cmpi slt, %add3A_106, %lt3A_107 : i32
        %convert_element_type3A_109 = arith.extui %lt3A_108 : i1 to i32
        %cond3A_110 = arith.constant 0 : i32
        %cond3A_111 = arith.cmpi ne, %convert_element_type3A_109, %cond3A_110 : i32
        scf.if %cond3A_111 {
          %add3A_112 = arith.constant 2 : i32
          %add3A_113 = arith.addi %add3A_97, %add3A_112 : i32
          %mul3A_114 = arith.constant 4608 : i32
          %mul3A_115 = arith.muli %add3A_113, %mul3A_114 : i32
          %dma_start3A_116 = tpu.memref_slice %arg9[%mul3A_115] : memref<147456xi32, #tpu.memory_space<vmem_shared>> -> memref<4608xi32, #tpu.memory_space<vmem_shared>>
          %dma_start3A_117 = tpu.memref_slice %arg9[%mul3A_115] : memref<147456xi32, #tpu.memory_space<vmem_shared>> -> memref<4608xi32, #tpu.memory_space<vmem_shared>>
          tpu.enqueue_dma source(%dma_start3A_117 : memref<4608xi32, #tpu.memory_space<vmem_shared>>) target(%arg8 : memref<4608xi32, #tpu.memory_space<vmem>>) target_semaphore(%arg11 : memref<!tpu.dma_semaphore, #tpu.memory_space<semaphore_mem>>)
        } else {
        }
      }
      %scan3A_64 = arith.constant 16 : i32
      "tpu.region"() ({
        %run_scoped3A = tpu.sem_alloc : memref<!tpu.dma_semaphore, #tpu.memory_space<semaphore_mem>>
        %dma_start3A_79 = arith.constant 73728 : i32
        %dma_start3A_80 = tpu.memref_slice %arg2[%add3A_51, %dma_start3A_79] : memref<384x147456xf32, #tpu.memory_space<hbm>> -> memref<1x73728xf32, #tpu.memory_space<hbm>>
        %dma_start3A_81 = tpu.memref_squeeze %dma_start3A_80 : memref<1x73728xf32, #tpu.memory_space<hbm>> -> memref<73728xf32, #tpu.memory_space<hbm>>
        %dma_start3A_82 = arith.constant 73728 : i32
        %dma_start3A_83 = tpu.memref_slice %arg2[%add3A_51, %dma_start3A_82] : memref<384x147456xf32, #tpu.memory_space<hbm>> -> memref<1x73728xf32, #tpu.memory_space<hbm>>
        %dma_start3A_84 = tpu.memref_squeeze %dma_start3A_83 : memref<1x73728xf32, #tpu.memory_space<hbm>> -> memref<73728xf32, #tpu.memory_space<hbm>>
        tpu.enqueue_dma source(%dma_start3A_84 : memref<73728xf32, #tpu.memory_space<hbm>>) target(%arg5 : memref<73728xf32, #tpu.memory_space<vmem>>) target_semaphore(%run_scoped3A : memref<!tpu.dma_semaphore, #tpu.memory_space<semaphore_mem>>)
        %dma_wait3A = arith.constant 73728 : i32
        %dma_wait3A_85 = tpu.memref_slice %arg2[%add3A_51, %dma_wait3A] : memref<384x147456xf32, #tpu.memory_space<hbm>> -> memref<1x73728xf32, #tpu.memory_space<hbm>>
        %dma_wait3A_86 = tpu.memref_squeeze %dma_wait3A_85 : memref<1x73728xf32, #tpu.memory_space<hbm>> -> memref<73728xf32, #tpu.memory_space<hbm>>
        %dma_wait3A_87 = arith.constant 73728 : i32
        %dma_wait3A_88 = tpu.memref_slice %arg2[%add3A_51, %dma_wait3A_87] : memref<384x147456xf32, #tpu.memory_space<hbm>> -> memref<1x73728xf32, #tpu.memory_space<hbm>>
        %dma_wait3A_89 = tpu.memref_squeeze %dma_wait3A_88 : memref<1x73728xf32, #tpu.memory_space<hbm>> -> memref<73728xf32, #tpu.memory_space<hbm>>
        tpu.wait_dma2 semaphore(%run_scoped3A : memref<!tpu.dma_semaphore, #tpu.memory_space<semaphore_mem>>) src(%dma_wait3A_89 : memref<73728xf32, #tpu.memory_space<hbm>>) dst(%arg5 : memref<73728xf32, #tpu.memory_space<vmem>>)
        tpu.yield
      }) : () -> ()
      %dma_start3A_65 = arith.constant 0 : i32
      %dma_start3A_66 = tpu.memref_slice %arg9[%dma_start3A_65] : memref<147456xi32, #tpu.memory_space<vmem_shared>> -> memref<4608xi32, #tpu.memory_space<vmem_shared>>
      %dma_start3A_67 = arith.constant 0 : i32
      %dma_start3A_68 = tpu.memref_slice %arg9[%dma_start3A_67] : memref<147456xi32, #tpu.memory_space<vmem_shared>> -> memref<4608xi32, #tpu.memory_space<vmem_shared>>
      tpu.enqueue_dma source(%dma_start3A_68 : memref<4608xi32, #tpu.memory_space<vmem_shared>>) target(%arg7 : memref<4608xi32, #tpu.memory_space<vmem>>) target_semaphore(%arg10 : memref<!tpu.dma_semaphore, #tpu.memory_space<semaphore_mem>>)
      %dma_start3A_69 = arith.constant 4608 : i32
      %dma_start3A_70 = tpu.memref_slice %arg9[%dma_start3A_69] : memref<147456xi32, #tpu.memory_space<vmem_shared>> -> memref<4608xi32, #tpu.memory_space<vmem_shared>>
      %dma_start3A_71 = arith.constant 4608 : i32
      %dma_start3A_72 = tpu.memref_slice %arg9[%dma_start3A_71] : memref<147456xi32, #tpu.memory_space<vmem_shared>> -> memref<4608xi32, #tpu.memory_space<vmem_shared>>
      tpu.enqueue_dma source(%dma_start3A_72 : memref<4608xi32, #tpu.memory_space<vmem_shared>>) target(%arg8 : memref<4608xi32, #tpu.memory_space<vmem>>) target_semaphore(%arg11 : memref<!tpu.dma_semaphore, #tpu.memory_space<semaphore_mem>>)
      %scan3A_73 = arith.constant 0 : i32
      %scan3A_74 = arith.constant 0 : i32
      %scan3A_75 = arith.constant 16 : i32
      %scan3A_76 = arith.addi %scan3A_74, %scan3A_75 : i32
      %scan3A_77 = arith.constant 1 : i32
      scf.for %scan3A_79 = %scan3A_74 to %scan3A_76 step %scan3A_77  : i32 {
        %mul3A_80 = arith.constant 2 : i32
        %mul3A_81 = arith.muli %mul3A_80, %scan3A_79 : i32
        %add3A_82 = arith.constant 0 : i32
        %add3A_83 = arith.addi %mul3A_81, %add3A_82 : i32
        %mul3A_84 = arith.constant 4608 : i32
        %mul3A_85 = arith.muli %add3A_83, %mul3A_84 : i32
        %dma_wait3A = tpu.memref_slice %arg9[%mul3A_85] : memref<147456xi32, #tpu.memory_space<vmem_shared>> -> memref<4608xi32, #tpu.memory_space<vmem_shared>>
        %dma_wait3A_86 = tpu.memref_slice %arg9[%mul3A_85] : memref<147456xi32, #tpu.memory_space<vmem_shared>> -> memref<4608xi32, #tpu.memory_space<vmem_shared>>
        tpu.wait_dma2 semaphore(%arg10 : memref<!tpu.dma_semaphore, #tpu.memory_space<semaphore_mem>>) src(%dma_wait3A_86 : memref<4608xi32, #tpu.memory_space<vmem_shared>>) dst(%arg7 : memref<4608xi32, #tpu.memory_space<vmem>>)
        %parallel_loop3A_87 = arith.constant 0 : i32
        %parallel_loop3A_88 = arith.constant 72 : i32
        %parallel_loop3A_89 = arith.constant 1 : i32
        scf.for %parallel_loop3A_112 = %parallel_loop3A_87 to %parallel_loop3A_88 step %parallel_loop3A_89  : i32 {
          %parallel_loop3A_113 = arith.constant 16 : i32
          %parallel_loop3A_114 = arith.muli %parallel_loop3A_112, %parallel_loop3A_113 : i32
          %parallel_loop3A_115 = arith.constant 0 : i32
          %parallel_loop3A_116 = arith.addi %parallel_loop3A_115, %parallel_loop3A_114 : i32
          %parallel_loop3A_117 = arith.index_cast %parallel_loop3A_116 : i32 to index
          %parallel_loop3A_118 = tpu.vector_load %arg7[%parallel_loop3A_117] {strides = array<i32>} : memref<4608xi32, #tpu.memory_space<vmem>>, vector<16xi32>,
          %parallel_loop3A_119 = arith.constant 73728 : i32
          %parallel_loop3A_120 = vector.broadcast %parallel_loop3A_119 : i32 to vector<16xi32>
          %parallel_loop3A_121 = arith.subi %parallel_loop3A_118, %parallel_loop3A_120 : vector<16xi32>
          %parallel_loop3A_122 = arith.constant 0 : i32
          %parallel_loop3A_123 = vector.broadcast %parallel_loop3A_122 : i32 to vector<16xi32>
          %parallel_loop3A_124 = arith.cmpi sge, %parallel_loop3A_121, %parallel_loop3A_123 : vector<16xi32>
          %parallel_loop3A_125 = arith.constant 0 : i32
          %parallel_loop3A_126 = vector.broadcast %parallel_loop3A_125 : i32 to vector<16xi32>
          %parallel_loop3A_127 = arith.maxsi %parallel_loop3A_121, %parallel_loop3A_126 : vector<16xi32>
          %parallel_loop3A_128 = tpu.vector_load_idx %arg5[%parallel_loop3A_127] : memref<73728xf32, #tpu.memory_space<vmem>>[vector<16xi32>], vector<16xf32>,
          %parallel_loop3A_129 = arith.constant 0xFF800000 : f32
          %parallel_loop3A_130 = vector.broadcast %parallel_loop3A_129 : f32 to vector<16xf32>
          %parallel_loop3A_131 = arith.select %parallel_loop3A_124, %parallel_loop3A_128, %parallel_loop3A_130 : vector<16xi1>, vector<16xf32>
          %parallel_loop3A_132 = arith.constant 16 : i32
          %parallel_loop3A_133 = arith.muli %parallel_loop3A_112, %parallel_loop3A_132 : i32
          %parallel_loop3A_134 = arith.constant 1152 : i32
          %parallel_loop3A_135 = arith.addi %parallel_loop3A_134, %parallel_loop3A_133 : i32
          %parallel_loop3A_136 = arith.index_cast %parallel_loop3A_135 : i32 to index
          %parallel_loop3A_137 = tpu.vector_load %arg7[%parallel_loop3A_136] {strides = array<i32>} : memref<4608xi32, #tpu.memory_space<vmem>>, vector<16xi32>,
          %parallel_loop3A_138 = arith.constant 73728 : i32
          %parallel_loop3A_139 = vector.broadcast %parallel_loop3A_138 : i32 to vector<16xi32>
          %parallel_loop3A_140 = arith.subi %parallel_loop3A_137, %parallel_loop3A_139 : vector<16xi32>
          %parallel_loop3A_141 = arith.constant 0 : i32
          %parallel_loop3A_142 = vector.broadcast %parallel_loop3A_141 : i32 to vector<16xi32>
          %parallel_loop3A_143 = arith.cmpi sge, %parallel_loop3A_140, %parallel_loop3A_142 : vector<16xi32>
          %parallel_loop3A_144 = arith.constant 0 : i32
          %parallel_loop3A_145 = vector.broadcast %parallel_loop3A_144 : i32 to vector<16xi32>
          %parallel_loop3A_146 = arith.maxsi %parallel_loop3A_140, %parallel_loop3A_145 : vector<16xi32>
          %parallel_loop3A_147 = tpu.vector_load_idx %arg5[%parallel_loop3A_146] : memref<73728xf32, #tpu.memory_space<vmem>>[vector<16xi32>], vector<16xf32>,
          %parallel_loop3A_148 = arith.constant 0xFF800000 : f32
          %parallel_loop3A_149 = vector.broadcast %parallel_loop3A_148 : f32 to vector<16xf32>
          %parallel_loop3A_150 = arith.select %parallel_loop3A_143, %parallel_loop3A_147, %parallel_loop3A_149 : vector<16xi1>, vector<16xf32>
          %parallel_loop3A_151 = arith.maximumf %parallel_loop3A_131, %parallel_loop3A_150 : vector<16xf32>
          %parallel_loop3A_152 = arith.constant 16 : i32
          %parallel_loop3A_153 = arith.muli %parallel_loop3A_112, %parallel_loop3A_152 : i32
          %parallel_loop3A_154 = arith.constant 2304 : i32
          %parallel_loop3A_155 = arith.addi %parallel_loop3A_154, %parallel_loop3A_153 : i32
          %parallel_loop3A_156 = arith.index_cast %parallel_loop3A_155 : i32 to index
          %parallel_loop3A_157 = tpu.vector_load %arg7[%parallel_loop3A_156] {strides = array<i32>} : memref<4608xi32, #tpu.memory_space<vmem>>, vector<16xi32>,
          %parallel_loop3A_158 = arith.constant 73728 : i32
          %parallel_loop3A_159 = vector.broadcast %parallel_loop3A_158 : i32 to vector<16xi32>
          %parallel_loop3A_160 = arith.subi %parallel_loop3A_157, %parallel_loop3A_159 : vector<16xi32>
          %parallel_loop3A_161 = arith.constant 0 : i32
          %parallel_loop3A_162 = vector.broadcast %parallel_loop3A_161 : i32 to vector<16xi32>
          %parallel_loop3A_163 = arith.cmpi sge, %parallel_loop3A_160, %parallel_loop3A_162 : vector<16xi32>
          %parallel_loop3A_164 = arith.constant 0 : i32
          %parallel_loop3A_165 = vector.broadcast %parallel_loop3A_164 : i32 to vector<16xi32>
          %parallel_loop3A_166 = arith.maxsi %parallel_loop3A_160, %parallel_loop3A_165 : vector<16xi32>
          %parallel_loop3A_167 = tpu.vector_load_idx %arg5[%parallel_loop3A_166] : memref<73728xf32, #tpu.memory_space<vmem>>[vector<16xi32>], vector<16xf32>,
          %parallel_loop3A_168 = arith.constant 0xFF800000 : f32
          %parallel_loop3A_169 = vector.broadcast %parallel_loop3A_168 : f32 to vector<16xf32>
          %parallel_loop3A_170 = arith.select %parallel_loop3A_163, %parallel_loop3A_167, %parallel_loop3A_169 : vector<16xi1>, vector<16xf32>
          %parallel_loop3A_171 = arith.maximumf %parallel_loop3A_151, %parallel_loop3A_170 : vector<16xf32>
          %parallel_loop3A_172 = arith.constant 16 : i32
          %parallel_loop3A_173 = arith.muli %parallel_loop3A_112, %parallel_loop3A_172 : i32
          %parallel_loop3A_174 = arith.constant 3456 : i32
          %parallel_loop3A_175 = arith.addi %parallel_loop3A_174, %parallel_loop3A_173 : i32
          %parallel_loop3A_176 = arith.index_cast %parallel_loop3A_175 : i32 to index
          %parallel_loop3A_177 = tpu.vector_load %arg7[%parallel_loop3A_176] {strides = array<i32>} : memref<4608xi32, #tpu.memory_space<vmem>>, vector<16xi32>,
          %parallel_loop3A_178 = arith.constant 73728 : i32
          %parallel_loop3A_179 = vector.broadcast %parallel_loop3A_178 : i32 to vector<16xi32>
          %parallel_loop3A_180 = arith.subi %parallel_loop3A_177, %parallel_loop3A_179 : vector<16xi32>
          %parallel_loop3A_181 = arith.constant 0 : i32
          %parallel_loop3A_182 = vector.broadcast %parallel_loop3A_181 : i32 to vector<16xi32>
          %parallel_loop3A_183 = arith.cmpi sge, %parallel_loop3A_180, %parallel_loop3A_182 : vector<16xi32>
          %parallel_loop3A_184 = arith.constant 0 : i32
          %parallel_loop3A_185 = vector.broadcast %parallel_loop3A_184 : i32 to vector<16xi32>
          %parallel_loop3A_186 = arith.maxsi %parallel_loop3A_180, %parallel_loop3A_185 : vector<16xi32>
          %parallel_loop3A_187 = tpu.vector_load_idx %arg5[%parallel_loop3A_186] : memref<73728xf32, #tpu.memory_space<vmem>>[vector<16xi32>], vector<16xf32>,
          %parallel_loop3A_188 = arith.constant 0xFF800000 : f32
          %parallel_loop3A_189 = vector.broadcast %parallel_loop3A_188 : f32 to vector<16xf32>
          %parallel_loop3A_190 = arith.select %parallel_loop3A_183, %parallel_loop3A_187, %parallel_loop3A_189 : vector<16xi1>, vector<16xf32>
          %parallel_loop3A_191 = arith.maximumf %parallel_loop3A_171, %parallel_loop3A_190 : vector<16xf32>
          %parallel_loop3A_192 = arith.constant 1152 : i32
          %parallel_loop3A_193 = arith.muli %add3A_83, %parallel_loop3A_192 : i32
          %parallel_loop3A_194 = arith.constant 16 : i32
          %parallel_loop3A_195 = arith.muli %parallel_loop3A_112, %parallel_loop3A_194 : i32
          %parallel_loop3A_196 = arith.addi %parallel_loop3A_193, %parallel_loop3A_195 : i32
          %parallel_loop3A_197 = arith.index_cast %parallel_loop3A_196 : i32 to index
          %parallel_loop3A_198 = tpu.vector_load %arg6[%parallel_loop3A_197] {strides = array<i32>} : memref<36864xf32, #tpu.memory_space<vmem>>, vector<16xf32>,
          %parallel_loop3A_199 = arith.maximumf %parallel_loop3A_198, %parallel_loop3A_191 : vector<16xf32>
          %parallel_loop3A_200 = arith.index_cast %parallel_loop3A_196 : i32 to index
          %parallel_loop3A_201 = tpu.vector_load %arg6[%parallel_loop3A_200] {strides = array<i32>} : memref<36864xf32, #tpu.memory_space<vmem>>, vector<16xf32>,
          tpu.vector_store %arg6[%parallel_loop3A_200], %parallel_loop3A_199 {strides = array<i32>} : memref<36864xf32, #tpu.memory_space<vmem>>, vector<16xf32>,
        } {sc.loop_unroll_factor = 4 : i64, sc.parallel_access}
        %add3A_90 = arith.constant 2 : i32
        %add3A_91 = arith.addi %add3A_83, %add3A_90 : i32
        %lt3A = arith.constant 32 : i32
        %lt3A_92 = arith.cmpi slt, %add3A_91, %lt3A : i32
        %convert_element_type3A = arith.extui %lt3A_92 : i1 to i32
        %cond3A = arith.constant 0 : i32
        %cond3A_93 = arith.cmpi ne, %convert_element_type3A, %cond3A : i32
        scf.if %cond3A_93 {
          %add3A_112 = arith.constant 2 : i32
          %add3A_113 = arith.addi %add3A_83, %add3A_112 : i32
          %mul3A_114 = arith.constant 4608 : i32
          %mul3A_115 = arith.muli %add3A_113, %mul3A_114 : i32
          %dma_start3A_116 = tpu.memref_slice %arg9[%mul3A_115] : memref<147456xi32, #tpu.memory_space<vmem_shared>> -> memref<4608xi32, #tpu.memory_space<vmem_shared>>
          %dma_start3A_117 = tpu.memref_slice %arg9[%mul3A_115] : memref<147456xi32, #tpu.memory_space<vmem_shared>> -> memref<4608xi32, #tpu.memory_space<vmem_shared>>
          tpu.enqueue_dma source(%dma_start3A_117 : memref<4608xi32, #tpu.memory_space<vmem_shared>>) target(%arg7 : memref<4608xi32, #tpu.memory_space<vmem>>) target_semaphore(%arg10 : memref<!tpu.dma_semaphore, #tpu.memory_space<semaphore_mem>>)
        } else {
        }
        %mul3A_94 = arith.constant 2 : i32
        %mul3A_95 = arith.muli %mul3A_94, %scan3A_79 : i32
        %add3A_96 = arith.constant 1 : i32
        %add3A_97 = arith.addi %mul3A_95, %add3A_96 : i32
        %mul3A_98 = arith.constant 4608 : i32
        %mul3A_99 = arith.muli %add3A_97, %mul3A_98 : i32
        %dma_wait3A_100 = tpu.memref_slice %arg9[%mul3A_99] : memref<147456xi32, #tpu.memory_space<vmem_shared>> -> memref<4608xi32, #tpu.memory_space<vmem_shared>>
        %dma_wait3A_101 = tpu.memref_slice %arg9[%mul3A_99] : memref<147456xi32, #tpu.memory_space<vmem_shared>> -> memref<4608xi32, #tpu.memory_space<vmem_shared>>
        tpu.wait_dma2 semaphore(%arg11 : memref<!tpu.dma_semaphore, #tpu.memory_space<semaphore_mem>>) src(%dma_wait3A_101 : memref<4608xi32, #tpu.memory_space<vmem_shared>>) dst(%arg8 : memref<4608xi32, #tpu.memory_space<vmem>>)
        %parallel_loop3A_102 = arith.constant 0 : i32
        %parallel_loop3A_103 = arith.constant 72 : i32
        %parallel_loop3A_104 = arith.constant 1 : i32
        scf.for %parallel_loop3A_112 = %parallel_loop3A_102 to %parallel_loop3A_103 step %parallel_loop3A_104  : i32 {
          %parallel_loop3A_113 = arith.constant 16 : i32
          %parallel_loop3A_114 = arith.muli %parallel_loop3A_112, %parallel_loop3A_113 : i32
          %parallel_loop3A_115 = arith.constant 0 : i32
          %parallel_loop3A_116 = arith.addi %parallel_loop3A_115, %parallel_loop3A_114 : i32
          %parallel_loop3A_117 = arith.index_cast %parallel_loop3A_116 : i32 to index
          %parallel_loop3A_118 = tpu.vector_load %arg8[%parallel_loop3A_117] {strides = array<i32>} : memref<4608xi32, #tpu.memory_space<vmem>>, vector<16xi32>,
          %parallel_loop3A_119 = arith.constant 73728 : i32
          %parallel_loop3A_120 = vector.broadcast %parallel_loop3A_119 : i32 to vector<16xi32>
          %parallel_loop3A_121 = arith.subi %parallel_loop3A_118, %parallel_loop3A_120 : vector<16xi32>
          %parallel_loop3A_122 = arith.constant 0 : i32
          %parallel_loop3A_123 = vector.broadcast %parallel_loop3A_122 : i32 to vector<16xi32>
          %parallel_loop3A_124 = arith.cmpi sge, %parallel_loop3A_121, %parallel_loop3A_123 : vector<16xi32>
          %parallel_loop3A_125 = arith.constant 0 : i32
          %parallel_loop3A_126 = vector.broadcast %parallel_loop3A_125 : i32 to vector<16xi32>
          %parallel_loop3A_127 = arith.maxsi %parallel_loop3A_121, %parallel_loop3A_126 : vector<16xi32>
          %parallel_loop3A_128 = tpu.vector_load_idx %arg5[%parallel_loop3A_127] : memref<73728xf32, #tpu.memory_space<vmem>>[vector<16xi32>], vector<16xf32>,
          %parallel_loop3A_129 = arith.constant 0xFF800000 : f32
          %parallel_loop3A_130 = vector.broadcast %parallel_loop3A_129 : f32 to vector<16xf32>
          %parallel_loop3A_131 = arith.select %parallel_loop3A_124, %parallel_loop3A_128, %parallel_loop3A_130 : vector<16xi1>, vector<16xf32>
          %parallel_loop3A_132 = arith.constant 16 : i32
          %parallel_loop3A_133 = arith.muli %parallel_loop3A_112, %parallel_loop3A_132 : i32
          %parallel_loop3A_134 = arith.constant 1152 : i32
          %parallel_loop3A_135 = arith.addi %parallel_loop3A_134, %parallel_loop3A_133 : i32
          %parallel_loop3A_136 = arith.index_cast %parallel_loop3A_135 : i32 to index
          %parallel_loop3A_137 = tpu.vector_load %arg8[%parallel_loop3A_136] {strides = array<i32>} : memref<4608xi32, #tpu.memory_space<vmem>>, vector<16xi32>,
          %parallel_loop3A_138 = arith.constant 73728 : i32
          %parallel_loop3A_139 = vector.broadcast %parallel_loop3A_138 : i32 to vector<16xi32>
          %parallel_loop3A_140 = arith.subi %parallel_loop3A_137, %parallel_loop3A_139 : vector<16xi32>
          %parallel_loop3A_141 = arith.constant 0 : i32
          %parallel_loop3A_142 = vector.broadcast %parallel_loop3A_141 : i32 to vector<16xi32>
          %parallel_loop3A_143 = arith.cmpi sge, %parallel_loop3A_140, %parallel_loop3A_142 : vector<16xi32>
          %parallel_loop3A_144 = arith.constant 0 : i32
          %parallel_loop3A_145 = vector.broadcast %parallel_loop3A_144 : i32 to vector<16xi32>
          %parallel_loop3A_146 = arith.maxsi %parallel_loop3A_140, %parallel_loop3A_145 : vector<16xi32>
          %parallel_loop3A_147 = tpu.vector_load_idx %arg5[%parallel_loop3A_146] : memref<73728xf32, #tpu.memory_space<vmem>>[vector<16xi32>], vector<16xf32>,
          %parallel_loop3A_148 = arith.constant 0xFF800000 : f32
          %parallel_loop3A_149 = vector.broadcast %parallel_loop3A_148 : f32 to vector<16xf32>
          %parallel_loop3A_150 = arith.select %parallel_loop3A_143, %parallel_loop3A_147, %parallel_loop3A_149 : vector<16xi1>, vector<16xf32>
          %parallel_loop3A_151 = arith.maximumf %parallel_loop3A_131, %parallel_loop3A_150 : vector<16xf32>
          %parallel_loop3A_152 = arith.constant 16 : i32
          %parallel_loop3A_153 = arith.muli %parallel_loop3A_112, %parallel_loop3A_152 : i32
          %parallel_loop3A_154 = arith.constant 2304 : i32
          %parallel_loop3A_155 = arith.addi %parallel_loop3A_154, %parallel_loop3A_153 : i32
          %parallel_loop3A_156 = arith.index_cast %parallel_loop3A_155 : i32 to index
          %parallel_loop3A_157 = tpu.vector_load %arg8[%parallel_loop3A_156] {strides = array<i32>} : memref<4608xi32, #tpu.memory_space<vmem>>, vector<16xi32>,
          %parallel_loop3A_158 = arith.constant 73728 : i32
          %parallel_loop3A_159 = vector.broadcast %parallel_loop3A_158 : i32 to vector<16xi32>
          %parallel_loop3A_160 = arith.subi %parallel_loop3A_157, %parallel_loop3A_159 : vector<16xi32>
          %parallel_loop3A_161 = arith.constant 0 : i32
          %parallel_loop3A_162 = vector.broadcast %parallel_loop3A_161 : i32 to vector<16xi32>
          %parallel_loop3A_163 = arith.cmpi sge, %parallel_loop3A_160, %parallel_loop3A_162 : vector<16xi32>
          %parallel_loop3A_164 = arith.constant 0 : i32
          %parallel_loop3A_165 = vector.broadcast %parallel_loop3A_164 : i32 to vector<16xi32>
          %parallel_loop3A_166 = arith.maxsi %parallel_loop3A_160, %parallel_loop3A_165 : vector<16xi32>
          %parallel_loop3A_167 = tpu.vector_load_idx %arg5[%parallel_loop3A_166] : memref<73728xf32, #tpu.memory_space<vmem>>[vector<16xi32>], vector<16xf32>,
          %parallel_loop3A_168 = arith.constant 0xFF800000 : f32
          %parallel_loop3A_169 = vector.broadcast %parallel_loop3A_168 : f32 to vector<16xf32>
          %parallel_loop3A_170 = arith.select %parallel_loop3A_163, %parallel_loop3A_167, %parallel_loop3A_169 : vector<16xi1>, vector<16xf32>
          %parallel_loop3A_171 = arith.maximumf %parallel_loop3A_151, %parallel_loop3A_170 : vector<16xf32>
          %parallel_loop3A_172 = arith.constant 16 : i32
          %parallel_loop3A_173 = arith.muli %parallel_loop3A_112, %parallel_loop3A_172 : i32
          %parallel_loop3A_174 = arith.constant 3456 : i32
          %parallel_loop3A_175 = arith.addi %parallel_loop3A_174, %parallel_loop3A_173 : i32
          %parallel_loop3A_176 = arith.index_cast %parallel_loop3A_175 : i32 to index
          %parallel_loop3A_177 = tpu.vector_load %arg8[%parallel_loop3A_176] {strides = array<i32>} : memref<4608xi32, #tpu.memory_space<vmem>>, vector<16xi32>,
          %parallel_loop3A_178 = arith.constant 73728 : i32
          %parallel_loop3A_179 = vector.broadcast %parallel_loop3A_178 : i32 to vector<16xi32>
          %parallel_loop3A_180 = arith.subi %parallel_loop3A_177, %parallel_loop3A_179 : vector<16xi32>
          %parallel_loop3A_181 = arith.constant 0 : i32
          %parallel_loop3A_182 = vector.broadcast %parallel_loop3A_181 : i32 to vector<16xi32>
          %parallel_loop3A_183 = arith.cmpi sge, %parallel_loop3A_180, %parallel_loop3A_182 : vector<16xi32>
          %parallel_loop3A_184 = arith.constant 0 : i32
          %parallel_loop3A_185 = vector.broadcast %parallel_loop3A_184 : i32 to vector<16xi32>
          %parallel_loop3A_186 = arith.maxsi %parallel_loop3A_180, %parallel_loop3A_185 : vector<16xi32>
          %parallel_loop3A_187 = tpu.vector_load_idx %arg5[%parallel_loop3A_186] : memref<73728xf32, #tpu.memory_space<vmem>>[vector<16xi32>], vector<16xf32>,
          %parallel_loop3A_188 = arith.constant 0xFF800000 : f32
          %parallel_loop3A_189 = vector.broadcast %parallel_loop3A_188 : f32 to vector<16xf32>
          %parallel_loop3A_190 = arith.select %parallel_loop3A_183, %parallel_loop3A_187, %parallel_loop3A_189 : vector<16xi1>, vector<16xf32>
          %parallel_loop3A_191 = arith.maximumf %parallel_loop3A_171, %parallel_loop3A_190 : vector<16xf32>
          %parallel_loop3A_192 = arith.constant 1152 : i32
          %parallel_loop3A_193 = arith.muli %add3A_97, %parallel_loop3A_192 : i32
          %parallel_loop3A_194 = arith.constant 16 : i32
          %parallel_loop3A_195 = arith.muli %parallel_loop3A_112, %parallel_loop3A_194 : i32
          %parallel_loop3A_196 = arith.addi %parallel_loop3A_193, %parallel_loop3A_195 : i32
          %parallel_loop3A_197 = arith.index_cast %parallel_loop3A_196 : i32 to index
          %parallel_loop3A_198 = tpu.vector_load %arg6[%parallel_loop3A_197] {strides = array<i32>} : memref<36864xf32, #tpu.memory_space<vmem>>, vector<16xf32>,
          %parallel_loop3A_199 = arith.maximumf %parallel_loop3A_198, %parallel_loop3A_191 : vector<16xf32>
          %parallel_loop3A_200 = arith.index_cast %parallel_loop3A_196 : i32 to index
          %parallel_loop3A_201 = tpu.vector_load %arg6[%parallel_loop3A_200] {strides = array<i32>} : memref<36864xf32, #tpu.memory_space<vmem>>, vector<16xf32>,
          tpu.vector_store %arg6[%parallel_loop3A_200], %parallel_loop3A_199 {strides = array<i32>} : memref<36864xf32, #tpu.memory_space<vmem>>, vector<16xf32>,
        } {sc.loop_unroll_factor = 4 : i64, sc.parallel_access}
        %add3A_105 = arith.constant 2 : i32
        %add3A_106 = arith.addi %add3A_97, %add3A_105 : i32
        %lt3A_107 = arith.constant 32 : i32
        %lt3A_108 = arith.cmpi slt, %add3A_106, %lt3A_107 : i32
        %convert_element_type3A_109 = arith.extui %lt3A_108 : i1 to i32
        %cond3A_110 = arith.constant 0 : i32
        %cond3A_111 = arith.cmpi ne, %convert_element_type3A_109, %cond3A_110 : i32
        scf.if %cond3A_111 {
          %add3A_112 = arith.constant 2 : i32
          %add3A_113 = arith.addi %add3A_97, %add3A_112 : i32
          %mul3A_114 = arith.constant 4608 : i32
          %mul3A_115 = arith.muli %add3A_113, %mul3A_114 : i32
          %dma_start3A_116 = tpu.memref_slice %arg9[%mul3A_115] : memref<147456xi32, #tpu.memory_space<vmem_shared>> -> memref<4608xi32, #tpu.memory_space<vmem_shared>>
          %dma_start3A_117 = tpu.memref_slice %arg9[%mul3A_115] : memref<147456xi32, #tpu.memory_space<vmem_shared>> -> memref<4608xi32, #tpu.memory_space<vmem_shared>>
          tpu.enqueue_dma source(%dma_start3A_117 : memref<4608xi32, #tpu.memory_space<vmem_shared>>) target(%arg8 : memref<4608xi32, #tpu.memory_space<vmem>>) target_semaphore(%arg11 : memref<!tpu.dma_semaphore, #tpu.memory_space<semaphore_mem>>)
        } else {
        }
      }
      %scan3A_78 = arith.constant 16 : i32
      "tpu.region"() ({
        %run_scoped3A = tpu.sem_alloc : memref<!tpu.dma_semaphore, #tpu.memory_space<semaphore_mem>>
        %dma_start3A_79 = arith.constant 0 : i32
        %dma_start3A_80 = tpu.memref_slice %arg4[%add3A_51, %dma_start3A_79] : memref<384x36864xf32, #tpu.memory_space<hbm>> -> memref<1x36864xf32, #tpu.memory_space<hbm>>
        %dma_start3A_81 = tpu.memref_squeeze %dma_start3A_80 : memref<1x36864xf32, #tpu.memory_space<hbm>> -> memref<36864xf32, #tpu.memory_space<hbm>>
        %dma_start3A_82 = arith.constant 0 : i32
        %dma_start3A_83 = tpu.memref_slice %arg4[%add3A_51, %dma_start3A_82] : memref<384x36864xf32, #tpu.memory_space<hbm>> -> memref<1x36864xf32, #tpu.memory_space<hbm>>
        %dma_start3A_84 = tpu.memref_squeeze %dma_start3A_83 : memref<1x36864xf32, #tpu.memory_space<hbm>> -> memref<36864xf32, #tpu.memory_space<hbm>>
        tpu.enqueue_dma source(%arg6 : memref<36864xf32, #tpu.memory_space<vmem>>) target(%dma_start3A_84 : memref<36864xf32, #tpu.memory_space<hbm>>) target_semaphore(%run_scoped3A : memref<!tpu.dma_semaphore, #tpu.memory_space<semaphore_mem>>)
        %dma_wait3A = arith.constant 0 : i32
        %dma_wait3A_85 = tpu.memref_slice %arg4[%add3A_51, %dma_wait3A] : memref<384x36864xf32, #tpu.memory_space<hbm>> -> memref<1x36864xf32, #tpu.memory_space<hbm>>
        %dma_wait3A_86 = tpu.memref_squeeze %dma_wait3A_85 : memref<1x36864xf32, #tpu.memory_space<hbm>> -> memref<36864xf32, #tpu.memory_space<hbm>>
        %dma_wait3A_87 = arith.constant 0 : i32
        %dma_wait3A_88 = tpu.memref_slice %arg4[%add3A_51, %dma_wait3A_87] : memref<384x36864xf32, #tpu.memory_space<hbm>> -> memref<1x36864xf32, #tpu.memory_space<hbm>>
        %dma_wait3A_89 = tpu.memref_squeeze %dma_wait3A_88 : memref<1x36864xf32, #tpu.memory_space<hbm>> -> memref<36864xf32, #tpu.memory_space<hbm>>
        tpu.wait_dma2 semaphore(%run_scoped3A : memref<!tpu.dma_semaphore, #tpu.memory_space<semaphore_mem>>) src(%arg6 : memref<36864xf32, #tpu.memory_space<vmem>>) dst(%dma_wait3A_89 : memref<36864xf32, #tpu.memory_space<hbm>>)
        tpu.yield
      }) : () -> ()
    }
    %scan3A_47 = arith.constant 12 : i32
    return
  }
}

</mosaic_0001>

<sc_bundles>
// kernel: kernel.3.cloned.1.call-start
scs
__scs_entry_jumppad:
0x0: {  	(pc) =	sbr.rel $0x88, $3  }
0x1: {  	(tag) =	ssettag $0x0;
	lr =	simm.s32 $0x1  }
0x2: {  	[smem:$0x3F9F] =	sst lr;
	_ =	strace $0xD0000000  }
0x3: {  	_ = 	snop  }
0x4: {  	_ = 	snop  }
0x5: {  	_ = 	snop  }
0x6: {  	_ = 	snop  }
0x7: {  	_ = 	snop  }
__scs_overlays_trampoline_lowered:
0x8: {  	[smem:$0x3FAE] =	sst s0  }
0x9: {  	[smem:$0x3FAF] =	sst s1  }
0xa: {  	[smem:$0x3FB0] =	sst s2  }
0xb: {  	[smem:$0x3FB1] =	sst s3  }
0xc: {  	[smem:$0x3FB2] =	sst s4  }
0xd: {  	[smem:$0x3FB3] =	sst s5  }
0xe: {  	[smem:$0x3FB4] =	sst s6  }
0xf: {  	[smem:$0x3FB5] =	sst s7  }
0x10: {  	[smem:$0x3FB6] =	sst s8  }
0x11: {  	[smem:$0x3FB7] =	sst s9;
	s0 =	simm.s32 @!p0 $0x0  }
0x12: {  	s1 =	sld [smem:$0x3F9D];
	s0 =	simm.s32 @p0 $0x1  }
0x13: {  	[smem:$0x3FB8] =	sst s0;
	s0 =	simm.s32 @!p1 $0x0  }
0x14: {  	s2 =	sld [smem:$0x3F9C];
	s0 =	simm.s32 @p1 $0x1  }
0x15: {  	[smem:$0x3FB9] =	sst s0;
	s0 =	simm.s32 @!p2 $0x0  }
0x16: {  	s3 =	sld [smem:$0x3FDB];
	s0 =	simm.s32 @p2 $0x1  }
0x17: {  	s4 =	simm.s32 $0x1BF5;
	[smem:$0x3FBB] =	sst s0  }
0x18: {  	s0 =	sld [smem:$0x3F9E];
	_ =	swait.ge [sflag:s4], $0x0  }
0x19: {  	s7 =	sld [smem:$0x3F9F]  }
0x1a: {  	s8 =	sadd.s32 $0xFFFFE003, lr  }
0x1b: {  	s9 =	sadd.s32 $0xFFFFFEF7, lr;
	s5 =	simm.s32 $0xFFFFFFFF;
	p2 =	slt.u32 s8, $0xFFFFF086  }
0x1c: {  	p1 =	slt.u32 s9, $0xF7A;
	s5 =	simm.s32 @!p2 $0x0  }
0x1d: {  	s5 =	simm.s32 @p1 $0x1;
	p0 =	seq.s32 s7, s2  }
0x1e: {  	s7 =	smul.u32 @!p0 $0xF7A, s2;
	p2 =	seq.s32 @!p0 s5, $0x0  }
0x1f: {  	s9 =	smul.u32 $0xF7A, s1;
	s8 =	simm.s32 @!p0 $0x1BF5;
	p2 =	por !p2, p0  }
0x20: {  	[sflag:s8] =	ssyncset.s32 @!p0 $0xFFFFF086;
	s6 =	sadd.s32 @!p0 s3, s7;
	s7 =	simm.s32 @!p0 $0x108  }
0x21: {  	s3 =	sadd.s32 s3, s9;
	s6 =	sadd.s32 @!p0 $0x88, s6;
	s7 =	simm.s32 @p2 $0x1082  }
0x22: {  	[simem:s7], [sflag:s8] =	dma.local @!p0 [hbm:s6], $0xF7A  }
0x23: {  	s9 =	sor.u32 $0xD0000000, s2;
	s6 =	simm.s32 $0x108;
	_ =	swait.ge @!p0 [sflag:s8], $0x0  }
0x24: {  	s3 =	sadd.s32 $0x88, s3;
	s6 =	simm.s32 @!p1 $0x1082;
	[sflag:s4] =	ssyncset.s32 $0xFFFFF086  }
0x25: {  	[simem:s6], [sflag:s4] =	dma.local [hbm:s3], $0xF7A  }
0x26: {  	[smem:$0x3F9F] =	sst s1;
	(tag) =	ssettag s2;
	_ =	strace s9  }
0x27: {  	s1 =	sld [smem:$0x3FAF]  }
0x28: {  	s2 =	sld [smem:$0x3FB0]  }
0x29: {  	s4 =	sld [smem:$0x3FB2]  }
0x2a: {  	p0 =	seq.s32 s5, $0x0;
	s5 =	sld [smem:$0x3FB3]  }
0x2b: {  	s6 =	sld [smem:$0x3FB4]  }
0x2c: {  	s7 =	sld [smem:$0x3FB5]  }
0x2d: {  	s3 =	simm.s32 $0x108;
	s8 =	sld [smem:$0x3FB6]  }
0x2e: {  	s3 =	simm.s32 @!p0 $0x1082;
	s9 =	sld [smem:$0x3FB7]  }
0x2f: {  	lr =	sadd.s32 s0, s3;
	s0 =	sld [smem:$0x3FAE]  }
0x30: {  	s3 =	sld [smem:$0x3FB1]  }
0x31: {  	[smem:$0x3FBA] =	sst s10  }
0x32: {  	s10 =	sld [smem:$0x3FB8];
	_ =	sdelay $0x3  }
0x33: {  	p0 =	seq.s32 s10, $0x1;
	s10 =	sld [smem:$0x3FBA];
	_ =	sdelay $0x3  }
0x34: {  	[smem:$0x3FBA] =	sst s10  }
0x35: {  	s10 =	sld [smem:$0x3FB9];
	_ =	sdelay $0x3  }
0x36: {  	p1 =	seq.s32 s10, $0x1;
	s10 =	sld [smem:$0x3FBA];
	_ =	sdelay $0x3  }
0x37: {  	[smem:$0x3FBA] =	sst s10  }
0x38: {  	s10 =	sld [smem:$0x3FBB]  }
0x39: {  	_ = 	snop;
	(pc) =	sbr.ind lr, $3  }
0x3a: {  	_ = 	snop  }
0x3b: {  	_ = 	snop  }
0x3c: {  	p2 =	seq.s32 s10, $0x1;
	s10 =	sld [smem:$0x3FBA]  }
0x3d: {  	_ =	shalt  }
0x3e: {  	_ =	shalt  }
0x3f: {  	_ =	shalt  }
0x40: {  	_ =	shalt  }
0x41: {  	_ =	shalt  }
0x42: {  	_ =	shalt  }
0x43: {  	_ =	shalt  }
0x44: {  	_ =	shalt  }
0x45: {  	_ =	shalt  }
0x46: {  	_ =	shalt  }
0x47: {  	_ =	shalt  }
0x48: {  	_ =	shalt  }
0x49: {  	_ =	shalt  }
0x4a: {  	_ =	shalt  }
0x4b: {  	_ =	shalt  }
0x4c: {  	_ =	shalt  }
0x4d: {  	_ =	shalt  }
0x4e: {  	_ =	shalt  }
0x4f: {  	_ =	shalt  }
0x50: {  	_ =	shalt  }
0x51: {  	_ =	shalt  }
0x52: {  	_ =	shalt  }
0x53: {  	_ =	shalt  }
0x54: {  	_ =	shalt  }
0x55: {  	_ =	shalt  }
0x56: {  	_ =	shalt  }
0x57: {  	_ =	shalt  }
0x58: {  	_ =	shalt  }
0x59: {  	_ =	shalt  }
0x5a: {  	_ =	shalt  }
0x5b: {  	_ =	shalt  }
0x5c: {  	_ =	shalt  }
0x5d: {  	_ =	shalt  }
0x5e: {  	_ =	shalt  }
0x5f: {  	_ =	shalt  }
0x60: {  	_ =	shalt  }
0x61: {  	_ =	shalt  }
0x62: {  	_ =	shalt  }
0x63: {  	_ =	shalt  }
0x64: {  	_ =	shalt  }
0x65: {  	_ =	shalt  }
0x66: {  	_ =	shalt  }
0x67: {  	_ =	shalt  }
0x68: {  	_ =	shalt  }
0x69: {  	_ =	shalt  }
0x6a: {  	_ =	shalt  }
0x6b: {  	_ =	shalt  }
0x6c: {  	_ =	shalt  }
0x6d: {  	_ =	shalt  }
0x6e: {  	_ =	shalt  }
0x6f: {  	_ =	shalt  }
0x70: {  	_ =	shalt  }
0x71: {  	_ =	shalt  }
0x72: {  	_ =	shalt  }
0x73: {  	_ =	shalt  }
0x74: {  	_ =	shalt  }
0x75: {  	_ =	shalt  }
0x76: {  	_ =	shalt  }
0x77: {  	_ =	shalt  }
0x78: {  	_ =	shalt  }
0x79: {  	_ =	shalt  }
0x7a: {  	_ =	shalt  }
0x7b: {  	_ =	shalt  }
0x7c: {  	_ =	shalt  }
0x7d: {  	_ =	shalt  }
0x7e: {  	_ =	shalt  }
0x7f: {  	_ =	shalt  }
0x80: {  	_ =	shalt  }
0x81: {  	_ =	shalt  }
0x82: {  	_ =	shalt  }
0x83: {  	_ =	shalt  }
0x84: {  	_ =	shalt  }
0x85: {  	_ =	shalt  }
0x86: {  	_ =	shalt  }
0x87: {  	_ =	shalt  }
.Lfunc_end0:
.L_simem_size_0:
called_computation.1_lowered:
.L_overlay_start_0:
0x88: {  	s2 =	sld [smem:$0x3FD9]  }
0x89: {  	s3 =	sld [smem:$0x3FFE];
	_ =	sdelay $0x1  }
0x8a: {  	s1 =	srdreg.scid  }
0x8b: {  	s0 =	sand.u32 $0x1, s1  }
0x8c: {  	s17 =	sshll.u32 s0, $0xA;
	s2 =	sadd.s32 s3, s2  }
0x8d: {  	s2 =	sadd.s32 s2, s17  }
0x8e: {  	[smem:$0x3FC6] =	sst s2  }
0x8f: {  	_ = 	snop  }
0x90: {  	s2 =	sld [smem:$0x3FD0];
	(tm) =	ssettm $0x1  }
0x91: {  	s18 =	sld [smem:$0x3FFB];
	_ =	sdelay $0x3  }
0x92: {  	_ =	strace s18  }
0x93: {  	s3 =	sld [smem:$0x3FFC];
	_ =	sdelay $0x3  }
0x94: {  	_ =	strace s3  }
0x95: {  	s3 =	sld [smem:$0x3FFD];
	_ =	sdelay $0x3  }
0x96: {  	_ =	strace s3  }
0x97: {  	_ =	strace $0x8FFFFFFF  }
0x98: {  	s19 =	sld [smem:$0x3FDB];
	_ =	sdelay $0x1  }
0x99: {  	s4 =	simm.s32 $_scs_section_size  }
0x9a: {  	s5 =	simm.s32 $_size__tile_overlayer_lowered;
	s6 =	simm.s32 $_tile_overlayer_lowered  }
0x9b: {  	s22 =	simm.s32 $0x1BFF;
	s21 =	sshll.u32 s6, $0x1;
	s3 =	sadd.s32 s4, s19  }
0x9c: {  	s7 =	simm.s32 $0x0;
	s20 =	sshll.u32 s5, $0x1;
	s5 =	sadd.s32 s21, s3  }
0x9d: {  	[timem:s7], [sflag:s22] =	dma.local [hbm:s5], s20  }
0x9e: {  	_ =	swait.ge [sflag:s22], s20  }
0x9f: {  	s4 =	ssub.s32 $0x0, s20;
	[sflag:s22] =	ssyncset.done $0x0  }
0xa0: {  	[sflag:s22] =	ssyncadd.s32 s4;
	_ =	sdelay $0x1  }
0xa1: {  	s23 =	simm.s32 $0x1B8B  }
0xa2: {  	_ =	swait.ge [sflag:s23], $0x1  }
0xa3: {  	[sflag:s23] =	ssyncset.done $0x0  }
0xa4: {  	s25 =	simm.s32 $0x1B8E;
	s24 =	sld [smem:$0x3FFE];
	[sflag:s23] =	ssyncadd.s32 $0xFFFFFFFF  }
0xa5: {  	s26 =	simm.s32 $execute0_lowered;
	[smem:$0x3FD2] =	sst s25  }
0xa6: {  	s5 =	sshll.u32 s26, $0x1;
	_ =	strace $0x80000049;
	[dreg:$0x1] =	wrdreg $0xFFFFFFFF  }
0xa7: {  	s28 =	simm.s32 $_size_execute0_lowered;
	s3 =	sadd.s32 s3, s5;
	[dreg:$0x0] =	wrdreg $0x0  }
0xa8: {  	s5 =	sshll.u32 s28, $0x1;
	[dreg:$0x2] =	wrdreg s3  }
0xa9: {  	[dreg:$0x3] =	wrdreg s5  }
0xaa: {  	[dreg:$0x4] =	wrdreg $0xC0  }
0xab: {  	_ =	task [dreg:s7], $0x5FFFF  }
0xac: {  	[dreg:$0x1] =	wrdreg $0xFFFFFFFF  }
0xad: {  	[dreg:$0x0] =	wrdreg $0x60  }
0xae: {  	[dreg:$0x2] =	wrdreg s24  }
0xaf: {  	[dreg:$0x3] =	wrdreg s2  }
0xb0: {  	[dreg:$0x4] =	wrdreg $0x1D4000  }
0xb1: {  	[dreg:$0x5] =	wrdreg $0x9  }
0xb2: {  	_ =	task.clear_ibuf [dreg:s7], $0x6FFFF;
	_ =	strace $0x90000049  }
0xb3: {  	s29 =	simm.s32 $0x9;
	_ =	strace $0x8000004B  }
0xb4: {  	_ =	swait.ge [sflag:s29], $0x1  }
0xb5: {  	[sflag:s29] =	ssyncadd.s32 $0xFFFFFFFF  }
0xb6: {  	_ =	strace $0x9000004B  }
0xb7: {  	_ =	sfence  }
0xb8: {  	s30 =	sld [smem:$0x0];
	_ =	sdelay $0x2  }
0xb9: {  	s31 =	sshll.u32 s1, $0xD;
	s1 =	sshrl.u32 s1, $0x2  }
0xba: {  	s3 =	sand.u32 $0x4000, s31;
	s1 =	sadd.s32 s1, s30  }
0xbb: {  	s0 =	sor.u32 s3, s0;
	s1 =	sshll.u32 s1, $0x11  }
0xbc: {  	s0 =	sor.u32 s1, s0  }
0xbd: {  	s0 =	sadd.s32 $0x8F2B, s0  }
0xbe: {  	[sflag:s0] =	ssyncadd.remote.s32 $0x1  }
0xbf: {  	_ =	sfence.sel $0xFFFF  }
0xc0: {  	[dreg:$0x0] =	wrdreg $0xFFFFFFFF;
	(pc) =	sbr.abs _section_cstart, $3  }
0xc1: {  	[dreg:$0x1] =	wrdreg $0xFFFFFFFF  }
0xc2: {  	_ =	task.clear_ibuf [dreg:s7], $0x2FFFF;
	_ =	strace $0x9FFFFFFF  }
0xc3: {  	(tm) =	ssettm $0x7FFFFFFF  }
tec
execute0_lowered:
.L_overlay_start_1:
0x0: {  	(tag) =	ssettag $0x1  }
0x1: {  	s0 =	rddreg [dreg:$0x0]  }
0x2: {  	s2 =	rddreg [dreg:$0x1]  }
0x3: {  	s1 =	rddreg [dreg:$0x2];
	s4 =	srdreg.scid;
	s3 =	simm.s32 $0x0  }
0x4: {  	s10 =	stileid.u32;
	s13 =	simm.s32 $0x1B000;
	s14 =	simm.s32 $0x3  }
0x5: {  	s15 =	simm.s32 $0x1C200;
	s16 =	simm.s32 $0x80;
	s17 =	simm.s32 $0x400  }
0x6: {  	s18 =	simm.s32 $0x1;
	s19 =	simm.s32 $0x2;
	s20 =	simm.s32 $0x0  }
0x7: {  	s6 =	sand.u32 $0x1, s4;
	[smem:$0x7FF] =	sst s3;
	s9 =	smul.u32 $0x2400, s10  }
0x8: {  	s4 =	sadd.s32 $0xA00, s0;
	s5 =	sadd.s32 $0x6C0A00, s0;
	s7 =	ssub.s32 $0x2, s6  }
0x9: {  	s24 =	sshll.u32 s10, $0x1;
	_ =	strace $0x8000004A;
	s8 =	sshrl.u32 s7, $0x1  }
0xa: {  	v0 =	vlaneseq.u32;
	s25 =	sshrl.u32 s9, $0x3;
	s26 =	sadd.s32 $0x1200, s9;
	s30 =	sadd.s32 s9, s1  }
.Ltmp0:
0xb: {  	v0 =	vmul.u32 $0x4, v0;
	s28 =	sadd.s32 s2, s25;
	[dreg:$0x5] =	wrdreg s30;
	(pc) =	sbr.rel .LBB2_1-.Ltmp0, $4  }
0xc: {  	v1 =	vimm.s32 $0x0;
	vm0 =	vcmask $0x300;
	s29 =	sshrl.u32 s26, $0x3;
	s31 =	sadd.s32 s26, s1;
	[dreg:$0x4] =	wrdreg s28  }
0xd: {  	v1 =	vsel vm0, $0x7, v1;
	v2 =	vor.u32 $0x40, v0;
	s23 =	ssub.s32 s7, s8;
	s2 =	sadd.s32 s2, s29;
	[dreg:$0x7] =	wrdreg s31  }
0xe: {  	s6 =	sor.u32 s6, s24;
	v3 =	vor.u32 $0x1, v0;
	v4 =	vor.u32 $0x41, v0;
	v5 =	vor.u32 $0x2, v0;
	s0 =	smax.u32 s23, $0x1;
	[dreg:$0x6] =	wrdreg s2  }
0xf: {  	s11 =	sadd.s32 $0x1200, s1;
	s10 =	smul.u32 $0xC, s6;
	v6 =	vor.u32 $0x42, v0;
	v7 =	vor.u32 $0x3, v0;
	v8 =	vor.u32 $0x43, v0;
	[dreg:$0x8] =	wrdreg s0  }
.LBB2_57:
0x10: {  	s20 =	rddreg [dreg:$0x9]  }
0x11: {  	s0 =	rddreg [dreg:$0x8];
	s20 =	sadd.s32 $0x1, s20  }
0x12: {  	p0 =	sne.s32 s20, s0  }
.Ltmp1:
0x13: {  	_ = 	snop;
	(pc) =	sbr.rel @!p0 .LBB2_58-.Ltmp1, $1  }
0x14: {  	_ =	sdelay $0x3  }
.LBB2_1:
0x15: {  	s0 =	simm.s32 $0x40  }
0x16: {  	s2 =	simm.s32 $0xC0;
	v9 =	vmov s16;
	s6 =	simm.s32 $0x0;
	v10 =	vmov s0  }
0x17: {  	s26 =	simm.s32 $0x1C0;
	s28 =	simm.s32 $0x140;
	s7 =	simm.s32 $0x100;
	v11 =	vmov s2;
	v9 =	vshrl.u32 v9, $0x7;
	v12 =	vmov s6  }
0x18: {  	v14 =	vmov s26;
	v15 =	vmov s28;
	v16 =	vmov s7  }
0x19: {  	s0 =	simm.s32 $0x180;
	v11 =	vshrl.u32 v11, $0x7;
	v10 =	vshrl.u32 v10, $0x7;
	v12 =	vshrl.u32 v12, $0x7  }
0x1a: {  	v9 =	vshll.u32 v9, v1;
	v13 =	vmov s0;
	v11 =	vshll.u32 v11, v1  }
0x1b: {  	v14 =	vshrl.u32 v14, $0x7;
	v12 =	vshll.u32 v12, v1;
	v11 =	vbroadcast v11, $0x0  }
0x1c: {  	v16 =	vshrl.u32 v16, $0x7;
	v10 =	vshll.u32 v10, v1;
	v12 =	vbroadcast v12, $0x0  }
0x1d: {  	s29 =	rddreg [dreg:$0x4];
	v15 =	vshrl.u32 v15, $0x7;
	v10 =	vbroadcast v10, $0x0;
	v11 =	vor.u32 v2, v11  }
0x1e: {  	[tilespmem:s13], [sflag:$0x3] =	stream.linear.gather [hbm4b:s29+s3], $0x1200, $0x38;
	v9 =	vbroadcast v9, $0x0;
	v14 =	vshll.u32 v14, v1;
	v12 =	vor.u32 v0, v12;
	[tilespmem:$0x1F800] =	vst v63  }
0x1f: {  	_ =	swait.ge [sflag:s14], $0x1200;
	v16 =	vshll.u32 v16, v1;
	v14 =	vbroadcast v14, $0x0;
	v10 =	vor.u32 v2, v10  }
0x20: {  	v13 =	vshrl.u32 v13, $0x7;
	[sflag:s14] =	ssyncset.done $0x0;
	v15 =	vshll.u32 v15, v1;
	v16 =	vbroadcast v16, $0x0  }
0x21: {  	s8 =	simm.s32 $0x200;
	[sflag:s14] =	ssyncadd.s32 $0xFFFFEE00;
	v13 =	vshll.u32 v13, v1;
	v9 =	vor.u32 v0, v9;
	v14 =	vor.u32 v2, v14  }
0x22: {  	v18 =	vor.u32 v0, v16;
	v16 =	vmov s8;
	v17 =	vld.idx.msk [tilespmem:v11+s13+$0x0], $0xffff;
	v11 =	vbroadcast v15, $0x0  }
0x23: {  	s31 =	simm.s32 $0x2C0;
	v13 =	vbroadcast v13, $0x0;
	v16 =	vshrl.u32 v16, $0x7;
	v12 =	vld.idx.msk [tilespmem:v12+s13+$0x0], $0xffff  }
0x24: {  	s30 =	simm.s32 $0x240;
	v16 =	vshll.u32 v16, v1;
	v19 =	vld.idx.msk [tilespmem:v10+s13+$0x0], $0xffff;
	v20 =	vor.u32 v2, v11;
	v11 =	vmov s31  }
0x25: {  	s2 =	simm.s32 $0x280;
	v16 =	vbroadcast v16, $0x0;
	v10 =	vmov s30;
	v11 =	vshrl.u32 v11, $0x7  }
0x26: {  	s6 =	simm.s32 $0x20;
	v15 =	vmov s2;
	v10 =	vshrl.u32 v10, $0x7;
	v21 =	vshll.u32 v11, v1;
	v11 =	vld.idx.msk [tilespmem:v9+s13+$0x0], $0xffff  }
0x27: {  	v15 =	vshrl.u32 v15, $0x7;
	v9 =	vshll.u32 v10, v1;
	v10 =	vld.idx.msk [tilespmem:v14+s13+$0x0], $0xffff;
	[tilespmem:s6+$0x1C210] =	vst v17;
	v21 =	vbroadcast v21, $0x0  }
0x28: {  	v15 =	vshll.u32 v15, v1;
	v14 =	vor.u32 v0, v13;
	[tilespmem:s6+$0x1C1E0] =	vst v12;
	v17 =	vbroadcast v9, $0x0;
	v9 =	vld.idx.msk [tilespmem:v18+s13+$0x0], $0xffff  }
0x29: {  	s7 =	simm.s32 $0x8;
	s8 =	simm.s32 $0x380;
	v15 =	vbroadcast v15, $0x0;
	[tilespmem:s6+$0x1C1F0] =	vst v19;
	v12 =	vor.u32 v2, v21;
	v13 =	vld.idx.msk [tilespmem:v20+s13+$0x0], $0xffff  }
.LBB2_2:
0x2a: {  	s9 =	sadd.s32 $0xFFFFFFC0, s8;
	v18 =	vmov s8;
	s12 =	sadd.s32 $0x40, s8;
	s7 =	sadd.s32 $0x4, s7;
	v19 =	vor.u32 v0, v16;
	v20 =	vor.u32 v2, v17  }
0x2b: {  	s21 =	sadd.s32 $0xFFFFFF80, s8;
	v16 =	vmov s9;
	v17 =	vshrl.u32 v18, $0x7;
	v18 =	vmov s12;
	p0 =	slt.u32 s7, $0x44  }
.Ltmp2:
0x2c: {  	v21 =	vmov s21;
	v16 =	vshrl.u32 v16, $0x7;
	v18 =	vshrl.u32 v18, $0x7;
	[tilespmem:s6+$0x1C200] =	vst v11;
	s6 =	sshra.s32 s0, $0x2;
	s0 =	smov.u32 s2;
	(pc) =	sbr.rel @p0 .LBB2_2-.Ltmp2, $4  }
0x2d: {  	v21 =	vshrl.u32 v21, $0x7;
	s2 =	smov.u32 s8;
	v22 =	vshll.u32 v16, v1;
	v16 =	vshll.u32 v18, v1;
	v11 =	vld.idx.msk [tilespmem:v14+s13+$0x0], $0xffff;
	[tilespmem:s6+$0x1C210] =	vst v10  }
0x2e: {  	v14 =	vshll.u32 v21, v1;
	v18 =	vshll.u32 v17, v1;
	v21 =	vbroadcast v16, $0x0;
	v10 =	vld.idx.msk [tilespmem:v12+s13+$0x0], $0xffff;
	[tilespmem:s6+$0x1C1E0] =	vst v9  }
0x2f: {  	v16 =	vbroadcast v14, $0x0;
	v17 =	vbroadcast v22, $0x0;
	v14 =	vor.u32 v0, v15;
	v9 =	vld.idx.msk [tilespmem:v19+s13+$0x0], $0xffff;
	[tilespmem:s6+$0x1C1F0] =	vst v13  }
0x30: {  	s8 =	sadd.s32 $0x100, s8;
	v15 =	vbroadcast v18, $0x0;
	v12 =	vor.u32 v2, v21;
	v13 =	vld.idx.msk [tilespmem:v20+s13+$0x0], $0xffff  }
0x31: {  	_ =	sdelay $0x1  }
0x32: {  	v16 =	vor.u32 v0, v16  }
0x33: {  	v17 =	vor.u32 v2, v17;
	s7 =	simm.s32 $0xC0;
	s8 =	simm.s32 $0x80  }
0x34: {  	s31 =	simm.s32 $0x40;
	s9 =	simm.s32 $0x0;
	v14 =	vld.idx.msk [tilespmem:v14+s13+$0x0], $0xffff;
	v15 =	vor.u32 v0, v15;
	v18 =	vmov s7;
	v19 =	vmov s8  }
0x35: {  	s0 =	sshra.s32 s0, $0x2;
	v22 =	vld.idx.msk [tilespmem:v12+s13+$0x0], $0xffff;
	v20 =	vmov s31;
	v21 =	vmov s9;
	[tilespmem:s6+$0x1C200] =	vst v11;
	v18 =	vshrl.u32 v18, $0x7  }
0x36: {  	v19 =	vshrl.u32 v19, $0x7;
	v20 =	vshrl.u32 v20, $0x7;
	[tilespmem:s0+$0x1C210] =	vst v10;
	v18 =	vshll.u32 v18, v1  }
0x37: {  	v11 =	vshll.u32 v19, v1;
	v19 =	vshrl.u32 v21, $0x7;
	v20 =	vshll.u32 v20, v1;
	[tilespmem:s0+$0x1C1E0] =	vst v9;
	v16 =	vld.idx.msk [tilespmem:v16+s13+$0x0], $0xffff  }
0x38: {  	v12 =	vbroadcast v11, $0x0;
	v11 =	vshll.u32 v19, v1;
	v10 =	vbroadcast v20, $0x0;
	[tilespmem:s0+$0x1C1F0] =	vst v13;
	v17 =	vld.idx.msk [tilespmem:v17+s13+$0x0], $0xffff  }
0x39: {  	s21 =	simm.s32 $0x180;
	s2 =	sshra.s32 s2, $0x2;
	s22 =	simm.s32 $0x140;
	v9 =	vbroadcast v18, $0x0;
	v11 =	vbroadcast v11, $0x0;
	[tilespmem:s0+$0x1C200] =	vst v14;
	v13 =	vld.idx.msk [tilespmem:v15+s13+$0x0], $0xffff  }
0x3a: {  	s12 =	simm.s32 $0x1C0;
	v14 =	vmov s21;
	[tilespmem:s2+$0x1C210] =	vst v22;
	v22 =	vmov s22;
	v18 =	vor.u32 v3, v12  }
0x3b: {  	v15 =	vmov s12;
	v19 =	vor.u32 v4, v10;
	v21 =	vor.u32 v3, v11  }
0x3c: {  	s23 =	simm.s32 $0x100;
	v20 =	vor.u32 v4, v9;
	v14 =	vshrl.u32 v14, $0x7;
	v22 =	vshrl.u32 v22, $0x7;
	[tilespmem:s2+$0x1C1E0] =	vst v16  }
0x3d: {  	v15 =	vshrl.u32 v15, $0x7;
	v14 =	vshll.u32 v14, v1;
	v16 =	vmov s23;
	[tilespmem:s2+$0x1C1F0] =	vst v17  }
0x3e: {  	v22 =	vshll.u32 v22, v1;
	v17 =	vshrl.u32 v16, $0x7;
	v16 =	vbroadcast v14, $0x0;
	[tilespmem:s2+$0x1C200] =	vst v13  }
0x3f: {  	v13 =	vshll.u32 v15, v1;
	v15 =	vbroadcast v22, $0x0;
	v14 =	vshll.u32 v17, v1;
	v17 =	vld.idx.msk [tilespmem:v18+s13+$0x0], $0xffff  }
0x40: {  	s24 =	simm.s32 $0x2C0;
	v25 =	vld.idx.msk [tilespmem:v21+s13+$0x0], $0xffff;
	v14 =	vbroadcast v14, $0x0;
	v23 =	vor.u32 v3, v16  }
0x41: {  	s25 =	simm.s32 $0x280;
	s29 =	simm.s32 $0x200;
	v13 =	vbroadcast v13, $0x0;
	v18 =	vmov s24;
	v30 =	vld.idx.msk [tilespmem:v19+s13+$0x0], $0xffff;
	v26 =	vor.u32 v4, v15  }
0x42: {  	s26 =	simm.s32 $0x240;
	v19 =	vmov s25;
	v22 =	vld.idx.msk [tilespmem:v20+s13+$0x0], $0xffff;
	v20 =	vmov s29;
	v31 =	vor.u32 v3, v14  }
0x43: {  	s28 =	simm.s32 $0x20;
	v27 =	vshrl.u32 v18, $0x7;
	v18 =	vmov s26;
	v19 =	vshrl.u32 v19, $0x7  }
0x44: {  	s30 =	simm.s32 $0x0;
	s2 =	sand.u32 $0x7E0, s28;
	v20 =	vshrl.u32 v20, $0x7;
	v21 =	vor.u32 v4, v13;
	v19 =	vshll.u32 v19, v1  }
0x45: {  	s31 =	simm.s32 $0x10;
	s0 =	sand.u32 $0x7C0, s30;
	v18 =	vshrl.u32 v18, $0x7;
	v20 =	vshll.u32 v20, v1;
	[tilespmem:s2+$0x1C680] =	vst v17;
	v17 =	vbroadcast v19, $0x0;
	v24 =	vld.idx.msk [tilespmem:v23+s13+$0x0], $0xffff  }
0x46: {  	s6 =	simm.s32 $0x8;
	s22 =	simm.s32 $0x30;
	s23 =	sand.u32 $0x7D0, s31;
	v18 =	vshll.u32 v18, v1;
	v29 =	vbroadcast v20, $0x0;
	v19 =	vshll.u32 v27, v1;
	[tilespmem:s0+$0x1C680] =	vst v25;
	v23 =	vld.idx.msk [tilespmem:v26+s13+$0x0], $0xffff  }
0x47: {  	s8 =	simm.s32 $0x3C0;
	s7 =	simm.s32 $0x30;
	s9 =	sand.u32 $0x7F0, s22;
	v27 =	vbroadcast v18, $0x0;
	[tilespmem:s23+$0x1C680] =	vst v30;
	v28 =	vbroadcast v19, $0x0;
	v26 =	vor.u32 v3, v17;
	v25 =	vld.idx.msk [tilespmem:v31+s13+$0x0], $0xffff  }
.LBB2_4:
0x48: {  	s12 =	sadd.s32 $0xFFFFFFC0, s8  }
0x49: {  	v30 =	vmov s8;
	s6 =	sadd.s32 $0x4, s6;
	v31 =	vor.u32 v4, v27;
	[tilespmem:s9+$0x1C680] =	vst v22;
	v22 =	vld.idx.msk [tilespmem:v21+s13+$0x0], $0xffff;
	v21 =	vor.u32 v4, v28;
	s7 =	sadd.s32 $0x40, s7;
	s9 =	sadd.s32 $0xFFFFFF80, s8  }
0x4a: {  	s21 =	sadd.s32 $0xFFFFFF40, s8;
	v27 =	vmov s12;
	v28 =	vshrl.u32 v30, $0x7;
	p0 =	slt.u32 s6, $0x44;
	v30 =	vor.u32 v3, v29;
	s12 =	sadd.s32 $0xFFFFFFF0, s7  }
.Ltmp3:
0x4b: {  	v29 =	vmov s9;
	s9 =	sadd.s32 $0xFFFFFFD0, s7;
	v27 =	vshrl.u32 v27, $0x7;
	v28 =	vshll.u32 v28, v1;
	s12 =	sand.u32 $0x7E0, s12;
	(pc) =	sbr.rel @p0 .LBB2_4-.Ltmp3, $4  }
0x4c: {  	v32 =	vmov s21;
	s24 =	sadd.s32 $0xFFFFFFE0, s7;
	v29 =	vshrl.u32 v29, $0x7;
	s21 =	sand.u32 $0x7C0, s9;
	s9 =	sand.u32 $0x7F0, s7;
	v27 =	vshll.u32 v27, v1;
	[tilespmem:s12+$0x1C680] =	vst v24  }
0x4d: {  	v32 =	vshrl.u32 v32, $0x7;
	v29 =	vshll.u32 v29, v1;
	s12 =	sand.u32 $0x7D0, s24;
	v34 =	vmovc v23;
	v33 =	vbroadcast v27, $0x0;
	v24 =	vld.idx.msk [tilespmem:v26+s13+$0x0], $0xffff  }
0x4e: {  	v28 =	vbroadcast v28, $0x0;
	v26 =	vshll.u32 v32, v1;
	v27 =	vbroadcast v29, $0x0;
	v23 =	vld.idx.msk [tilespmem:v31+s13+$0x0], $0xffff;
	[tilespmem:s21+$0x1C680] =	vst v25  }
0x4f: {  	s8 =	sadd.s32 $0x100, s8;
	v29 =	vbroadcast v26, $0x0;
	v26 =	vor.u32 v3, v33;
	v25 =	vld.idx.msk [tilespmem:v30+s13+$0x0], $0xffff;
	[tilespmem:s12+$0x1C680] =	vst v34  }
0x50: {  	_ = 	snop  }
0x51: {  	v27 =	vor.u32 v4, v27  }
0x52: {  	v28 =	vor.u32 v4, v28  }
0x53: {  	s6 =	sadd.s32 $0x40, s7;
	v29 =	vor.u32 v3, v29  }
0x54: {  	v21 =	vld.idx.msk [tilespmem:v21+s13+$0x0], $0xffff;
	s7 =	sadd.s32 $0xFFFFFFF0, s6  }
0x55: {  	[tilespmem:s9+$0x1C680] =	vst v22;
	v22 =	vld.idx.msk [tilespmem:v26+s13+$0x0], $0xffff;
	s21 =	sadd.s32 $0xFFFFFFE0, s6;
	s7 =	sand.u32 $0x7E0, s7  }
0x56: {  	s8 =	sadd.s32 $0xFFFFFFD0, s6;
	s24 =	sand.u32 $0x7D0, s21;
	[tilespmem:s7+$0x1C680] =	vst v24;
	v63 =	vld.idx.msk [tilespmem:v27+s13+$0x0], $0xffff  }
0x57: {  	s25 =	sadd.s32 $0x40, s6;
	s8 =	sand.u32 $0x7C0, s8;
	[tilespmem:s24+$0x1C680] =	vst v23;
	v23 =	vld.idx.msk [tilespmem:v28+s13+$0x0], $0xffff  }
0x58: {  	p1 =	por $0x1, $0x1;
	s6 =	sand.u32 $0x7F0, s6;
	s26 =	sadd.s32 $0xFFFFFFF0, s25;
	[tilespmem:s8+$0x1C680] =	vst v25;
	v62 =	vld.idx.msk [tilespmem:v29+s13+$0x0], $0xffff  }
.Ltmp4:
0x59: {  	s29 =	sadd.s32 $0xFFFFFFE0, s25;
	s7 =	sand.u32 $0x7E0, s26;
	[tilespmem:s6+$0x1C680] =	vst v21;
	(pc) =	sbr.rel @!p1 .LBB2_6-.Ltmp4, $4  }
0x5a: {  	s30 =	sand.u32 $0x7D0, s29;
	[tilespmem:s7+$0x1C680] =	vst v22  }
0x5b: {  	s28 =	sadd.s32 $0xFFFFFFD0, s25;
	s31 =	sand.u32 $0x7F0, s25;
	[tilespmem:s30+$0x1C680] =	vst v63  }
0x5c: {  	s6 =	sand.u32 $0x7C0, s28;
	[tilespmem:s31+$0x1C680] =	vst v23  }
0x5d: {  	p2 =	por $0x0, $0x0;
	p0 =	por $0x0, $0x0;
	v21 =	vor.u32 v5, v12;
	[tilespmem:s6+$0x1C680] =	vst v62  }
0x5e: {  	v10 =	vor.u32 v6, v10  }
0x5f: {  	v11 =	vor.u32 v5, v11;
	p3 =	por $0x1, $0x1  }
.Ltmp5:
0x60: {  	_ = 	snop;
	(pc) =	sbr.rel @!p3 .LBB2_8-.Ltmp5, $4  }
0x61: {  	_ = 	snop  }
0x62: {  	v12 =	vld.idx.msk [tilespmem:v21+s13+$0x0], $0xffff  }
0x63: {  	v22 =	vld.idx.msk [tilespmem:v10+s13+$0x0], $0xffff  }
0x64: {  	v23 =	vor.u32 v6, v9;
	v21 =	vor.u32 v5, v16;
	p2 =	por $0x1, $0x1;
	v16 =	vld.idx.msk [tilespmem:v11+s13+$0x0], $0xffff  }
0x65: {  	_ = 	snop  }
0x66: {  	v9 =	vor.u32 v6, v15  }
0x67: {  	v24 =	vor.u32 v5, v14;
	p4 =	por $0x1, $0x1  }
.Ltmp6:
0x68: {  	_ = 	snop;
	(pc) =	sbr.rel @!p4 .LBB2_10-.Ltmp6, $4  }
0x69: {  	v15 =	vld.idx.msk [tilespmem:v23+s13+$0x0], $0xffff;
	v13 =	vor.u32 v6, v13  }
0x6a: {  	[tilespmem:s2+$0x1CB00] =	vst v12;
	v12 =	vld.idx.msk [tilespmem:v21+s13+$0x0], $0xffff  }
0x6b: {  	s6 =	simm.s32 $0x8;
	v10 =	vbroadcast v18, $0x0;
	s7 =	simm.s32 $0x3C0;
	[tilespmem:s23+$0x1CB00] =	vst v22;
	v14 =	vld.idx.msk [tilespmem:v9+s13+$0x0], $0xffff  }
0x6c: {  	v11 =	vbroadcast v20, $0x0;
	p3 =	por $0x1, $0x1;
	s2 =	sand.u32 $0x7F0, s22;
	v21 =	vor.u32 v5, v17;
	[tilespmem:s0+$0x1CB00] =	vst v16;
	s0 =	simm.s32 $0x30;
	v9 =	vbroadcast v19, $0x0;
	v16 =	vld.idx.msk [tilespmem:v24+s13+$0x0], $0xffff  }
.LBB2_11:
0x6d: {  	s8 =	sadd.s32 $0xFFFFFFC0, s7  }
0x6e: {  	v17 =	vmov s7;
	s6 =	sadd.s32 $0x4, s6;
	v18 =	vor.u32 v6, v10;
	[tilespmem:s2+$0x1CB00] =	vst v15;
	v15 =	vld.idx.msk [tilespmem:v13+s13+$0x0], $0xffff;
	v13 =	vor.u32 v6, v9;
	s0 =	sadd.s32 $0x40, s0;
	s2 =	sadd.s32 $0xFFFFFF80, s7  }
0x6f: {  	s9 =	sadd.s32 $0xFFFFFF40, s7;
	v9 =	vmov s8;
	v10 =	vshrl.u32 v17, $0x7;
	p4 =	slt.u32 s6, $0x44;
	v17 =	vor.u32 v5, v11;
	s8 =	sadd.s32 $0xFFFFFFF0, s0  }
.Ltmp7:
0x70: {  	v11 =	vmov s2;
	s2 =	sadd.s32 $0xFFFFFFD0, s0;
	v9 =	vshrl.u32 v9, $0x7;
	v19 =	vshll.u32 v10, v1;
	s8 =	sand.u32 $0x7E0, s8;
	(pc) =	sbr.rel @p4 .LBB2_11-.Ltmp7, $4  }
0x71: {  	s12 =	sadd.s32 $0xFFFFFFE0, s0;
	v10 =	vmov s9;
	v11 =	vshrl.u32 v11, $0x7;
	s9 =	sand.u32 $0x7C0, s2;
	s2 =	sand.u32 $0x7F0, s0;
	v9 =	vshll.u32 v9, v1;
	[tilespmem:s8+$0x1CB00] =	vst v12  }
0x72: {  	v10 =	vshrl.u32 v10, $0x7;
	v11 =	vshll.u32 v11, v1;
	s8 =	sand.u32 $0x7D0, s12;
	v22 =	vmovc v14;
	v20 =	vbroadcast v9, $0x0;
	v12 =	vld.idx.msk [tilespmem:v21+s13+$0x0], $0xffff  }
0x73: {  	v21 =	vshll.u32 v10, v1;
	v10 =	vbroadcast v11, $0x0;
	v9 =	vbroadcast v19, $0x0;
	v14 =	vld.idx.msk [tilespmem:v18+s13+$0x0], $0xffff;
	[tilespmem:s9+$0x1CB00] =	vst v16  }
0x74: {  	s7 =	sadd.s32 $0x100, s7;
	v11 =	vbroadcast v21, $0x0;
	v21 =	vor.u32 v5, v20;
	v16 =	vld.idx.msk [tilespmem:v17+s13+$0x0], $0xffff;
	[tilespmem:s8+$0x1CB00] =	vst v22  }
0x75: {  	_ =	sdelay $0x2  }
0x76: {  	v23 =	vmov v13;
	v22 =	vmov v14  }
.LBB2_13:
0x77: {  	_ =	sdelay $0x1  }
0x78: {  	v11 =	vor.u32 v5, v11  }
0x79: {  	v10 =	vor.u32 v6, v10;
	s0 =	sadd.s32 @p3 $0x40, s0;
	s6 =	simm.s32 $0x30  }
0x7a: {  	v9 =	vor.u32 v6, v9;
	v13 =	vld.idx.msk @p2 [tilespmem:v23+s13+$0x0], $0xffff;
	s6 =	smov.u32 @p3 s0  }
0x7b: {  	s21 =	simm.s32 $0xC0;
	s0 =	sadd.s32 @p2 $0xFFFFFFF0, s6;
	s7 =	sadd.s32 @p2 $0xFFFFFFD0, s6  }
0x7c: {  	[tilespmem:s2+$0x1CB00] =	vst @p3 v15;
	v14 =	vld.idx.msk [tilespmem:v21+s13+$0x0], $0xffff;
	s23 =	simm.s32 $0x80;
	s0 =	sand.u32 @p2 $0x7E0, s0;
	s2 =	sand.u32 @p2 $0x7C0, s7  }
0x7d: {  	s7 =	sadd.s32 @p2 $0xFFFFFFE0, s6;
	[tilespmem:s0+$0x1CB00] =	vst @p2 v12;
	s0 =	sand.u32 @p2 $0x7F0, s6;
	s6 =	sadd.s32 @p2 $0x40, s6;
	v11 =	vld.idx.msk [tilespmem:v11+s13+$0x0], $0xffff  }
0x7e: {  	s25 =	simm.s32 $0x40;
	s7 =	sand.u32 @p2 $0x7D0, s7;
	v12 =	vmov @p2 v22;
	[tilespmem:s2+$0x1CB00] =	vst @p2 v16;
	v10 =	vld.idx.msk [tilespmem:v10+s13+$0x0], $0xffff;
	s22 =	smov.u32 @p2 s6  }
0x7f: {  	s29 =	simm.s32 $0x0;
	v15 =	vmov s23;
	[tilespmem:s7+$0x1CB00] =	vst @p2 v12;
	v12 =	vpsel p2, v13, v0;
	s0 =	smov.u32 @p2 s0;
	v9 =	vld.idx.msk [tilespmem:v9+s13+$0x0], $0xffff;
	v13 =	vmov s21;
	s24 =	sadd.s32 $0xFFFFFFF0, s22  }
.Ltmp8:
0x80: {  	v15 =	vshrl.u32 v15, $0x7;
	[tilespmem:s0+$0x1CB00] =	vst @p2 v12;
	s26 =	sadd.s32 $0xFFFFFFD0, s22;
	v12 =	vshrl.u32 v13, $0x7;
	v13 =	vmov s25;
	s28 =	sand.u32 $0x7E0, s24;
	(pc) =	sbr.rel @!p1 .LBB2_14-.Ltmp8, $4  }
0x81: {  	v15 =	vshll.u32 v15, v1;
	s30 =	sadd.s32 $0xFFFFFFE0, s22;
	s0 =	sand.u32 $0x7C0, s26;
	v13 =	vshrl.u32 v13, $0x7;
	[tilespmem:s28+$0x1CB00] =	vst v14;
	v14 =	vmov s29  }
0x82: {  	s2 =	sand.u32 $0x7D0, s30;
	v13 =	vshll.u32 v13, v1;
	[tilespmem:s0+$0x1CB00] =	vst v11;
	v11 =	vshrl.u32 v14, $0x7;
	v14 =	vbroadcast v15, $0x0  }
0x83: {  	s31 =	sand.u32 $0x7F0, s22;
	v16 =	vbroadcast v13, $0x0;
	[tilespmem:s2+$0x1CB00] =	vst v10;
	v10 =	vshll.u32 v12, v1;
	v11 =	vshll.u32 v11, v1  }
0x84: {  	s22 =	simm.s32 $0x30;
	[tilespmem:s31+$0x1CB00] =	vst v9;
	s0 =	simm.s32 $0x1C0;
	v17 =	vbroadcast v10, $0x0;
	v15 =	vbroadcast v11, $0x0;
	v9 =	vor.u32 v7, v14  }
0x85: {  	s2 =	simm.s32 $0x180;
	v10 =	vmov s0;
	v11 =	vor.u32 v8, v16  }
0x86: {  	s30 =	simm.s32 $0x140;
	p2 =	por $0x1, $0x1;
	v18 =	vor.u32 v8, v17;
	v12 =	vmov s2;
	v13 =	vor.u32 v7, v15  }
.Ltmp9:
0x87: {  	s31 =	simm.s32 $0x100;
	v14 =	vshrl.u32 v10, $0x7;
	v10 =	vmov s30;
	v12 =	vshrl.u32 v12, $0x7;
	(pc) =	sbr.rel @!p2 .LBB2_16-.Ltmp9, $4  }
0x88: {  	v15 =	vmov s31;
	v10 =	vshrl.u32 v10, $0x7;
	v12 =	vshll.u32 v12, v1  }
0x89: {  	v15 =	vshrl.u32 v15, $0x7;
	v16 =	vshll.u32 v10, v1;
	v10 =	vld.idx.msk [tilespmem:v9+s13+$0x0], $0xffff;
	v12 =	vbroadcast v12, $0x0  }
0x8a: {  	v9 =	vshll.u32 v14, v1;
	v15 =	vshll.u32 v15, v1;
	v16 =	vbroadcast v16, $0x0;
	v14 =	vld.idx.msk [tilespmem:v11+s13+$0x0], $0xffff  }
0x8b: {  	s0 =	simm.s32 $0x2C0;
	p1 =	por $0x1, $0x1;
	v17 =	vbroadcast v9, $0x0;
	v15 =	vbroadcast v15, $0x0;
	v9 =	vor.u32 v7, v12;
	v11 =	vld.idx.msk [tilespmem:v13+s13+$0x0], $0xffff  }
0x8c: {  	_ = 	snop  }
0x8d: {  	s2 =	simm.s32 $0x280;
	v12 =	vmov s0;
	v19 =	vor.u32 v8, v16  }
0x8e: {  	s28 =	simm.s32 $0x240;
	p2 =	por $0x1, $0x1;
	v13 =	vor.u32 v8, v17;
	v16 =	vmov s2;
	v20 =	vor.u32 v7, v15  }
.Ltmp10:
0x8f: {  	s29 =	simm.s32 $0x20;
	s6 =	simm.s32 $0x200;
	v15 =	vshrl.u32 v12, $0x7;
	v17 =	vmov s28;
	v16 =	vshrl.u32 v16, $0x7;
	(pc) =	sbr.rel @!p2 .LBB2_18-.Ltmp10, $4  }
0x90: {  	s7 =	simm.s32 $0x10;
	s30 =	sand.u32 $0x7E0, s29;
	v12 =	vld.idx.msk [tilespmem:v18+s13+$0x0], $0xffff;
	v18 =	vmov s6;
	v17 =	vshrl.u32 v17, $0x7;
	v16 =	vshll.u32 v16, v1  }
0x91: {  	s31 =	simm.s32 $0x0;
	s8 =	sand.u32 $0x7D0, s7;
	[tilespmem:s30+$0x1CF80] =	vst v10;
	v18 =	vshrl.u32 v18, $0x7;
	v10 =	vld.idx.msk [tilespmem:v9+s13+$0x0], $0xffff;
	v17 =	vshll.u32 v17, v1;
	v21 =	vbroadcast v16, $0x0  }
0x92: {  	s0 =	simm.s32 $0x8;
	p0 =	por $0x1, $0x1;
	s2 =	sand.u32 $0x7C0, s31;
	v9 =	vshll.u32 v15, v1;
	v15 =	vshll.u32 v18, v1;
	[tilespmem:s8+$0x1CF80] =	vst v14;
	v16 =	vbroadcast v17, $0x0;
	v19 =	vld.idx.msk [tilespmem:v19+s13+$0x0], $0xffff  }
0x93: {  	s6 =	sand.u32 $0x7F0, s22;
	s7 =	simm.s32 $0x3C0;
	[tilespmem:s2+$0x1CF80] =	vst v11;
	v17 =	vbroadcast v9, $0x0;
	v15 =	vbroadcast v15, $0x0;
	s2 =	simm.s32 $0x30;
	v9 =	vor.u32 v7, v21;
	v11 =	vld.idx.msk [tilespmem:v20+s13+$0x0], $0xffff  }
.LBB2_19:
0x94: {  	s8 =	sadd.s32 $0xFFFFFFC0, s7  }
0x95: {  	v14 =	vmov s7;
	s0 =	sadd.s32 $0x4, s0;
	v18 =	vor.u32 v8, v16;
	[tilespmem:s6+$0x1CF80] =	vst v12;
	v12 =	vld.idx.msk [tilespmem:v13+s13+$0x0], $0xffff;
	v13 =	vor.u32 v8, v17;
	s2 =	sadd.s32 $0x40, s2;
	s6 =	sadd.s32 $0xFFFFFF80, s7  }
0x96: {  	s9 =	sadd.s32 $0xFFFFFF40, s7;
	v16 =	vmov s8;
	v14 =	vshrl.u32 v14, $0x7;
	p2 =	slt.u32 s0, $0x44;
	v20 =	vor.u32 v7, v15;
	s8 =	sadd.s32 $0xFFFFFFF0, s2  }
.Ltmp11:
0x97: {  	v15 =	vmov s6;
	s6 =	sadd.s32 $0xFFFFFFD0, s2;
	v16 =	vshrl.u32 v16, $0x7;
	v14 =	vshll.u32 v14, v1;
	s8 =	sand.u32 $0x7E0, s8;
	(pc) =	sbr.rel @p2 .LBB2_19-.Ltmp11, $4  }
0x98: {  	v17 =	vmov s9;
	s12 =	sadd.s32 $0xFFFFFFE0, s2;
	v15 =	vshrl.u32 v15, $0x7;
	s9 =	sand.u32 $0x7C0, s6;
	s6 =	sand.u32 $0x7F0, s2;
	v16 =	vshll.u32 v16, v1;
	[tilespmem:s8+$0x1CF80] =	vst v10  }
0x99: {  	v17 =	vshrl.u32 v17, $0x7;
	v15 =	vshll.u32 v15, v1;
	s8 =	sand.u32 $0x7D0, s12;
	v22 =	vmovc v19;
	v21 =	vbroadcast v16, $0x0;
	v10 =	vld.idx.msk [tilespmem:v9+s13+$0x0], $0xffff  }
0x9a: {  	v9 =	vshll.u32 v17, v1;
	v16 =	vbroadcast v15, $0x0;
	v17 =	vbroadcast v14, $0x0;
	v19 =	vld.idx.msk [tilespmem:v18+s13+$0x0], $0xffff;
	[tilespmem:s9+$0x1CF80] =	vst v11  }
0x9b: {  	s7 =	sadd.s32 $0x100, s7;
	v15 =	vbroadcast v9, $0x0;
	v9 =	vor.u32 v7, v21;
	v11 =	vld.idx.msk [tilespmem:v20+s13+$0x0], $0xffff;
	[tilespmem:s8+$0x1CF80] =	vst v22  }
0x9c: {  	_ =	sdelay $0x2  }
0x9d: {  	v18 =	vmov v13;
	v14 =	vmov v19  }
.LBB2_21:
0x9e: {  	_ =	sdelay $0x1  }
0x9f: {  	v13 =	vor.u32 v7, v15  }
0xa0: {  	v15 =	vor.u32 v8, v16;
	s0 =	sadd.s32 @p0 $0x40, s2;
	s2 =	simm.s32 $0x30  }
0xa1: {  	v16 =	vor.u32 v8, v17;
	v17 =	vld.idx.msk @p1 [tilespmem:v18+s13+$0x0], $0xffff;
	s2 =	smov.u32 @p0 s0  }
0xa2: {  	s0 =	sadd.s32 @p1 $0xFFFFFFF0, s2  }
0xa3: {  	[tilespmem:s6+$0x1CF80] =	vst @p0 v12;
	v9 =	vld.idx.msk [tilespmem:v9+s13+$0x0], $0xffff;
	s6 =	sadd.s32 @p1 $0xFFFFFFD0, s2;
	s0 =	sand.u32 @p1 $0x7E0, s0  }
0xa4: {  	s7 =	sadd.s32 @p1 $0xFFFFFFE0, s2;
	s6 =	sand.u32 @p1 $0x7C0, s6;
	[tilespmem:s0+$0x1CF80] =	vst @p1 v10;
	s0 =	sadd.s32 @p1 $0x40, s2;
	v10 =	vld.idx.msk [tilespmem:v13+s13+$0x0], $0xffff  }
0xa5: {  	v12 =	vmov @p1 v14;
	s7 =	sand.u32 @p1 $0x7D0, s7;
	s2 =	sand.u32 @p1 $0x7F0, s2;
	[tilespmem:s6+$0x1CF80] =	vst @p1 v11;
	v13 =	vld.idx.msk [tilespmem:v15+s13+$0x0], $0xffff;
	s22 =	smov.u32 @p1 s0  }
0xa6: {  	s24 =	simm.s32 $0x1C0;
	[tilespmem:s7+$0x1CF80] =	vst @p1 v12;
	v11 =	vpsel p1, v17, v0;
	s0 =	smov.u32 @p1 s2;
	v12 =	vld.idx.msk [tilespmem:v16+s13+$0x0], $0xffff;
	s28 =	sadd.s32 $0xFFFFFFF0, s22  }
0xa7: {  	v14 =	vmov s24;
	s29 =	sadd.s32 $0xFFFFFFD0, s22;
	[tilespmem:s0+$0x1CF80] =	vst @p1 v11;
	s30 =	sand.u32 $0x7E0, s28  }
0xa8: {  	v14 =	vshrl.u32 v14, $0x7;
	s7 =	sadd.s32 $0xFFFFFFE0, s22;
	s31 =	sand.u32 $0x7C0, s29;
	[tilespmem:s30+$0x1CF80] =	vst v9  }
0xa9: {  	s26 =	simm.s32 $0x100;
	v14 =	vshll.u32 v14, v1;
	s6 =	sand.u32 $0x7D0, s7;
	[tilespmem:s31+$0x1CF80] =	vst v10  }
0xaa: {  	s8 =	simm.s32 $0xC0;
	s25 =	simm.s32 $0x140;
	v14 =	vbroadcast v14, $0x0;
	v16 =	vmov s26;
	s22 =	sand.u32 $0x7F0, s22;
	[tilespmem:s6+$0x1CF80] =	vst v13  }
0xab: {  	s21 =	simm.s32 $0x0;
	v15 =	vmov s25;
	v11 =	vmov s8;
	v16 =	vshrl.u32 v16, $0x7;
	[tilespmem:s22+$0x1CF80] =	vst v12  }
0xac: {  	s12 =	simm.s32 $0x40;
	v11 =	vshrl.u32 v11, $0x7;
	v16 =	vshll.u32 v16, v1;
	v13 =	vmov s21;
	s23 =	rddreg [dreg:$0x5]  }
0xad: {  	v11 =	vshll.u32 v11, v1;
	v10 =	vmov s12;
	v12 =	vshrl.u32 v13, $0x7;
	[spmem:s23] =	stream.linear.scatter [tilespmem:s15], [sflag:$0x3], $0x1200, $0x38;
	[tilespmem:$0x1F800] =	vst v63  }
0xae: {  	s9 =	simm.s32 $0x80;
	v11 =	vbroadcast v11, $0x0;
	v10 =	vshrl.u32 v10, $0x7;
	v12 =	vshll.u32 v12, v1;
	_ =	swait.ge [sflag:s14], $0x1200  }
0xaf: {  	v9 =	vmov s9;
	v10 =	vshll.u32 v10, v1;
	v12 =	vbroadcast v12, $0x0;
	[sflag:s14] =	ssyncset.done $0x0  }
0xb0: {  	v9 =	vshrl.u32 v9, $0x7;
	v11 =	vor.u32 v2, v11;
	v10 =	vbroadcast v10, $0x0;
	s28 =	rddreg [dreg:$0x6];
	[sflag:s14] =	ssyncadd.s32 $0xFFFFEE00  }
0xb1: {  	v16 =	vbroadcast v16, $0x0;
	v9 =	vshll.u32 v9, v1;
	v12 =	vor.u32 v0, v12;
	[tilespmem:s13], [sflag:$0x3] =	stream.linear.gather [hbm4b:s28+s3], $0x1200, $0x38;
	[tilespmem:$0x1F800] =	vst v63  }
0xb2: {  	v15 =	vshrl.u32 v15, $0x7;
	v9 =	vbroadcast v9, $0x0;
	v10 =	vor.u32 v2, v10;
	_ =	swait.ge [sflag:s14], $0x1200  }
0xb3: {  	s0 =	simm.s32 $0x180;
	v14 =	vor.u32 v2, v14;
	v15 =	vshll.u32 v15, v1;
	v18 =	vor.u32 v0, v16;
	s31 =	simm.s32 $0x200;
	[sflag:s14] =	ssyncset.done $0x0  }
0xb4: {  	v13 =	vmov s0;
	v16 =	vmov s31;
	v9 =	vor.u32 v0, v9;
	[sflag:s14] =	ssyncadd.s32 $0xFFFFEE00  }
0xb5: {  	v13 =	vshrl.u32 v13, $0x7;
	v16 =	vshrl.u32 v16, $0x7;
	v17 =	vld.idx.msk [tilespmem:v11+s13+$0x0], $0xffff;
	v11 =	vbroadcast v15, $0x0  }
0xb6: {  	s30 =	simm.s32 $0x2C0;
	v13 =	vshll.u32 v13, v1;
	v16 =	vshll.u32 v16, v1;
	v12 =	vld.idx.msk [tilespmem:v12+s13+$0x0], $0xffff  }
0xb7: {  	s29 =	simm.s32 $0x240;
	v13 =	vbroadcast v13, $0x0;
	v19 =	vld.idx.msk [tilespmem:v10+s13+$0x0], $0xffff;
	v20 =	vor.u32 v2, v11;
	v11 =	vmov s30  }
0xb8: {  	s2 =	simm.s32 $0x280;
	v16 =	vbroadcast v16, $0x0;
	v10 =	vmov s29;
	v11 =	vshrl.u32 v11, $0x7  }
0xb9: {  	s6 =	simm.s32 $0x20;
	v15 =	vmov s2;
	v10 =	vshrl.u32 v10, $0x7;
	v21 =	vshll.u32 v11, v1;
	v11 =	vld.idx.msk [tilespmem:v9+s13+$0x0], $0xffff  }
0xba: {  	v15 =	vshrl.u32 v15, $0x7;
	v9 =	vshll.u32 v10, v1;
	v10 =	vld.idx.msk [tilespmem:v14+s13+$0x0], $0xffff;
	[tilespmem:s6+$0x1C210] =	vst v17;
	v21 =	vbroadcast v21, $0x0  }
0xbb: {  	v15 =	vshll.u32 v15, v1;
	v14 =	vor.u32 v0, v13;
	[tilespmem:s6+$0x1C1E0] =	vst v12;
	v17 =	vbroadcast v9, $0x0;
	v9 =	vld.idx.msk [tilespmem:v18+s13+$0x0], $0xffff  }
0xbc: {  	s8 =	simm.s32 $0x380;
	s7 =	simm.s32 $0x8;
	v15 =	vbroadcast v15, $0x0;
	[tilespmem:s6+$0x1C1F0] =	vst v19;
	v12 =	vor.u32 v2, v21;
	v13 =	vld.idx.msk [tilespmem:v20+s13+$0x0], $0xffff  }
.LBB2_22:
0xbd: {  	s9 =	sadd.s32 $0xFFFFFFC0, s8;
	v18 =	vmov s8;
	s12 =	sadd.s32 $0x40, s8;
	s7 =	sadd.s32 $0x4, s7;
	v19 =	vor.u32 v0, v16;
	v20 =	vor.u32 v2, v17  }
0xbe: {  	s21 =	sadd.s32 $0xFFFFFF80, s8;
	v16 =	vmov s9;
	v17 =	vshrl.u32 v18, $0x7;
	v18 =	vmov s12;
	p0 =	slt.u32 s7, $0x44  }
.Ltmp12:
0xbf: {  	v21 =	vmov s21;
	v16 =	vshrl.u32 v16, $0x7;
	v18 =	vshrl.u32 v18, $0x7;
	[tilespmem:s6+$0x1C200] =	vst v11;
	s6 =	sshra.s32 s0, $0x2;
	s0 =	smov.u32 s2;
	(pc) =	sbr.rel @p0 .LBB2_22-.Ltmp12, $4  }
0xc0: {  	v21 =	vshrl.u32 v21, $0x7;
	s2 =	smov.u32 s8;
	v22 =	vshll.u32 v16, v1;
	v16 =	vshll.u32 v18, v1;
	v11 =	vld.idx.msk [tilespmem:v14+s13+$0x0], $0xffff;
	[tilespmem:s6+$0x1C210] =	vst v10  }
0xc1: {  	v14 =	vshll.u32 v21, v1;
	v18 =	vshll.u32 v17, v1;
	v21 =	vbroadcast v16, $0x0;
	v10 =	vld.idx.msk [tilespmem:v12+s13+$0x0], $0xffff;
	[tilespmem:s6+$0x1C1E0] =	vst v9  }
0xc2: {  	v16 =	vbroadcast v14, $0x0;
	v17 =	vbroadcast v22, $0x0;
	v14 =	vor.u32 v0, v15;
	v9 =	vld.idx.msk [tilespmem:v19+s13+$0x0], $0xffff;
	[tilespmem:s6+$0x1C1F0] =	vst v13  }
0xc3: {  	s8 =	sadd.s32 $0x100, s8;
	v15 =	vbroadcast v18, $0x0;
	v12 =	vor.u32 v2, v21;
	v13 =	vld.idx.msk [tilespmem:v20+s13+$0x0], $0xffff  }
0xc4: {  	_ =	sdelay $0x1  }
0xc5: {  	v16 =	vor.u32 v0, v16  }
0xc6: {  	v17 =	vor.u32 v2, v17;
	s7 =	simm.s32 $0xC0;
	s8 =	simm.s32 $0x80  }
0xc7: {  	s31 =	simm.s32 $0x40;
	s9 =	simm.s32 $0x0;
	v14 =	vld.idx.msk [tilespmem:v14+s13+$0x0], $0xffff;
	v15 =	vor.u32 v0, v15;
	v18 =	vmov s7;
	v19 =	vmov s8  }
0xc8: {  	s0 =	sshra.s32 s0, $0x2;
	v22 =	vld.idx.msk [tilespmem:v12+s13+$0x0], $0xffff;
	v20 =	vmov s31;
	v21 =	vmov s9;
	[tilespmem:s6+$0x1C200] =	vst v11;
	v18 =	vshrl.u32 v18, $0x7  }
0xc9: {  	v19 =	vshrl.u32 v19, $0x7;
	v20 =	vshrl.u32 v20, $0x7;
	[tilespmem:s0+$0x1C210] =	vst v10;
	v18 =	vshll.u32 v18, v1  }
0xca: {  	v11 =	vshll.u32 v19, v1;
	v19 =	vshrl.u32 v21, $0x7;
	v20 =	vshll.u32 v20, v1;
	[tilespmem:s0+$0x1C1E0] =	vst v9;
	v16 =	vld.idx.msk [tilespmem:v16+s13+$0x0], $0xffff  }
0xcb: {  	v12 =	vbroadcast v11, $0x0;
	v11 =	vshll.u32 v19, v1;
	v10 =	vbroadcast v20, $0x0;
	[tilespmem:s0+$0x1C1F0] =	vst v13;
	v17 =	vld.idx.msk [tilespmem:v17+s13+$0x0], $0xffff  }
0xcc: {  	s21 =	simm.s32 $0x180;
	s2 =	sshra.s32 s2, $0x2;
	s22 =	simm.s32 $0x140;
	v9 =	vbroadcast v18, $0x0;
	v11 =	vbroadcast v11, $0x0;
	[tilespmem:s0+$0x1C200] =	vst v14;
	v13 =	vld.idx.msk [tilespmem:v15+s13+$0x0], $0xffff  }
0xcd: {  	s12 =	simm.s32 $0x1C0;
	v14 =	vmov s21;
	[tilespmem:s2+$0x1C210] =	vst v22;
	v22 =	vmov s22;
	v18 =	vor.u32 v3, v12  }
0xce: {  	v15 =	vmov s12;
	v19 =	vor.u32 v4, v10;
	v21 =	vor.u32 v3, v11  }
0xcf: {  	s23 =	simm.s32 $0x100;
	v20 =	vor.u32 v4, v9;
	v14 =	vshrl.u32 v14, $0x7;
	v22 =	vshrl.u32 v22, $0x7;
	[tilespmem:s2+$0x1C1E0] =	vst v16  }
0xd0: {  	v15 =	vshrl.u32 v15, $0x7;
	v14 =	vshll.u32 v14, v1;
	v16 =	vmov s23;
	[tilespmem:s2+$0x1C1F0] =	vst v17  }
0xd1: {  	v22 =	vshll.u32 v22, v1;
	v17 =	vshrl.u32 v16, $0x7;
	v16 =	vbroadcast v14, $0x0;
	[tilespmem:s2+$0x1C200] =	vst v13  }
0xd2: {  	v13 =	vshll.u32 v15, v1;
	v15 =	vbroadcast v22, $0x0;
	v14 =	vshll.u32 v17, v1;
	v17 =	vld.idx.msk [tilespmem:v18+s13+$0x0], $0xffff  }
0xd3: {  	s24 =	simm.s32 $0x2C0;
	v25 =	vld.idx.msk [tilespmem:v21+s13+$0x0], $0xffff;
	v14 =	vbroadcast v14, $0x0;
	v23 =	vor.u32 v3, v16  }
0xd4: {  	s25 =	simm.s32 $0x280;
	s29 =	simm.s32 $0x200;
	v13 =	vbroadcast v13, $0x0;
	v18 =	vmov s24;
	v30 =	vld.idx.msk [tilespmem:v19+s13+$0x0], $0xffff;
	v26 =	vor.u32 v4, v15  }
0xd5: {  	s26 =	simm.s32 $0x240;
	v19 =	vmov s25;
	v22 =	vld.idx.msk [tilespmem:v20+s13+$0x0], $0xffff;
	v20 =	vmov s29;
	v31 =	vor.u32 v3, v14  }
0xd6: {  	s28 =	simm.s32 $0x20;
	v27 =	vshrl.u32 v18, $0x7;
	v18 =	vmov s26;
	v19 =	vshrl.u32 v19, $0x7  }
0xd7: {  	s30 =	simm.s32 $0x0;
	s2 =	sand.u32 $0x7E0, s28;
	v20 =	vshrl.u32 v20, $0x7;
	v21 =	vor.u32 v4, v13;
	v19 =	vshll.u32 v19, v1  }
0xd8: {  	s31 =	simm.s32 $0x10;
	s0 =	sand.u32 $0x7C0, s30;
	v18 =	vshrl.u32 v18, $0x7;
	v20 =	vshll.u32 v20, v1;
	[tilespmem:s2+$0x1C680] =	vst v17;
	v17 =	vbroadcast v19, $0x0;
	v24 =	vld.idx.msk [tilespmem:v23+s13+$0x0], $0xffff  }
0xd9: {  	s6 =	simm.s32 $0x8;
	s22 =	simm.s32 $0x30;
	s23 =	sand.u32 $0x7D0, s31;
	v18 =	vshll.u32 v18, v1;
	v29 =	vbroadcast v20, $0x0;
	v19 =	vshll.u32 v27, v1;
	[tilespmem:s0+$0x1C680] =	vst v25;
	v23 =	vld.idx.msk [tilespmem:v26+s13+$0x0], $0xffff  }
0xda: {  	s8 =	simm.s32 $0x3C0;
	s7 =	simm.s32 $0x30;
	s9 =	sand.u32 $0x7F0, s22;
	v27 =	vbroadcast v18, $0x0;
	[tilespmem:s23+$0x1C680] =	vst v30;
	v28 =	vbroadcast v19, $0x0;
	v26 =	vor.u32 v3, v17;
	v25 =	vld.idx.msk [tilespmem:v31+s13+$0x0], $0xffff  }
.LBB2_24:
0xdb: {  	s12 =	sadd.s32 $0xFFFFFFC0, s8  }
0xdc: {  	v30 =	vmov s8;
	s6 =	sadd.s32 $0x4, s6;
	v31 =	vor.u32 v4, v27;
	[tilespmem:s9+$0x1C680] =	vst v22;
	v22 =	vld.idx.msk [tilespmem:v21+s13+$0x0], $0xffff;
	v21 =	vor.u32 v4, v28;
	s7 =	sadd.s32 $0x40, s7;
	s9 =	sadd.s32 $0xFFFFFF80, s8  }
0xdd: {  	s21 =	sadd.s32 $0xFFFFFF40, s8;
	v27 =	vmov s12;
	v28 =	vshrl.u32 v30, $0x7;
	p0 =	slt.u32 s6, $0x44;
	v30 =	vor.u32 v3, v29;
	s12 =	sadd.s32 $0xFFFFFFF0, s7  }
.Ltmp13:
0xde: {  	v29 =	vmov s9;
	s9 =	sadd.s32 $0xFFFFFFD0, s7;
	v27 =	vshrl.u32 v27, $0x7;
	v28 =	vshll.u32 v28, v1;
	s12 =	sand.u32 $0x7E0, s12;
	(pc) =	sbr.rel @p0 .LBB2_24-.Ltmp13, $4  }
0xdf: {  	v32 =	vmov s21;
	s24 =	sadd.s32 $0xFFFFFFE0, s7;
	v29 =	vshrl.u32 v29, $0x7;
	s21 =	sand.u32 $0x7C0, s9;
	s9 =	sand.u32 $0x7F0, s7;
	v27 =	vshll.u32 v27, v1;
	[tilespmem:s12+$0x1C680] =	vst v24  }
0xe0: {  	v32 =	vshrl.u32 v32, $0x7;
	v29 =	vshll.u32 v29, v1;
	s12 =	sand.u32 $0x7D0, s24;
	v34 =	vmovc v23;
	v33 =	vbroadcast v27, $0x0;
	v24 =	vld.idx.msk [tilespmem:v26+s13+$0x0], $0xffff  }
0xe1: {  	v28 =	vbroadcast v28, $0x0;
	v26 =	vshll.u32 v32, v1;
	v27 =	vbroadcast v29, $0x0;
	v23 =	vld.idx.msk [tilespmem:v31+s13+$0x0], $0xffff;
	[tilespmem:s21+$0x1C680] =	vst v25  }
0xe2: {  	s8 =	sadd.s32 $0x100, s8;
	v29 =	vbroadcast v26, $0x0;
	v26 =	vor.u32 v3, v33;
	v25 =	vld.idx.msk [tilespmem:v30+s13+$0x0], $0xffff;
	[tilespmem:s12+$0x1C680] =	vst v34  }
0xe3: {  	_ = 	snop  }
0xe4: {  	v27 =	vor.u32 v4, v27  }
0xe5: {  	v28 =	vor.u32 v4, v28  }
0xe6: {  	s6 =	sadd.s32 $0x40, s7;
	v29 =	vor.u32 v3, v29  }
0xe7: {  	v21 =	vld.idx.msk [tilespmem:v21+s13+$0x0], $0xffff;
	s7 =	sadd.s32 $0xFFFFFFF0, s6  }
0xe8: {  	[tilespmem:s9+$0x1C680] =	vst v22;
	v22 =	vld.idx.msk [tilespmem:v26+s13+$0x0], $0xffff;
	s21 =	sadd.s32 $0xFFFFFFE0, s6;
	s7 =	sand.u32 $0x7E0, s7  }
0xe9: {  	s8 =	sadd.s32 $0xFFFFFFD0, s6;
	s24 =	sand.u32 $0x7D0, s21;
	[tilespmem:s7+$0x1C680] =	vst v24;
	v63 =	vld.idx.msk [tilespmem:v27+s13+$0x0], $0xffff  }
0xea: {  	s25 =	sadd.s32 $0x40, s6;
	s8 =	sand.u32 $0x7C0, s8;
	[tilespmem:s24+$0x1C680] =	vst v23;
	v23 =	vld.idx.msk [tilespmem:v28+s13+$0x0], $0xffff  }
0xeb: {  	p1 =	por $0x1, $0x1;
	s6 =	sand.u32 $0x7F0, s6;
	s26 =	sadd.s32 $0xFFFFFFF0, s25;
	[tilespmem:s8+$0x1C680] =	vst v25;
	v62 =	vld.idx.msk [tilespmem:v29+s13+$0x0], $0xffff  }
.Ltmp14:
0xec: {  	s29 =	sadd.s32 $0xFFFFFFE0, s25;
	s7 =	sand.u32 $0x7E0, s26;
	[tilespmem:s6+$0x1C680] =	vst v21;
	(pc) =	sbr.rel @!p1 .LBB2_26-.Ltmp14, $4  }
0xed: {  	s30 =	sand.u32 $0x7D0, s29;
	[tilespmem:s7+$0x1C680] =	vst v22  }
0xee: {  	s28 =	sadd.s32 $0xFFFFFFD0, s25;
	s31 =	sand.u32 $0x7F0, s25;
	[tilespmem:s30+$0x1C680] =	vst v63  }
0xef: {  	s6 =	sand.u32 $0x7C0, s28;
	[tilespmem:s31+$0x1C680] =	vst v23  }
0xf0: {  	p2 =	por $0x0, $0x0;
	p0 =	por $0x0, $0x0;
	v21 =	vor.u32 v5, v12;
	[tilespmem:s6+$0x1C680] =	vst v62  }
0xf1: {  	v10 =	vor.u32 v6, v10  }
0xf2: {  	v11 =	vor.u32 v5, v11;
	p3 =	por $0x1, $0x1  }
.Ltmp15:
0xf3: {  	_ = 	snop;
	(pc) =	sbr.rel @!p3 .LBB2_28-.Ltmp15, $4  }
0xf4: {  	_ = 	snop  }
0xf5: {  	v12 =	vld.idx.msk [tilespmem:v21+s13+$0x0], $0xffff  }
0xf6: {  	v22 =	vld.idx.msk [tilespmem:v10+s13+$0x0], $0xffff  }
0xf7: {  	v23 =	vor.u32 v6, v9;
	v21 =	vor.u32 v5, v16;
	p2 =	por $0x1, $0x1;
	v16 =	vld.idx.msk [tilespmem:v11+s13+$0x0], $0xffff  }
0xf8: {  	_ = 	snop  }
0xf9: {  	v9 =	vor.u32 v6, v15  }
0xfa: {  	v24 =	vor.u32 v5, v14;
	p4 =	por $0x1, $0x1  }
.Ltmp16:
0xfb: {  	_ = 	snop;
	(pc) =	sbr.rel @!p4 .LBB2_30-.Ltmp16, $4  }
0xfc: {  	v15 =	vld.idx.msk [tilespmem:v23+s13+$0x0], $0xffff;
	v13 =	vor.u32 v6, v13  }
0xfd: {  	[tilespmem:s2+$0x1CB00] =	vst v12;
	v12 =	vld.idx.msk [tilespmem:v21+s13+$0x0], $0xffff  }
0xfe: {  	s6 =	simm.s32 $0x8;
	v10 =	vbroadcast v18, $0x0;
	s7 =	simm.s32 $0x3C0;
	[tilespmem:s23+$0x1CB00] =	vst v22;
	v14 =	vld.idx.msk [tilespmem:v9+s13+$0x0], $0xffff  }
0xff: {  	v11 =	vbroadcast v20, $0x0;
	p3 =	por $0x1, $0x1;
	s2 =	sand.u32 $0x7F0, s22;
	v21 =	vor.u32 v5, v17;
	[tilespmem:s0+$0x1CB00] =	vst v16;
	s0 =	simm.s32 $0x30;
	v9 =	vbroadcast v19, $0x0;
	v16 =	vld.idx.msk [tilespmem:v24+s13+$0x0], $0xffff  }
.LBB2_31:
0x100: {  	s8 =	sadd.s32 $0xFFFFFFC0, s7  }
0x101: {  	v17 =	vmov s7;
	s6 =	sadd.s32 $0x4, s6;
	v18 =	vor.u32 v6, v10;
	[tilespmem:s2+$0x1CB00] =	vst v15;
	v15 =	vld.idx.msk [tilespmem:v13+s13+$0x0], $0xffff;
	v13 =	vor.u32 v6, v9;
	s0 =	sadd.s32 $0x40, s0;
	s2 =	sadd.s32 $0xFFFFFF80, s7  }
0x102: {  	s9 =	sadd.s32 $0xFFFFFF40, s7;
	v9 =	vmov s8;
	v10 =	vshrl.u32 v17, $0x7;
	p4 =	slt.u32 s6, $0x44;
	v17 =	vor.u32 v5, v11;
	s8 =	sadd.s32 $0xFFFFFFF0, s0  }
.Ltmp17:
0x103: {  	v11 =	vmov s2;
	s2 =	sadd.s32 $0xFFFFFFD0, s0;
	v9 =	vshrl.u32 v9, $0x7;
	v19 =	vshll.u32 v10, v1;
	s8 =	sand.u32 $0x7E0, s8;
	(pc) =	sbr.rel @p4 .LBB2_31-.Ltmp17, $4  }
0x104: {  	s12 =	sadd.s32 $0xFFFFFFE0, s0;
	v10 =	vmov s9;
	v11 =	vshrl.u32 v11, $0x7;
	s9 =	sand.u32 $0x7C0, s2;
	s2 =	sand.u32 $0x7F0, s0;
	v9 =	vshll.u32 v9, v1;
	[tilespmem:s8+$0x1CB00] =	vst v12  }
0x105: {  	v10 =	vshrl.u32 v10, $0x7;
	v11 =	vshll.u32 v11, v1;
	s8 =	sand.u32 $0x7D0, s12;
	v22 =	vmovc v14;
	v20 =	vbroadcast v9, $0x0;
	v12 =	vld.idx.msk [tilespmem:v21+s13+$0x0], $0xffff  }
0x106: {  	v21 =	vshll.u32 v10, v1;
	v10 =	vbroadcast v11, $0x0;
	v9 =	vbroadcast v19, $0x0;
	v14 =	vld.idx.msk [tilespmem:v18+s13+$0x0], $0xffff;
	[tilespmem:s9+$0x1CB00] =	vst v16  }
0x107: {  	s7 =	sadd.s32 $0x100, s7;
	v11 =	vbroadcast v21, $0x0;
	v21 =	vor.u32 v5, v20;
	v16 =	vld.idx.msk [tilespmem:v17+s13+$0x0], $0xffff;
	[tilespmem:s8+$0x1CB00] =	vst v22  }
0x108: {  	_ =	sdelay $0x2  }
0x109: {  	v23 =	vmov v13;
	v22 =	vmov v14  }
.LBB2_33:
0x10a: {  	_ =	sdelay $0x1  }
0x10b: {  	v11 =	vor.u32 v5, v11  }
0x10c: {  	v10 =	vor.u32 v6, v10;
	s0 =	sadd.s32 @p3 $0x40, s0;
	s6 =	simm.s32 $0x30  }
0x10d: {  	v9 =	vor.u32 v6, v9;
	v13 =	vld.idx.msk @p2 [tilespmem:v23+s13+$0x0], $0xffff;
	s6 =	smov.u32 @p3 s0  }
0x10e: {  	s0 =	sadd.s32 @p2 $0xFFFFFFF0, s6;
	s7 =	sadd.s32 @p2 $0xFFFFFFD0, s6  }
0x10f: {  	[tilespmem:s2+$0x1CB00] =	vst @p3 v15;
	v14 =	vld.idx.msk [tilespmem:v21+s13+$0x0], $0xffff;
	s21 =	simm.s32 $0xC0;
	s0 =	sand.u32 @p2 $0x7E0, s0;
	s2 =	sand.u32 @p2 $0x7C0, s7  }
0x110: {  	s7 =	sadd.s32 @p2 $0xFFFFFFE0, s6;
	[tilespmem:s0+$0x1CB00] =	vst @p2 v12;
	s0 =	sand.u32 @p2 $0x7F0, s6;
	s6 =	sadd.s32 @p2 $0x40, s6;
	v11 =	vld.idx.msk [tilespmem:v11+s13+$0x0], $0xffff  }
0x111: {  	s23 =	simm.s32 $0x80;
	s7 =	sand.u32 @p2 $0x7D0, s7;
	v12 =	vmov @p2 v22;
	[tilespmem:s2+$0x1CB00] =	vst @p2 v16;
	v10 =	vld.idx.msk [tilespmem:v10+s13+$0x0], $0xffff;
	s22 =	smov.u32 @p2 s6  }
0x112: {  	s25 =	simm.s32 $0x40;
	[tilespmem:s7+$0x1CB00] =	vst @p2 v12;
	v12 =	vpsel p2, v13, v0;
	s0 =	smov.u32 @p2 s0;
	v9 =	vld.idx.msk [tilespmem:v9+s13+$0x0], $0xffff;
	s24 =	sadd.s32 $0xFFFFFFF0, s22  }
0x113: {  	s29 =	simm.s32 $0x0;
	v15 =	vmov s23;
	v13 =	vmov s21;
	[tilespmem:s0+$0x1CB00] =	vst @p2 v12;
	s26 =	sadd.s32 $0xFFFFFFD0, s22;
	s28 =	sand.u32 $0x7E0, s24  }
.Ltmp18:
0x114: {  	v15 =	vshrl.u32 v15, $0x7;
	v12 =	vshrl.u32 v13, $0x7;
	v13 =	vmov s25;
	s30 =	sadd.s32 $0xFFFFFFE0, s22;
	s0 =	sand.u32 $0x7C0, s26;
	[tilespmem:s28+$0x1CB00] =	vst v14;
	(pc) =	sbr.rel @!p1 .LBB2_34-.Ltmp18, $4  }
0x115: {  	v15 =	vshll.u32 v15, v1;
	v13 =	vshrl.u32 v13, $0x7;
	s2 =	sand.u32 $0x7D0, s30;
	v14 =	vmov s29;
	[tilespmem:s0+$0x1CB00] =	vst v11  }
0x116: {  	s31 =	sand.u32 $0x7F0, s22;
	v13 =	vshll.u32 v13, v1;
	v11 =	vshrl.u32 v14, $0x7;
	v14 =	vbroadcast v15, $0x0;
	[tilespmem:s2+$0x1CB00] =	vst v10  }
0x117: {  	v16 =	vbroadcast v13, $0x0;
	v10 =	vshll.u32 v12, v1;
	[tilespmem:s31+$0x1CB00] =	vst v9;
	v11 =	vshll.u32 v11, v1  }
0x118: {  	s0 =	simm.s32 $0x30;
	s2 =	simm.s32 $0x1C0;
	v17 =	vbroadcast v10, $0x0;
	[dreg:$0x9] =	wrdreg s20;
	v15 =	vbroadcast v11, $0x0;
	v9 =	vor.u32 v7, v14  }
0x119: {  	s6 =	simm.s32 $0x180;
	v10 =	vmov s2;
	v11 =	vor.u32 v8, v16  }
0x11a: {  	s30 =	simm.s32 $0x140;
	p2 =	por $0x1, $0x1;
	v18 =	vor.u32 v8, v17;
	v12 =	vmov s6;
	v13 =	vor.u32 v7, v15  }
.Ltmp19:
0x11b: {  	s31 =	simm.s32 $0x100;
	v14 =	vshrl.u32 v10, $0x7;
	v10 =	vmov s30;
	v12 =	vshrl.u32 v12, $0x7;
	(pc) =	sbr.rel @!p2 .LBB2_36-.Ltmp19, $4  }
0x11c: {  	v15 =	vmov s31;
	v10 =	vshrl.u32 v10, $0x7;
	v12 =	vshll.u32 v12, v1  }
0x11d: {  	v15 =	vshrl.u32 v15, $0x7;
	v16 =	vshll.u32 v10, v1;
	v10 =	vld.idx.msk [tilespmem:v9+s13+$0x0], $0xffff;
	v12 =	vbroadcast v12, $0x0  }
0x11e: {  	v9 =	vshll.u32 v14, v1;
	v15 =	vshll.u32 v15, v1;
	v16 =	vbroadcast v16, $0x0;
	v14 =	vld.idx.msk [tilespmem:v11+s13+$0x0], $0xffff  }
0x11f: {  	s2 =	simm.s32 $0x2C0;
	p1 =	por $0x1, $0x1;
	v17 =	vbroadcast v9, $0x0;
	v15 =	vbroadcast v15, $0x0;
	v9 =	vor.u32 v7, v12;
	v11 =	vld.idx.msk [tilespmem:v13+s13+$0x0], $0xffff  }
0x120: {  	_ = 	snop  }
0x121: {  	s6 =	simm.s32 $0x280;
	v12 =	vmov s2;
	v19 =	vor.u32 v8, v16  }
0x122: {  	s28 =	simm.s32 $0x240;
	p2 =	por $0x1, $0x1;
	v13 =	vor.u32 v8, v17;
	v16 =	vmov s6;
	v20 =	vor.u32 v7, v15  }
.Ltmp20:
0x123: {  	s29 =	simm.s32 $0x20;
	s7 =	simm.s32 $0x200;
	v15 =	vshrl.u32 v12, $0x7;
	v17 =	vmov s28;
	v16 =	vshrl.u32 v16, $0x7;
	(pc) =	sbr.rel @!p2 .LBB2_38-.Ltmp20, $4  }
0x124: {  	s8 =	simm.s32 $0x10;
	s30 =	sand.u32 $0x7E0, s29;
	v12 =	vld.idx.msk [tilespmem:v18+s13+$0x0], $0xffff;
	v18 =	vmov s7;
	v17 =	vshrl.u32 v17, $0x7;
	v16 =	vshll.u32 v16, v1  }
0x125: {  	s31 =	simm.s32 $0x0;
	s9 =	sand.u32 $0x7D0, s8;
	[tilespmem:s30+$0x1CF80] =	vst v10;
	v18 =	vshrl.u32 v18, $0x7;
	v10 =	vld.idx.msk [tilespmem:v9+s13+$0x0], $0xffff;
	v17 =	vshll.u32 v17, v1;
	v21 =	vbroadcast v16, $0x0  }
0x126: {  	s2 =	simm.s32 $0x8;
	p0 =	por $0x1, $0x1;
	s6 =	sand.u32 $0x7C0, s31;
	v9 =	vshll.u32 v15, v1;
	v15 =	vshll.u32 v18, v1;
	[tilespmem:s9+$0x1CF80] =	vst v14;
	v16 =	vbroadcast v17, $0x0;
	v19 =	vld.idx.msk [tilespmem:v19+s13+$0x0], $0xffff  }
0x127: {  	s7 =	sand.u32 $0x7F0, s0;
	s8 =	simm.s32 $0x3C0;
	[tilespmem:s6+$0x1CF80] =	vst v11;
	v17 =	vbroadcast v9, $0x0;
	v15 =	vbroadcast v15, $0x0;
	s6 =	simm.s32 $0x30;
	v9 =	vor.u32 v7, v21;
	v11 =	vld.idx.msk [tilespmem:v20+s13+$0x0], $0xffff  }
.LBB2_39:
0x128: {  	s9 =	sadd.s32 $0xFFFFFFC0, s8  }
0x129: {  	v14 =	vmov s8;
	s2 =	sadd.s32 $0x4, s2;
	v18 =	vor.u32 v8, v16;
	[tilespmem:s7+$0x1CF80] =	vst v12;
	v12 =	vld.idx.msk [tilespmem:v13+s13+$0x0], $0xffff;
	v13 =	vor.u32 v8, v17;
	s6 =	sadd.s32 $0x40, s6;
	s7 =	sadd.s32 $0xFFFFFF80, s8  }
0x12a: {  	s12 =	sadd.s32 $0xFFFFFF40, s8;
	v16 =	vmov s9;
	v14 =	vshrl.u32 v14, $0x7;
	p2 =	slt.u32 s2, $0x44;
	v20 =	vor.u32 v7, v15;
	s9 =	sadd.s32 $0xFFFFFFF0, s6  }
.Ltmp21:
0x12b: {  	v15 =	vmov s7;
	s7 =	sadd.s32 $0xFFFFFFD0, s6;
	v16 =	vshrl.u32 v16, $0x7;
	v14 =	vshll.u32 v14, v1;
	s9 =	sand.u32 $0x7E0, s9;
	(pc) =	sbr.rel @p2 .LBB2_39-.Ltmp21, $4  }
0x12c: {  	v17 =	vmov s12;
	s21 =	sadd.s32 $0xFFFFFFE0, s6;
	v15 =	vshrl.u32 v15, $0x7;
	s12 =	sand.u32 $0x7C0, s7;
	s7 =	sand.u32 $0x7F0, s6;
	v16 =	vshll.u32 v16, v1;
	[tilespmem:s9+$0x1CF80] =	vst v10  }
0x12d: {  	v17 =	vshrl.u32 v17, $0x7;
	v15 =	vshll.u32 v15, v1;
	s9 =	sand.u32 $0x7D0, s21;
	v22 =	vmovc v19;
	v21 =	vbroadcast v16, $0x0;
	v10 =	vld.idx.msk [tilespmem:v9+s13+$0x0], $0xffff  }
0x12e: {  	v9 =	vshll.u32 v17, v1;
	v16 =	vbroadcast v15, $0x0;
	v17 =	vbroadcast v14, $0x0;
	v19 =	vld.idx.msk [tilespmem:v18+s13+$0x0], $0xffff;
	[tilespmem:s12+$0x1CF80] =	vst v11  }
0x12f: {  	s8 =	sadd.s32 $0x100, s8;
	v15 =	vbroadcast v9, $0x0;
	v9 =	vor.u32 v7, v21;
	v11 =	vld.idx.msk [tilespmem:v20+s13+$0x0], $0xffff;
	[tilespmem:s9+$0x1CF80] =	vst v22  }
0x130: {  	_ =	sdelay $0x2  }
0x131: {  	v18 =	vmov v13;
	v14 =	vmov v19  }
.LBB2_41:
0x132: {  	_ =	sdelay $0x1  }
0x133: {  	v13 =	vor.u32 v7, v15  }
0x134: {  	v60 =	vor.u32 v8, v16;
	s2 =	sadd.s32 @p0 $0x40, s6;
	s6 =	simm.s32 $0x30  }
0x135: {  	v61 =	vor.u32 v8, v17;
	v17 =	vld.idx.msk @p1 [tilespmem:v18+s13+$0x0], $0xffff;
	s6 =	smov.u32 @p0 s2  }
0x136: {  	s2 =	sadd.s32 @p1 $0xFFFFFFF0, s6  }
0x137: {  	[tilespmem:s7+$0x1CF80] =	vst @p0 v12;
	v9 =	vld.idx.msk [tilespmem:v9+s13+$0x0], $0xffff;
	s7 =	sadd.s32 @p1 $0xFFFFFFD0, s6;
	s2 =	sand.u32 @p1 $0x7E0, s2  }
0x138: {  	s8 =	sadd.s32 @p1 $0xFFFFFFE0, s6;
	s7 =	sand.u32 @p1 $0x7C0, s7;
	[tilespmem:s2+$0x1CF80] =	vst @p1 v10;
	s2 =	sadd.s32 @p1 $0x40, s6;
	v10 =	vld.idx.msk [tilespmem:v13+s13+$0x0], $0xffff  }
0x139: {  	v12 =	vmov @p1 v14;
	s8 =	sand.u32 @p1 $0x7D0, s8;
	s6 =	sand.u32 @p1 $0x7F0, s6;
	[tilespmem:s7+$0x1CF80] =	vst @p1 v11;
	v62 =	vld.idx.msk [tilespmem:v60+s13+$0x0], $0xffff;
	s0 =	smov.u32 @p1 s2  }
0x13a: {  	[tilespmem:s8+$0x1CF80] =	vst @p1 v12;
	v11 =	vpsel p1, v17, v0;
	s2 =	smov.u32 @p1 s6;
	v63 =	vld.idx.msk [tilespmem:v61+s13+$0x0], $0xffff;
	s28 =	sadd.s32 $0xFFFFFFF0, s0  }
0x13b: {  	[tilespmem:s2+$0x1CF80] =	vst @p1 v11;
	s29 =	sadd.s32 $0xFFFFFFD0, s0;
	s6 =	sand.u32 $0x7E0, s28  }
0x13c: {  	s30 =	sadd.s32 $0xFFFFFFE0, s0;
	s2 =	sand.u32 $0x7C0, s29;
	[tilespmem:s6+$0x1CF80] =	vst v9  }
0x13d: {  	s31 =	sand.u32 $0x7D0, s30;
	[tilespmem:s2+$0x1CF80] =	vst v10  }
0x13e: {  	s0 =	sand.u32 $0x7F0, s0;
	[tilespmem:s31+$0x1CF80] =	vst v62  }
0x13f: {  	[tilespmem:s0+$0x1CF80] =	vst v63  }
0x140: {  	s0 =	rddreg [dreg:$0x7]  }
0x141: {  	[spmem:s0] =	stream.linear.scatter [tilespmem:s15], [sflag:$0x3], $0x1200, $0x38;
	[tilespmem:$0x1F800] =	vst v63  }
.Ltmp22:
0x142: {  	_ =	swait.ge [sflag:s14], $0x1200;
	(pc) =	sbr.rel .LBB2_42-.Ltmp22, $4  }
0x143: {  	[sflag:s14] =	ssyncset.done $0x0  }
0x144: {  	[sflag:s14] =	ssyncadd.s32 $0xFFFFEE00  }
0x145: {  	[bflag:$0x0] =	sbarrier.arrive $0xFFFF  }
0x146: {  	s22 =	simm.s32 $0x0;
	s23 =	simm.s32 $0x0  }
.LBB2_56:
0x147: {  	s0 =	smul.u32 $0x48000, s24;
	_ =	sdelay $0x1  }
0x148: {  	s23 =	sadd.s32 $0x1, s23;
	s0 =	sor.u32 s25, s0  }
0x149: {  	p0 =	sne.s32 s23, $0xC;
	s0 =	sshrl.u32 s0, $0x3  }
.Ltmp23:
0x14a: {  	s2 =	simm.s32 $0x12000;
	s0 =	sadd.s32 s5, s0;
	(pc) =	sbr.rel @!p0 .LBB2_57-.Ltmp23, $4  }
0x14b: {  	[hbm4b:s0+s16] =	stream.strided.scatter [tilespmem:s2], [sflag:$0x3], $0x9000, s17, s16, $0x38;
	[tilespmem:$0x1F800] =	vst v63  }
0x14c: {  	_ =	swait.ge [sflag:s14], $0x9000  }
0x14d: {  	[sflag:s14] =	ssyncset.done $0x0  }
0x14e: {  	[sflag:s14] =	ssyncadd.s32 $0xFFFF7000  }
.LBB2_42:
0x14f: {  	s0 =	sadd.s32 s10, s23  }
0x150: {  	s24 =	sshrl.u32 s0, $0x3  }
0x151: {  	s0 =	sshll.u32 s0, $0x7;
	s26 =	smul.u32 $0x120000, s24  }
0x152: {  	s25 =	sand.u32 $0x380, s0  }
0x153: {  	s0 =	sor.u32 s25, s26  }
0x154: {  	s0 =	sshrl.u32 s0, $0x3  }
0x155: {  	s0 =	sadd.s32 s4, s0  }
0x156: {  	[tilespmem:s22], [sflag:$0x3] =	stream.strided.gather [hbm4b:s0+s16], $0x12000, s17, s16, $0x38;
	[tilespmem:$0x1F800] =	vst v63  }
0x157: {  	_ =	swait.ge [sflag:s14], $0x12000  }
0x158: {  	[sflag:s14] =	ssyncset.done $0x0  }
0x159: {  	[sflag:s14] =	ssyncadd.s32 $0xFFFEE000  }
0x15a: {  	[tilespmem:s13], [sflag:$0x1] =	stream.linear.gather [spmem:s1], $0x1200, $0x38;
	[tilespmem:$0x1F800] =	vst v63  }
0x15b: {  	s28 =	simm.s32 $0x480;
	s29 =	simm.s32 $0x0;
	s30 =	simm.s32 $0x0  }
0x15c: {  	[tilespmem:s15], [sflag:$0x2] =	stream.linear.gather [spmem:s11], $0x1200, $0x38;
	[tilespmem:$0x1F800] =	vst v63  }
.LBB2_43:
0x15d: {  	_ =	swait.ge [sflag:s18], $0x1200  }
0x15e: {  	s2 =	simm.s32 $0x0;
	[sflag:s18] =	ssyncset.done $0x0  }
0x15f: {  	s0 =	sand.u32 $0x7C0, s2;
	[sflag:s18] =	ssyncadd.s32 $0xFFFFEE00  }
0x160: {  	s31 =	simm.s32 $0x1B000;
	v9 =	vld [tilespmem:s0+$0x1B480]  }
0x161: {  	v10 =	vld [tilespmem:s31+$0x0]  }
0x162: {  	v11 =	vld [tilespmem:s31+$0x490]  }
0x163: {  	v12 =	vld [tilespmem:s0+$0x1B900]  }
0x164: {  	v13 =	vld [tilespmem:s31+$0x4A0]  }
0x165: {  	v14 =	vld [tilespmem:s0+$0x1BD80]  }
0x166: {  	v16 =	vld [tilespmem:s31+$0x4B0]  }
0x167: {  	v18 =	vld [tilespmem:s31+$0x10]  }
0x168: {  	v19 =	vld [tilespmem:s31+$0x20]  }
0x169: {  	v21 =	vld [tilespmem:s31+$0x30];
	vm0 =	vlt.s32 v9, $0x11FFF  }
0x16a: {  	v22 =	vld [tilespmem:s31+$0x910];
	vm1 =	vlt.s32 v10, $0x11FFF;
	v15 =	vnsel vm0, $0x11FFF, v9  }
0x16b: {  	v24 =	vld [tilespmem:s31+$0x920];
	v17 =	vnsel vm1, $0x11FFF, v10;
	vm0 =	vlt.s32 v12, $0x11FFF  }
0x16c: {  	v27 =	vld [tilespmem:s31+$0xDA0];
	vm11 =	vlt.s32 v11, $0x12000;
	v20 =	vnsel vm0, $0x11FFF, v12;
	vm0 =	vlt.s32 v14, $0x11FFF  }
0x16d: {  	v25 =	vld [tilespmem:s31+$0x930];
	vm9 =	vlt.s32 v13, $0x12000;
	v23 =	vnsel vm0, $0x11FFF, v14;
	vm0 =	vlt.s32 v11, $0x11FFF  }
0x16e: {  	v26 =	vld [tilespmem:s31+$0xD90];
	vm7 =	vlt.s32 v16, $0x12000;
	v11 =	vnsel vm0, $0x11FFF, v11;
	vm0 =	vlt.s32 v13, $0x11FFF  }
0x16f: {  	vm10 =	vlt.s32 v18, $0x12000;
	vm2 =	vlt.s32 v21, $0x11FFF;
	v13 =	vnsel vm0, $0x11FFF, v13;
	v15 =	vld.idx.msk [tilespmem:v15+s3+$0x0], $0xffff  }
0x170: {  	vm3 =	vlt.s32 v22, $0x11FFF;
	vm4 =	vlt.s32 v9, $0x12000;
	vm0 =	vlt.s32 v16, $0x11FFF;
	v17 =	vld.idx.msk [tilespmem:v17+s3+$0x0], $0xffff  }
0x171: {  	v28 =	vld [tilespmem:s31+$0xDB0];
	vm5 =	vlt.s32 v27, $0x11FFF;
	vm1 =	vlt.s32 v18, $0x11FFF;
	v16 =	vnsel vm0, $0x11FFF, v16  }
0x172: {  	v18 =	vnsel vm1, $0x11FFF, v18;
	vm1 =	vlt.s32 v19, $0x12000;
	vm0 =	vlt.s32 v19, $0x11FFF;
	v20 =	vld.idx.msk [tilespmem:v20+s3+$0x0], $0xffff  }
0x173: {  	v19 =	vnsel vm0, $0x11FFF, v19;
	vm0 =	vlt.s32 v21, $0x12000;
	v21 =	vnsel vm2, $0x11FFF, v21;
	v23 =	vld.idx.msk [tilespmem:v23+s3+$0x0], $0xffff  }
0x174: {  	vm2 =	vlt.s32 v22, $0x12000;
	v22 =	vnsel vm3, $0x11FFF, v22;
	v13 =	vld.idx.msk [tilespmem:v13+s3+$0x0], $0xffff;
	v9 =	vnsel vm4, $0xFF800000, v15  }
0x175: {  	vm3 =	vlt.s32 v10, $0x12000;
	v15 =	vld.idx.msk [tilespmem:v11+s3+$0x0], $0xffff;
	vm4 =	vlt.s32 v24, $0x11FFF;
	v10 =	vmax.f32 v17, v9  }
0x176: {  	vm12 =	vlt.s32 v28, $0x11FFF;
	v16 =	vld.idx.msk [tilespmem:v16+s3+$0x0], $0xffff;
	v9 =	vsel vm3, v10, v9;
	v10 =	vnsel vm4, $0x11FFF, v24  }
0x177: {  	v61 =	vnsel vm5, $0x11FFF, v27;
	v17 =	vld.idx.msk [tilespmem:v18+s3+$0x0], $0xffff;
	vm3 =	vlt.s32 v25, $0x11FFF;
	vm4 =	vlt.s32 v12, $0x12000  }
0x178: {  	s8 =	sadd.s32 $0x0, s29;
	v19 =	vld.idx.msk [tilespmem:v19+s3+$0x0], $0xffff;
	v12 =	vnsel vm3, $0x11FFF, v25;
	vm3 =	vlt.s32 v26, $0x11FFF;
	v11 =	vmax.f32 v9, v20  }
0x179: {  	s8 =	sand.u32 $0x1FF80, s8;
	vm5 =	vlt.s32 v14, $0x12000;
	v20 =	vnsel vm3, $0x11FFF, v26;
	v18 =	vsel vm4, v11, v9;
	v9 =	vld.idx.msk [tilespmem:v21+s3+$0x0], $0xffff  }
0x17a: {  	s2 =	sand.u32 $0x40, s2;
	s8 =	sadd.s32 $0x12000, s8;
	v11 =	vld.idx.msk [tilespmem:v22+s3+$0x0], $0xffff;
	v14 =	vmax.f32 v18, v23;
	v62 =	vnsel vm11, $0xFF800000, v15;
	v15 =	vnsel vm12, $0x11FFF, v28  }
0x17b: {  	s6 =	simm.s32 $0x10;
	s7 =	simm.s32 $0x20;
	s2 =	sor.u32 s2, s8;
	vm6 =	vlt.s32 v26, $0x12000;
	v14 =	vsel vm5, v14, v18;
	v10 =	vld.idx.msk [tilespmem:v10+s3+$0x0], $0xffff  }
0x17c: {  	s9 =	simm.s32 $0x30;
	s6 =	sand.u32 $0x50, s6;
	s7 =	sand.u32 $0x60, s7;
	vm8 =	vlt.s32 v27, $0x12000;
	vm3 =	vlt.s32 v24, $0x12000;
	vm4 =	vlt.s32 v25, $0x12000;
	[tilespmem:s2+$0x0] =	vst v14;
	v14 =	vld.idx.msk [tilespmem:v61+s3+$0x0], $0xffff  }
0x17d: {  	s9 =	sand.u32 $0x70, s9;
	s0 =	simm.s32 $0x0;
	s21 =	sor.u32 s6, s8;
	vm5 =	vlt.s32 v28, $0x12000;
	v18 =	vnsel vm9, $0xFF800000, v13;
	v63 =	vmax.f32 v17, v62;
	v12 =	vld.idx.msk [tilespmem:v12+s3+$0x0], $0xffff  }
0x17e: {  	s12 =	sor.u32 s7, s8;
	s9 =	sor.u32 s9, s8;
	v17 =	vnsel vm7, $0xFF800000, v16;
	v16 =	vsel vm10, v63, v62;
	v19 =	vmax.f32 v19, v18;
	s2 =	simm.s32 $0x40;
	v13 =	vld.idx.msk [tilespmem:v20+s3+$0x0], $0xffff  }
.LBB2_44:
0x17f: {  	s20 =	sand.u32 $0x7C0, s2;
	s6 =	sadd.s32 $0x10, s2;
	s0 =	sadd.s32 $0x4, s0;
	v18 =	vsel vm1, v19, v18;
	v9 =	vmax.f32 v9, v17;
	v15 =	vld.idx.msk [tilespmem:v15+s3+$0x0], $0xffff  }
0x180: {  	s7 =	sadd.s32 $0x20, s2;
	v11 =	vmax.f32 v16, v11;
	s31 =	sadd.s32 $0x40, s31;
	v19 =	vld [tilespmem:s20+$0x1B480];
	p0 =	slt.u32 s0, $0x44;
	v9 =	vsel vm0, v9, v17  }
0x181: {  	s8 =	sand.u32 $0x50, s6;
	s7 =	sand.u32 $0x60, s7;
	s6 =	sadd.s32 $0x30, s2;
	v11 =	vsel vm2, v11, v16;
	v10 =	vmax.f32 v18, v10;
	v17 =	vld [tilespmem:s31+$0x0]  }
0x182: {  	s6 =	sand.u32 $0x70, s6;
	v10 =	vsel vm3, v10, v18;
	v12 =	vmax.f32 v9, v12;
	v16 =	vld [tilespmem:s31+$0x490]  }
0x183: {  	v13 =	vmax.f32 v11, v13;
	v9 =	vsel vm4, v12, v9;
	v18 =	vld [tilespmem:s20+$0x1B900]  }
0x184: {  	v11 =	vsel vm6, v13, v11;
	v13 =	vmax.f32 v10, v14;
	v12 =	vld [tilespmem:s31+$0x4A0]  }
0x185: {  	v10 =	vsel vm8, v13, v10;
	vm0 =	vlt.s32 v19, $0x11FFF;
	v14 =	vld [tilespmem:s20+$0x1BD80];
	[tilespmem:s21+$0x0] =	vst v11;
	v11 =	vmax.f32 v9, v15  }
0x186: {  	vm1 =	vlt.s32 v17, $0x11FFF;
	v13 =	vnsel vm0, $0x11FFF, v19;
	v15 =	vld [tilespmem:s31+$0x4B0];
	[tilespmem:s12+$0x0] =	vst v10;
	v9 =	vsel vm5, v11, v9  }
0x187: {  	v10 =	vnsel vm1, $0x11FFF, v17;
	v11 =	vld [tilespmem:s31+$0x10];
	vm7 =	vlt.s32 v16, $0x12000;
	vm0 =	vlt.s32 v16, $0x11FFF;
	[tilespmem:s9+$0x0] =	vst v9  }
0x188: {  	vm1 =	vlt.s32 v18, $0x11FFF;
	v9 =	vnsel vm0, $0x11FFF, v16;
	v16 =	vld [tilespmem:s31+$0x20]  }
0x189: {  	v20 =	vnsel vm1, $0x11FFF, v18;
	vm9 =	vlt.s32 v12, $0x12000;
	vm0 =	vlt.s32 v12, $0x11FFF;
	v21 =	vld [tilespmem:s31+$0x30]  }
0x18a: {  	vm1 =	vlt.s32 v14, $0x11FFF;
	v22 =	vld [tilespmem:s31+$0x910];
	v12 =	vnsel vm0, $0x11FFF, v12  }
0x18b: {  	v13 =	vld.idx.msk [tilespmem:v13+s3+$0x0], $0xffff;
	v23 =	vnsel vm1, $0x11FFF, v14;
	vm11 =	vlt.s32 v15, $0x12000;
	vm0 =	vlt.s32 v15, $0x11FFF  }
0x18c: {  	v10 =	vld.idx.msk [tilespmem:v10+s3+$0x0], $0xffff;
	vm10 =	vlt.s32 v11, $0x12000;
	vm1 =	vlt.s32 v11, $0x11FFF;
	v15 =	vnsel vm0, $0x11FFF, v15  }
0x18d: {  	v11 =	vnsel vm1, $0x11FFF, v11;
	vm1 =	vlt.s32 v16, $0x12000;
	vm0 =	vlt.s32 v16, $0x11FFF;
	v24 =	vld [tilespmem:s31+$0x920]  }
0x18e: {  	v20 =	vld.idx.msk [tilespmem:v20+s3+$0x0], $0xffff;
	v16 =	vnsel vm0, $0x11FFF, v16;
	vm0 =	vlt.s32 v21, $0x12000;
	vm3 =	vlt.s32 v21, $0x11FFF  }
0x18f: {  	vm2 =	vlt.s32 v22, $0x12000;
	vm4 =	vlt.s32 v22, $0x11FFF;
	v21 =	vnsel vm3, $0x11FFF, v21;
	v25 =	vld [tilespmem:s31+$0x930]  }
0x190: {  	vm3 =	vlt.s32 v19, $0x12000;
	v19 =	vld.idx.msk [tilespmem:v23+s3+$0x0], $0xffff;
	v22 =	vnsel vm4, $0x11FFF, v22  }
0x191: {  	v13 =	vnsel vm3, $0xFF800000, v13;
	v23 =	vld [tilespmem:s31+$0xD90]  }
0x192: {  	vm3 =	vlt.s32 v17, $0x12000;
	v10 =	vmax.f32 v10, v13;
	vm4 =	vlt.s32 v24, $0x11FFF;
	v17 =	vld [tilespmem:s31+$0xDA0]  }
0x193: {  	v10 =	vsel vm3, v10, v13;
	vm3 =	vlt.s32 v24, $0x12000;
	v13 =	vnsel vm4, $0x11FFF, v24;
	v24 =	vld [tilespmem:s31+$0xDB0]  }
0x194: {  	s9 =	sadd.s32 s2, s29;
	vm4 =	vlt.s32 v18, $0x12000;
	v18 =	vmax.f32 v10, v20;
	v20 =	vld.idx.msk [tilespmem:v9+s3+$0x0], $0xffff;
	vm5 =	vlt.s32 v25, $0x11FFF  }
0x195: {  	s9 =	sand.u32 $0x1FF80, s9;
	v9 =	vsel vm4, v18, v10;
	vm4 =	vlt.s32 v25, $0x12000;
	v10 =	vld.idx.msk [tilespmem:v12+s3+$0x0], $0xffff;
	v12 =	vnsel vm5, $0x11FFF, v25  }
0x196: {  	s12 =	sand.u32 $0x40, s2;
	s9 =	sadd.s32 $0x12000, s9;
	vm5 =	vlt.s32 v14, $0x12000;
	v14 =	vmax.f32 v9, v19;
	vm6 =	vlt.s32 v23, $0x11FFF;
	v19 =	vld.idx.msk [tilespmem:v15+s3+$0x0], $0xffff  }
0x197: {  	s20 =	sor.u32 s12, s9;
	s21 =	sor.u32 s8, s9;
	s12 =	sor.u32 s7, s9;
	v9 =	vsel vm5, v14, v9;
	v14 =	vld.idx.msk [tilespmem:v11+s3+$0x0], $0xffff;
	v25 =	vnsel vm6, $0x11FFF, v23;
	vm5 =	vlt.s32 v17, $0x11FFF  }
0x198: {  	s9 =	sor.u32 s6, s9;
	vm6 =	vlt.s32 v23, $0x12000;
	[tilespmem:s20+$0x0] =	vst v9;
	v23 =	vld.idx.msk [tilespmem:v16+s3+$0x0], $0xffff;
	v26 =	vnsel vm5, $0x11FFF, v17;
	vm12 =	vlt.s32 v24, $0x11FFF  }
0x199: {  	vm8 =	vlt.s32 v17, $0x12000;
	vm5 =	vlt.s32 v24, $0x12000;
	v9 =	vld.idx.msk [tilespmem:v21+s3+$0x0], $0xffff;
	v15 =	vnsel vm12, $0x11FFF, v24  }
.Ltmp24:
0x19a: {  	v16 =	vnsel vm7, $0xFF800000, v20;
	v11 =	vld.idx.msk [tilespmem:v22+s3+$0x0], $0xffff;
	(pc) =	sbr.rel @p0 .LBB2_44-.Ltmp24, $4  }
0x19b: {  	v18 =	vnsel vm9, $0xFF800000, v10;
	v10 =	vld.idx.msk [tilespmem:v13+s3+$0x0], $0xffff  }
0x19c: {  	v17 =	vnsel vm11, $0xFF800000, v19;
	v12 =	vld.idx.msk [tilespmem:v12+s3+$0x0], $0xffff  }
0x19d: {  	v14 =	vmax.f32 v14, v16;
	v13 =	vld.idx.msk [tilespmem:v25+s3+$0x0], $0xffff  }
0x19e: {  	s2 =	sadd.s32 $0x40, s2;
	v16 =	vsel vm10, v14, v16;
	v19 =	vmax.f32 v23, v18;
	v14 =	vld.idx.msk [tilespmem:v26+s3+$0x0], $0xffff  }
0x19f: {  	_ =	sdelay $0x3  }
0x1a0: {  	v15 =	vld.idx.msk [tilespmem:v15+s3+$0x0], $0xffff  }
0x1a1: {  	v18 =	vsel vm1, v19, v18;
	v9 =	vmax.f32 v9, v17;
	v11 =	vmax.f32 v16, v11  }
0x1a2: {  	p0 =	seq.s32 s30, $0xF;
	v9 =	vsel vm0, v9, v17;
	v11 =	vsel vm2, v11, v16;
	v10 =	vmax.f32 v18, v10  }
0x1a3: {  	s0 =	smul.u32 @!p0 $0x9000, s30;
	v10 =	vsel vm3, v10, v18;
	v12 =	vmax.f32 v9, v12;
	v13 =	vmax.f32 v11, v13  }
0x1a4: {  	v9 =	vsel vm4, v12, v9;
	v11 =	vsel vm6, v13, v11;
	v12 =	vmax.f32 v10, v14  }
0x1a5: {  	s0 =	sshra.s32 @!p0 s0, $0x2;
	[tilespmem:s21+$0x0] =	vst v11;
	v10 =	vsel vm8, v12, v10;
	v11 =	vmax.f32 v9, v15  }
0x1a6: {  	s0 =	sadd.s32 @!p0 s0, s1;
	[tilespmem:s12+$0x0] =	vst v10;
	v9 =	vsel vm5, v11, v9  }
0x1a7: {  	s2 =	simm.s32 @!p0 $0x1B000;
	s0 =	sadd.s32 @!p0 $0x2400, s0;
	[tilespmem:s9+$0x0] =	vst v9  }
0x1a8: {  	[tilespmem:s2], [sflag:$0x1] =	stream.linear.gather @!p0 [spmem:s0], $0x1200, $0x38;
	[tilespmem:$0x1F800] =	vst v63  }
0x1a9: {  	_ =	swait.ge [sflag:s19], $0x1200  }
0x1aa: {  	s21 =	simm.s32 $0x0;
	[sflag:s19] =	ssyncset.done $0x0  }
0x1ab: {  	s9 =	sand.u32 $0x7C0, s21;
	[sflag:s19] =	ssyncadd.s32 $0xFFFFEE00  }
0x1ac: {  	s31 =	simm.s32 $0x1C200;
	v9 =	vld [tilespmem:s9+$0x1C680]  }
0x1ad: {  	v10 =	vld [tilespmem:s31+$0x0]  }
0x1ae: {  	v11 =	vld [tilespmem:s31+$0x490]  }
0x1af: {  	v12 =	vld [tilespmem:s9+$0x1CB00]  }
0x1b0: {  	v13 =	vld [tilespmem:s31+$0x4A0]  }
0x1b1: {  	v14 =	vld [tilespmem:s9+$0x1CF80]  }
0x1b2: {  	v16 =	vld [tilespmem:s31+$0x4B0]  }
0x1b3: {  	v18 =	vld [tilespmem:s31+$0x10]  }
0x1b4: {  	v19 =	vld [tilespmem:s31+$0x20]  }
0x1b5: {  	v21 =	vld [tilespmem:s31+$0x30];
	vm0 =	vlt.s32 v9, $0x11FFF  }
0x1b6: {  	v22 =	vld [tilespmem:s31+$0x910];
	vm1 =	vlt.s32 v10, $0x11FFF;
	v15 =	vnsel vm0, $0x11FFF, v9  }
0x1b7: {  	v24 =	vld [tilespmem:s31+$0x920];
	v17 =	vnsel vm1, $0x11FFF, v10;
	vm0 =	vlt.s32 v12, $0x11FFF  }
0x1b8: {  	v27 =	vld [tilespmem:s31+$0xDA0];
	vm11 =	vlt.s32 v11, $0x12000;
	v20 =	vnsel vm0, $0x11FFF, v12;
	vm0 =	vlt.s32 v14, $0x11FFF  }
0x1b9: {  	v25 =	vld [tilespmem:s31+$0x930];
	vm9 =	vlt.s32 v13, $0x12000;
	v23 =	vnsel vm0, $0x11FFF, v14;
	vm0 =	vlt.s32 v11, $0x11FFF  }
0x1ba: {  	v26 =	vld [tilespmem:s31+$0xD90];
	vm7 =	vlt.s32 v16, $0x12000;
	v11 =	vnsel vm0, $0x11FFF, v11;
	vm0 =	vlt.s32 v13, $0x11FFF  }
0x1bb: {  	vm10 =	vlt.s32 v18, $0x12000;
	vm2 =	vlt.s32 v21, $0x11FFF;
	v13 =	vnsel vm0, $0x11FFF, v13;
	v15 =	vld.idx.msk [tilespmem:v15+s3+$0x0], $0xffff  }
0x1bc: {  	vm3 =	vlt.s32 v22, $0x11FFF;
	vm4 =	vlt.s32 v9, $0x12000;
	vm0 =	vlt.s32 v16, $0x11FFF;
	v17 =	vld.idx.msk [tilespmem:v17+s3+$0x0], $0xffff  }
0x1bd: {  	v28 =	vld [tilespmem:s31+$0xDB0];
	vm5 =	vlt.s32 v27, $0x11FFF;
	vm1 =	vlt.s32 v18, $0x11FFF;
	v16 =	vnsel vm0, $0x11FFF, v16  }
0x1be: {  	v18 =	vnsel vm1, $0x11FFF, v18;
	vm1 =	vlt.s32 v19, $0x12000;
	vm0 =	vlt.s32 v19, $0x11FFF;
	v20 =	vld.idx.msk [tilespmem:v20+s3+$0x0], $0xffff  }
0x1bf: {  	v19 =	vnsel vm0, $0x11FFF, v19;
	vm0 =	vlt.s32 v21, $0x12000;
	v21 =	vnsel vm2, $0x11FFF, v21;
	v23 =	vld.idx.msk [tilespmem:v23+s3+$0x0], $0xffff  }
0x1c0: {  	vm2 =	vlt.s32 v22, $0x12000;
	v22 =	vnsel vm3, $0x11FFF, v22;
	v13 =	vld.idx.msk [tilespmem:v13+s3+$0x0], $0xffff;
	v9 =	vnsel vm4, $0xFF800000, v15  }
0x1c1: {  	vm3 =	vlt.s32 v10, $0x12000;
	v15 =	vld.idx.msk [tilespmem:v11+s3+$0x0], $0xffff;
	vm4 =	vlt.s32 v24, $0x11FFF;
	v10 =	vmax.f32 v17, v9  }
0x1c2: {  	vm12 =	vlt.s32 v28, $0x11FFF;
	v16 =	vld.idx.msk [tilespmem:v16+s3+$0x0], $0xffff;
	v9 =	vsel vm3, v10, v9;
	v10 =	vnsel vm4, $0x11FFF, v24  }
0x1c3: {  	v61 =	vnsel vm5, $0x11FFF, v27;
	v17 =	vld.idx.msk [tilespmem:v18+s3+$0x0], $0xffff;
	vm3 =	vlt.s32 v25, $0x11FFF;
	vm4 =	vlt.s32 v12, $0x12000  }
0x1c4: {  	s8 =	sadd.s32 $0x0, s28;
	v19 =	vld.idx.msk [tilespmem:v19+s3+$0x0], $0xffff;
	v12 =	vnsel vm3, $0x11FFF, v25;
	vm3 =	vlt.s32 v26, $0x11FFF;
	v11 =	vmax.f32 v9, v20  }
0x1c5: {  	s8 =	sand.u32 $0x3FF80, s8;
	vm5 =	vlt.s32 v14, $0x12000;
	v20 =	vnsel vm3, $0x11FFF, v26;
	v18 =	vsel vm4, v11, v9;
	v9 =	vld.idx.msk [tilespmem:v21+s3+$0x0], $0xffff  }
0x1c6: {  	s8 =	sadd.s32 $0x12000, s8;
	s2 =	sand.u32 $0x40, s21;
	v11 =	vld.idx.msk [tilespmem:v22+s3+$0x0], $0xffff;
	v14 =	vmax.f32 v18, v23;
	v62 =	vnsel vm11, $0xFF800000, v15;
	v15 =	vnsel vm12, $0x11FFF, v28  }
0x1c7: {  	s6 =	simm.s32 $0x10;
	s7 =	simm.s32 $0x20;
	s2 =	sor.u32 s2, s8;
	vm6 =	vlt.s32 v26, $0x12000;
	v14 =	vsel vm5, v14, v18;
	v10 =	vld.idx.msk [tilespmem:v10+s3+$0x0], $0xffff  }
0x1c8: {  	s6 =	sand.u32 $0x50, s6;
	s7 =	sand.u32 $0x60, s7;
	s12 =	simm.s32 $0x30;
	vm8 =	vlt.s32 v27, $0x12000;
	vm3 =	vlt.s32 v24, $0x12000;
	vm4 =	vlt.s32 v25, $0x12000;
	[tilespmem:s2+$0x0] =	vst v14;
	v14 =	vld.idx.msk [tilespmem:v61+s3+$0x0], $0xffff  }
0x1c9: {  	s20 =	sand.u32 $0x70, s12;
	s0 =	simm.s32 $0x0;
	s21 =	sor.u32 s6, s8;
	vm5 =	vlt.s32 v28, $0x12000;
	v18 =	vnsel vm9, $0xFF800000, v13;
	v63 =	vmax.f32 v17, v62;
	v12 =	vld.idx.msk [tilespmem:v12+s3+$0x0], $0xffff  }
0x1ca: {  	s12 =	sor.u32 s20, s8;
	s9 =	sor.u32 s7, s8;
	v17 =	vnsel vm7, $0xFF800000, v16;
	v16 =	vsel vm10, v63, v62;
	v19 =	vmax.f32 v19, v18;
	s2 =	simm.s32 $0x40;
	v13 =	vld.idx.msk [tilespmem:v20+s3+$0x0], $0xffff  }
.LBB2_46:
0x1cb: {  	s20 =	sand.u32 $0x7C0, s2;
	s6 =	sadd.s32 $0x10, s2;
	s0 =	sadd.s32 $0x4, s0;
	v18 =	vsel vm1, v19, v18;
	v9 =	vmax.f32 v9, v17;
	v15 =	vld.idx.msk [tilespmem:v15+s3+$0x0], $0xffff  }
0x1cc: {  	s7 =	sadd.s32 $0x20, s2;
	v11 =	vmax.f32 v16, v11;
	s31 =	sadd.s32 $0x40, s31;
	v19 =	vld [tilespmem:s20+$0x1C680];
	p1 =	slt.u32 s0, $0x44;
	v9 =	vsel vm0, v9, v17  }
0x1cd: {  	s8 =	sand.u32 $0x50, s6;
	s7 =	sand.u32 $0x60, s7;
	s6 =	sadd.s32 $0x30, s2;
	v11 =	vsel vm2, v11, v16;
	v10 =	vmax.f32 v18, v10;
	v17 =	vld [tilespmem:s31+$0x0]  }
0x1ce: {  	s6 =	sand.u32 $0x70, s6;
	v10 =	vsel vm3, v10, v18;
	v12 =	vmax.f32 v9, v12;
	v16 =	vld [tilespmem:s31+$0x490]  }
0x1cf: {  	v13 =	vmax.f32 v11, v13;
	v9 =	vsel vm4, v12, v9;
	v18 =	vld [tilespmem:s20+$0x1CB00]  }
0x1d0: {  	v11 =	vsel vm6, v13, v11;
	v13 =	vmax.f32 v10, v14;
	v12 =	vld [tilespmem:s31+$0x4A0]  }
0x1d1: {  	v10 =	vsel vm8, v13, v10;
	vm0 =	vlt.s32 v19, $0x11FFF;
	v14 =	vld [tilespmem:s20+$0x1CF80];
	[tilespmem:s21+$0x0] =	vst v11;
	v11 =	vmax.f32 v9, v15  }
0x1d2: {  	vm1 =	vlt.s32 v17, $0x11FFF;
	v13 =	vnsel vm0, $0x11FFF, v19;
	v15 =	vld [tilespmem:s31+$0x4B0];
	[tilespmem:s9+$0x0] =	vst v10;
	v9 =	vsel vm5, v11, v9  }
0x1d3: {  	v10 =	vnsel vm1, $0x11FFF, v17;
	v11 =	vld [tilespmem:s31+$0x10];
	vm7 =	vlt.s32 v16, $0x12000;
	vm0 =	vlt.s32 v16, $0x11FFF;
	[tilespmem:s12+$0x0] =	vst v9  }
0x1d4: {  	vm1 =	vlt.s32 v18, $0x11FFF;
	v9 =	vnsel vm0, $0x11FFF, v16;
	v16 =	vld [tilespmem:s31+$0x20]  }
0x1d5: {  	v20 =	vnsel vm1, $0x11FFF, v18;
	vm9 =	vlt.s32 v12, $0x12000;
	vm0 =	vlt.s32 v12, $0x11FFF;
	v21 =	vld [tilespmem:s31+$0x30]  }
0x1d6: {  	vm1 =	vlt.s32 v14, $0x11FFF;
	v22 =	vld [tilespmem:s31+$0x910];
	v12 =	vnsel vm0, $0x11FFF, v12  }
0x1d7: {  	v13 =	vld.idx.msk [tilespmem:v13+s3+$0x0], $0xffff;
	v23 =	vnsel vm1, $0x11FFF, v14;
	vm11 =	vlt.s32 v15, $0x12000;
	vm0 =	vlt.s32 v15, $0x11FFF  }
0x1d8: {  	v10 =	vld.idx.msk [tilespmem:v10+s3+$0x0], $0xffff;
	vm10 =	vlt.s32 v11, $0x12000;
	vm1 =	vlt.s32 v11, $0x11FFF;
	v15 =	vnsel vm0, $0x11FFF, v15  }
0x1d9: {  	v11 =	vnsel vm1, $0x11FFF, v11;
	vm1 =	vlt.s32 v16, $0x12000;
	vm0 =	vlt.s32 v16, $0x11FFF;
	v24 =	vld [tilespmem:s31+$0x920]  }
0x1da: {  	v20 =	vld.idx.msk [tilespmem:v20+s3+$0x0], $0xffff;
	v16 =	vnsel vm0, $0x11FFF, v16;
	vm0 =	vlt.s32 v21, $0x12000;
	vm3 =	vlt.s32 v21, $0x11FFF  }
0x1db: {  	vm2 =	vlt.s32 v22, $0x12000;
	vm4 =	vlt.s32 v22, $0x11FFF;
	v21 =	vnsel vm3, $0x11FFF, v21;
	v25 =	vld [tilespmem:s31+$0x930]  }
0x1dc: {  	vm3 =	vlt.s32 v19, $0x12000;
	v19 =	vld.idx.msk [tilespmem:v23+s3+$0x0], $0xffff;
	v22 =	vnsel vm4, $0x11FFF, v22  }
0x1dd: {  	v13 =	vnsel vm3, $0xFF800000, v13;
	v23 =	vld [tilespmem:s31+$0xD90]  }
0x1de: {  	vm3 =	vlt.s32 v17, $0x12000;
	v10 =	vmax.f32 v10, v13;
	vm4 =	vlt.s32 v24, $0x11FFF;
	v17 =	vld [tilespmem:s31+$0xDA0]  }
0x1df: {  	v10 =	vsel vm3, v10, v13;
	vm3 =	vlt.s32 v24, $0x12000;
	v13 =	vnsel vm4, $0x11FFF, v24;
	v24 =	vld [tilespmem:s31+$0xDB0]  }
0x1e0: {  	s9 =	sadd.s32 s2, s28;
	vm4 =	vlt.s32 v18, $0x12000;
	v18 =	vmax.f32 v10, v20;
	v20 =	vld.idx.msk [tilespmem:v9+s3+$0x0], $0xffff;
	vm5 =	vlt.s32 v25, $0x11FFF  }
0x1e1: {  	s9 =	sand.u32 $0x3FF80, s9;
	v9 =	vsel vm4, v18, v10;
	vm4 =	vlt.s32 v25, $0x12000;
	v10 =	vld.idx.msk [tilespmem:v12+s3+$0x0], $0xffff;
	v12 =	vnsel vm5, $0x11FFF, v25  }
0x1e2: {  	s12 =	sand.u32 $0x40, s2;
	s20 =	sadd.s32 $0x12000, s9;
	vm5 =	vlt.s32 v14, $0x12000;
	v14 =	vmax.f32 v9, v19;
	vm6 =	vlt.s32 v23, $0x11FFF;
	v19 =	vld.idx.msk [tilespmem:v15+s3+$0x0], $0xffff  }
0x1e3: {  	s12 =	sor.u32 s12, s20;
	s21 =	sor.u32 s8, s20;
	s9 =	sor.u32 s7, s20;
	v9 =	vsel vm5, v14, v9;
	v14 =	vld.idx.msk [tilespmem:v11+s3+$0x0], $0xffff;
	v25 =	vnsel vm6, $0x11FFF, v23;
	vm5 =	vlt.s32 v17, $0x11FFF  }
0x1e4: {  	vm6 =	vlt.s32 v23, $0x12000;
	[tilespmem:s12+$0x0] =	vst v9;
	v23 =	vld.idx.msk [tilespmem:v16+s3+$0x0], $0xffff;
	v26 =	vnsel vm5, $0x11FFF, v17;
	vm12 =	vlt.s32 v24, $0x11FFF;
	s12 =	sor.u32 s6, s20  }
0x1e5: {  	vm8 =	vlt.s32 v17, $0x12000;
	vm5 =	vlt.s32 v24, $0x12000;
	v9 =	vld.idx.msk [tilespmem:v21+s3+$0x0], $0xffff;
	v15 =	vnsel vm12, $0x11FFF, v24  }
.Ltmp25:
0x1e6: {  	v16 =	vnsel vm7, $0xFF800000, v20;
	v11 =	vld.idx.msk [tilespmem:v22+s3+$0x0], $0xffff;
	(pc) =	sbr.rel @p1 .LBB2_46-.Ltmp25, $4  }
0x1e7: {  	v18 =	vnsel vm9, $0xFF800000, v10;
	v10 =	vld.idx.msk [tilespmem:v13+s3+$0x0], $0xffff  }
0x1e8: {  	v17 =	vnsel vm11, $0xFF800000, v19;
	v12 =	vld.idx.msk [tilespmem:v12+s3+$0x0], $0xffff  }
0x1e9: {  	v14 =	vmax.f32 v14, v16;
	v13 =	vld.idx.msk [tilespmem:v25+s3+$0x0], $0xffff  }
0x1ea: {  	s2 =	sadd.s32 $0x40, s2;
	v16 =	vsel vm10, v14, v16;
	v19 =	vmax.f32 v23, v18;
	v14 =	vld.idx.msk [tilespmem:v26+s3+$0x0], $0xffff  }
0x1eb: {  	_ =	sdelay $0x3  }
0x1ec: {  	v15 =	vld.idx.msk [tilespmem:v15+s3+$0x0], $0xffff  }
0x1ed: {  	v18 =	vsel vm1, v19, v18;
	v9 =	vmax.f32 v9, v17;
	v11 =	vmax.f32 v16, v11  }
0x1ee: {  	v9 =	vsel vm0, v9, v17;
	v11 =	vsel vm2, v11, v16;
	v10 =	vmax.f32 v18, v10  }
.Ltmp26:
0x1ef: {  	v10 =	vsel vm3, v10, v18;
	v12 =	vmax.f32 v9, v12;
	v13 =	vmax.f32 v11, v13;
	(pc) =	sbr.rel @p0 .LBB2_49-.Ltmp26, $4  }
0x1f0: {  	v9 =	vsel vm4, v12, v9;
	v11 =	vsel vm6, v13, v11;
	v63 =	vmax.f32 v10, v14  }
0x1f1: {  	[tilespmem:s21+$0x0] =	vst v11;
	v10 =	vsel vm8, v63, v10;
	v11 =	vmax.f32 v9, v15  }
0x1f2: {  	[tilespmem:s9+$0x0] =	vst v10;
	v9 =	vsel vm5, v11, v9  }
0x1f3: {  	[tilespmem:s12+$0x0] =	vst v9  }
0x1f4: {  	s0 =	smul.u32 $0x9000, s30  }
.Ltmp27:
0x1f5: {  	_ = 	snop;
	(pc) =	sbr.rel .LBB2_43-.Ltmp27, $4  }
0x1f6: {  	s0 =	sshra.s32 s0, $0x2  }
0x1f7: {  	s30 =	sadd.s32 $0x1, s30;
	s0 =	sadd.s32 s0, s1  }
0x1f8: {  	s29 =	sadd.s32 $0x900, s29;
	s28 =	sadd.s32 $0x900, s28;
	s0 =	sadd.s32 $0x3600, s0  }
0x1f9: {  	[tilespmem:s15], [sflag:$0x2] =	stream.linear.gather [spmem:s0], $0x1200, $0x38;
	[tilespmem:$0x1F800] =	vst v63  }
.LBB2_49:
0x1fa: {  	s0 =	sadd.s32 s25, s26  }
0x1fb: {  	s0 =	sadd.s32 $0x90000, s0  }
0x1fc: {  	s0 =	sshrl.u32 s0, $0x3  }
0x1fd: {  	s26 =	simm.s32 $0x0;
	s0 =	sadd.s32 s4, s0  }
0x1fe: {  	[tilespmem:s26], [sflag:$0x3] =	stream.strided.gather [hbm4b:s0+s16], $0x12000, s17, s16, $0x38;
	[tilespmem:$0x1F800] =	vst v63  }
0x1ff: {  	_ =	swait.ge [sflag:s14], $0x12000  }
0x200: {  	[sflag:s14] =	ssyncset.done $0x0  }
0x201: {  	[sflag:s14] =	ssyncadd.s32 $0xFFFEE000  }
0x202: {  	[tilespmem:s13], [sflag:$0x1] =	stream.linear.gather [spmem:s1], $0x1200, $0x38;
	[tilespmem:$0x1F800] =	vst v63  }
0x203: {  	s28 =	simm.s32 $0x480;
	s29 =	simm.s32 $0x0;
	s30 =	simm.s32 $0x0  }
0x204: {  	[tilespmem:s15], [sflag:$0x2] =	stream.linear.gather [spmem:s11], $0x1200, $0x38;
	[tilespmem:$0x1F800] =	vst v63  }
.LBB2_50:
0x205: {  	_ =	swait.ge [sflag:s18], $0x1200  }
0x206: {  	[sflag:s18] =	ssyncset.done $0x0  }
0x207: {  	s0 =	sand.u32 $0x7C0, s26;
	[sflag:s18] =	ssyncadd.s32 $0xFFFFEE00  }
0x208: {  	s31 =	simm.s32 $0x1B000;
	v9 =	vld [tilespmem:s0+$0x1B480]  }
0x209: {  	v10 =	vld [tilespmem:s31+$0x0]  }
0x20a: {  	v11 =	vld [tilespmem:s31+$0x490]  }
0x20b: {  	v12 =	vld [tilespmem:s0+$0x1B900]  }
0x20c: {  	v13 =	vld [tilespmem:s31+$0x4A0]  }
0x20d: {  	v14 =	vld [tilespmem:s0+$0x1BD80]  }
0x20e: {  	v15 =	vld [tilespmem:s31+$0x4B0]  }
0x20f: {  	v17 =	vld [tilespmem:s31+$0x10]  }
0x210: {  	v18 =	vld [tilespmem:s31+$0x20]  }
0x211: {  	v19 =	vld [tilespmem:s31+$0x30];
	v9 =	vadd.s32 $0xFFFEE000, v9;
	v10 =	vadd.s32 $0xFFFEE000, v10;
	v12 =	vadd.s32 $0xFFFEE000, v12  }
0x212: {  	v20 =	vld [tilespmem:s31+$0x910];
	v14 =	vadd.s32 $0xFFFEE000, v14;
	v11 =	vadd.s32 $0xFFFEE000, v11;
	vm1 =	vgt.s32 v9, $0x0  }
0x213: {  	v13 =	vadd.s32 $0xFFFEE000, v13;
	vm0 =	vlt.s32 v10, $0x0;
	v16 =	vnsel vm1, $0x0, v9  }
0x214: {  	v21 =	vld [tilespmem:s31+$0x920];
	v15 =	vadd.s32 $0xFFFEE000, v15;
	vm6 =	vlt.s32 v12, $0x0;
	v10 =	vsel vm0, $0x0, v10  }
0x215: {  	v23 =	vld [tilespmem:s31+$0x930];
	v17 =	vadd.s32 $0xFFFEE000, v17;
	vm7 =	vlt.s32 v14, $0x0;
	v12 =	vsel vm6, $0x0, v12  }
0x216: {  	v25 =	vld [tilespmem:s31+$0xD90];
	v18 =	vadd.s32 $0xFFFEE000, v18;
	v19 =	vadd.s32 $0xFFFEE000, v19;
	v14 =	vsel vm7, $0x0, v14  }
0x217: {  	v27 =	vld [tilespmem:s31+$0xDB0];
	v20 =	vadd.s32 $0xFFFEE000, v20;
	vm8 =	vlt.s32 v18, $0x0;
	vm9 =	vlt.s32 v19, $0x0  }
0x218: {  	vm10 =	vlt.s32 v20, $0x0;
	vm1 =	vgt.s32 v11, $0x0;
	v18 =	vsel vm8, $0x0, v18;
	v16 =	vld.idx.msk [tilespmem:v16+s3+$0x0], $0xffff  }
0x219: {  	v19 =	vsel vm9, $0x0, v19;
	v22 =	vnsel vm1, $0x0, v11;
	vm1 =	vgt.s32 v13, $0x0;
	v10 =	vld.idx.msk [tilespmem:v10+s3+$0x0], $0xffff  }
0x21a: {  	v20 =	vsel vm10, $0x0, v20;
	v24 =	vnsel vm1, $0x0, v13;
	vm1 =	vgt.s32 v15, $0x0;
	v12 =	vld.idx.msk [tilespmem:v12+s3+$0x0], $0xffff  }
0x21b: {  	vm5 =	vlt.s32 v17, $0x0;
	v26 =	vnsel vm1, $0x0, v15;
	vm1 =	vgt.s32 v9, $0xFFFFFFFF;
	v9 =	vld.idx.msk [tilespmem:v14+s3+$0x0], $0xffff  }
0x21c: {  	v14 =	vsel vm5, $0x0, v17;
	v17 =	vld [tilespmem:s31+$0xDA0]  }
0x21d: {  	v18 =	vld.idx.msk [tilespmem:v18+s3+$0x0], $0xffff  }
0x21e: {  	v21 =	vadd.s32 $0xFFFEE000, v21;
	v25 =	vadd.s32 $0xFFFEE000, v25;
	v19 =	vld.idx.msk [tilespmem:v19+s3+$0x0], $0xffff;
	v16 =	vnsel vm1, $0xFF800000, v16  }
0x21f: {  	s12 =	sadd.s32 $0x0, s29;
	v23 =	vadd.s32 $0xFFFEE000, v23;
	vm2 =	vlt.s32 v25, $0x0;
	v20 =	vld.idx.msk [tilespmem:v20+s3+$0x0], $0xffff;
	v10 =	vmax.f32 v10, v16  }
0x220: {  	s0 =	sand.u32 $0x1FF80, s12;
	v25 =	vsel vm2, $0x0, v25;
	v22 =	vld.idx.msk [tilespmem:v22+s3+$0x0], $0xffff;
	v10 =	vsel vm0, v16, v10;
	vm0 =	vlt.s32 v21, $0x0  }
0x221: {  	s6 =	sand.u32 $0x40, s26;
	s2 =	sadd.s32 $0x12000, s0;
	v24 =	vld.idx.msk [tilespmem:v24+s3+$0x0], $0xffff;
	vm1 =	vlt.s32 v23, $0x0;
	v17 =	vadd.s32 $0xFFFEE000, v17;
	v21 =	vsel vm0, $0x0, v21  }
0x222: {  	s9 =	sor.u32 s6, s2;
	v27 =	vadd.s32 $0xFFFEE000, v27;
	v14 =	vld.idx.msk [tilespmem:v14+s3+$0x0], $0xffff;
	v23 =	vsel vm1, $0x0, v23;
	vm3 =	vlt.s32 v17, $0x0  }
0x223: {  	vm4 =	vlt.s32 v27, $0x0;
	v16 =	vld [tilespmem:s9+$0x0];
	v17 =	vsel vm3, $0x0, v17  }
0x224: {  	v27 =	vsel vm4, $0x0, v27;
	v26 =	vld.idx.msk [tilespmem:v26+s3+$0x0], $0xffff;
	v12 =	vmax.f32 v10, v12  }
0x225: {  	v10 =	vsel vm6, v10, v12;
	v12 =	vld.idx.msk [tilespmem:v25+s3+$0x0], $0xffff  }
0x226: {  	vm11 =	vgt.s32 v15, $0xFFFFFFFF;
	vm6 =	vgt.s32 v11, $0xFFFFFFFF;
	v9 =	vmax.f32 v10, v9;
	v21 =	vld.idx.msk [tilespmem:v21+s3+$0x0], $0xffff  }
0x227: {  	s20 =	simm.s32 $0x10;
	v9 =	vsel vm7, v10, v9;
	v11 =	vld.idx.msk [tilespmem:v23+s3+$0x0], $0xffff;
	vm7 =	vgt.s32 v13, $0xFFFFFFFF;
	v10 =	vnsel vm6, $0xFF800000, v22  }
0x228: {  	s21 =	simm.s32 $0x20;
	s0 =	sand.u32 $0x50, s20;
	v15 =	vmax.f32 v16, v9;
	v13 =	vnsel vm7, $0xFF800000, v24;
	v14 =	vmax.f32 v14, v10;
	v9 =	vld.idx.msk [tilespmem:v17+s3+$0x0], $0xffff  }
0x229: {  	s8 =	simm.s32 $0x30;
	s6 =	sand.u32 $0x60, s21;
	s7 =	sor.u32 s0, s2;
	v17 =	vnsel vm11, $0xFF800000, v26;
	v14 =	vsel vm5, v10, v14;
	v16 =	vmax.f32 v18, v13;
	v10 =	vld.idx.msk [tilespmem:v27+s3+$0x0], $0xffff  }
0x22a: {  	s8 =	sand.u32 $0x70, s8;
	s6 =	sor.u32 s6, s2;
	v18 =	vmax.f32 v19, v17;
	v16 =	vsel vm8, v13, v16;
	v19 =	vmax.f32 v14, v20;
	v13 =	vld [tilespmem:s7+$0x0]  }
0x22b: {  	s0 =	simm.s32 $0x0;
	s8 =	sor.u32 s8, s2;
	s2 =	simm.s32 $0x40;
	[tilespmem:s9+$0x0] =	vst v15;
	v17 =	vsel vm9, v17, v18;
	v15 =	vsel vm10, v14, v19;
	v14 =	vld [tilespmem:s6+$0x0];
	v18 =	vmax.f32 v16, v21  }
.LBB2_51:
0x22c: {  	s20 =	sand.u32 $0x7C0, s2;
	s9 =	sadd.s32 $0x10, s2;
	s0 =	sadd.s32 $0x4, s0;
	v16 =	vsel vm0, v16, v18;
	v11 =	vmax.f32 v17, v11;
	v18 =	vld [tilespmem:s8+$0x0]  }
0x22d: {  	s12 =	sadd.s32 $0x20, s2;
	v12 =	vmax.f32 v15, v12;
	s31 =	sadd.s32 $0x40, s31;
	v19 =	vld [tilespmem:s20+$0x1B480];
	p0 =	slt.u32 s0, $0x44;
	v11 =	vsel vm1, v17, v11  }
0x22e: {  	s21 =	sand.u32 $0x50, s9;
	s12 =	sand.u32 $0x60, s12;
	s9 =	sadd.s32 $0x30, s2;
	v12 =	vsel vm2, v15, v12;
	v9 =	vmax.f32 v16, v9;
	v17 =	vld [tilespmem:s31+$0x0]  }
0x22f: {  	s9 =	sand.u32 $0x70, s9;
	v9 =	vsel vm3, v16, v9;
	v10 =	vmax.f32 v11, v10;
	v15 =	vld [tilespmem:s31+$0x490];
	v12 =	vmax.f32 v13, v12  }
0x230: {  	v10 =	vsel vm4, v11, v10;
	v13 =	vld [tilespmem:s20+$0x1B900];
	[tilespmem:s7+$0x0] =	vst v12;
	v9 =	vmax.f32 v14, v9  }
0x231: {  	v11 =	vld [tilespmem:s31+$0x4A0];
	[tilespmem:s6+$0x0] =	vst v9;
	v9 =	vmax.f32 v18, v10  }
0x232: {  	v10 =	vadd.s32 $0xFFFEE000, v19;
	v12 =	vld [tilespmem:s20+$0x1BD80];
	[tilespmem:s8+$0x0] =	vst v9  }
0x233: {  	v9 =	vadd.s32 $0xFFFEE000, v17;
	vm0 =	vgt.s32 v10, $0x0;
	v14 =	vld [tilespmem:s31+$0x4B0]  }
0x234: {  	vm1 =	vlt.s32 v9, $0x0;
	v16 =	vnsel vm0, $0x0, v10;
	v17 =	vld [tilespmem:s31+$0x10];
	v15 =	vadd.s32 $0xFFFEE000, v15  }
0x235: {  	v9 =	vsel vm1, $0x0, v9;
	v13 =	vadd.s32 $0xFFFEE000, v13;
	vm0 =	vgt.s32 v15, $0x0;
	v18 =	vld [tilespmem:s31+$0x20]  }
0x236: {  	vm2 =	vlt.s32 v13, $0x0;
	v19 =	vnsel vm0, $0x0, v15;
	v11 =	vadd.s32 $0xFFFEE000, v11;
	v20 =	vld [tilespmem:s31+$0x30]  }
0x237: {  	v13 =	vsel vm2, $0x0, v13;
	v12 =	vadd.s32 $0xFFFEE000, v12;
	v21 =	vld [tilespmem:s31+$0x910];
	vm0 =	vgt.s32 v11, $0x0  }
0x238: {  	vm3 =	vlt.s32 v12, $0x0;
	v22 =	vnsel vm0, $0x0, v11;
	v23 =	vld [tilespmem:s31+$0x920];
	v14 =	vadd.s32 $0xFFFEE000, v14  }
0x239: {  	v16 =	vld.idx.msk [tilespmem:v16+s3+$0x0], $0xffff;
	v12 =	vsel vm3, $0x0, v12;
	v17 =	vadd.s32 $0xFFFEE000, v17;
	vm0 =	vgt.s32 v14, $0x0  }
0x23a: {  	v9 =	vld.idx.msk [tilespmem:v9+s3+$0x0], $0xffff;
	vm5 =	vlt.s32 v17, $0x0;
	v18 =	vadd.s32 $0xFFFEE000, v18;
	v24 =	vnsel vm0, $0x0, v14  }
0x23b: {  	v17 =	vsel vm5, $0x0, v17;
	vm6 =	vlt.s32 v18, $0x0;
	v20 =	vadd.s32 $0xFFFEE000, v20;
	v25 =	vld [tilespmem:s31+$0x930]  }
0x23c: {  	v13 =	vld.idx.msk [tilespmem:v13+s3+$0x0], $0xffff;
	v21 =	vadd.s32 $0xFFFEE000, v21;
	v18 =	vsel vm6, $0x0, v18;
	vm7 =	vlt.s32 v20, $0x0  }
0x23d: {  	s6 =	sadd.s32 s2, s29;
	vm8 =	vlt.s32 v21, $0x0;
	v26 =	vld [tilespmem:s31+$0xD90];
	v23 =	vadd.s32 $0xFFFEE000, v23;
	v20 =	vsel vm7, $0x0, v20  }
0x23e: {  	s6 =	sand.u32 $0x1FF80, s6;
	vm4 =	vgt.s32 v10, $0xFFFFFFFF;
	v10 =	vld.idx.msk [tilespmem:v12+s3+$0x0], $0xffff;
	v12 =	vsel vm8, $0x0, v21;
	vm0 =	vlt.s32 v23, $0x0  }
0x23f: {  	s7 =	sand.u32 $0x40, s2;
	s8 =	sadd.s32 $0x12000, s6;
	vm9 =	vgt.s32 v15, $0xFFFFFFFF;
	v16 =	vnsel vm4, $0xFF800000, v16;
	v15 =	vsel vm0, $0x0, v23;
	v21 =	vld [tilespmem:s31+$0xDA0]  }
0x240: {  	s20 =	sor.u32 s7, s8;
	s7 =	sor.u32 s21, s8;
	s6 =	sor.u32 s12, s8;
	vm10 =	vgt.s32 v11, $0xFFFFFFFF;
	v9 =	vmax.f32 v9, v16;
	v11 =	vadd.s32 $0xFFFEE000, v25;
	v23 =	vld [tilespmem:s31+$0xDB0]  }
0x241: {  	s8 =	sor.u32 s9, s8;
	vm11 =	vgt.s32 v14, $0xFFFFFFFF;
	v9 =	vsel vm1, v16, v9;
	v16 =	vld [tilespmem:s20+$0x0];
	vm1 =	vlt.s32 v11, $0x0  }
0x242: {  	v13 =	vmax.f32 v9, v13;
	v14 =	vld.idx.msk [tilespmem:v19+s3+$0x0], $0xffff;
	v19 =	vadd.s32 $0xFFFEE000, v26;
	v11 =	vsel vm1, $0x0, v11  }
0x243: {  	v9 =	vsel vm2, v9, v13;
	vm2 =	vlt.s32 v19, $0x0;
	v13 =	vld.idx.msk [tilespmem:v22+s3+$0x0], $0xffff  }
0x244: {  	v10 =	vmax.f32 v9, v10;
	v19 =	vsel vm2, $0x0, v19;
	v21 =	vadd.s32 $0xFFFEE000, v21;
	v22 =	vld.idx.msk [tilespmem:v24+s3+$0x0], $0xffff  }
0x245: {  	v9 =	vsel vm3, v9, v10;
	v10 =	vld.idx.msk [tilespmem:v17+s3+$0x0], $0xffff;
	vm3 =	vlt.s32 v21, $0x0;
	v17 =	vadd.s32 $0xFFFEE000, v23  }
0x246: {  	v9 =	vmax.f32 v16, v9;
	v16 =	vld.idx.msk [tilespmem:v18+s3+$0x0], $0xffff;
	v18 =	vsel vm3, $0x0, v21;
	vm4 =	vlt.s32 v17, $0x0  }
0x247: {  	[tilespmem:s20+$0x0] =	vst v9;
	v20 =	vld.idx.msk [tilespmem:v20+s3+$0x0], $0xffff;
	v17 =	vsel vm4, $0x0, v17  }
0x248: {  	v9 =	vnsel vm9, $0xFF800000, v14;
	v14 =	vld.idx.msk [tilespmem:v12+s3+$0x0], $0xffff  }
0x249: {  	v13 =	vnsel vm10, $0xFF800000, v13;
	v21 =	vld.idx.msk [tilespmem:v15+s3+$0x0], $0xffff  }
0x24a: {  	v15 =	vnsel vm11, $0xFF800000, v22;
	v11 =	vld.idx.msk [tilespmem:v11+s3+$0x0], $0xffff  }
.Ltmp28:
0x24b: {  	v10 =	vmax.f32 v10, v9;
	v12 =	vld.idx.msk [tilespmem:v19+s3+$0x0], $0xffff;
	(pc) =	sbr.rel @p0 .LBB2_51-.Ltmp28, $4  }
0x24c: {  	v19 =	vsel vm5, v9, v10;
	v10 =	vmax.f32 v16, v13;
	v9 =	vld.idx.msk [tilespmem:v18+s3+$0x0], $0xffff  }
0x24d: {  	v16 =	vsel vm6, v13, v10;
	v18 =	vmax.f32 v20, v15;
	v10 =	vld.idx.msk [tilespmem:v17+s3+$0x0], $0xffff  }
0x24e: {  	v14 =	vmax.f32 v19, v14;
	v17 =	vsel vm7, v15, v18;
	v13 =	vld [tilespmem:s7+$0x0]  }
0x24f: {  	s2 =	sadd.s32 $0x40, s2;
	v15 =	vsel vm8, v19, v14;
	v18 =	vmax.f32 v16, v21;
	v14 =	vld [tilespmem:s6+$0x0]  }
0x250: {  	v19 =	vld [tilespmem:s8+$0x0]  }
0x251: {  	v16 =	vsel vm0, v16, v18;
	v11 =	vmax.f32 v17, v11;
	v12 =	vmax.f32 v15, v12;
	p0 =	seq.s32 s30, $0xF  }
0x252: {  	v11 =	vsel vm1, v17, v11;
	v12 =	vsel vm2, v15, v12;
	v9 =	vmax.f32 v16, v9;
	s0 =	smul.u32 @!p0 $0x9000, s30  }
0x253: {  	v9 =	vsel vm3, v16, v9;
	v10 =	vmax.f32 v11, v10;
	v12 =	vmax.f32 v13, v12  }
0x254: {  	v10 =	vsel vm4, v11, v10;
	s0 =	sshra.s32 @!p0 s0, $0x2;
	[tilespmem:s7+$0x0] =	vst v12;
	v9 =	vmax.f32 v14, v9  }
0x255: {  	s0 =	sadd.s32 @!p0 s0, s1;
	[tilespmem:s6+$0x0] =	vst v9;
	v9 =	vmax.f32 v19, v10  }
0x256: {  	s2 =	simm.s32 @!p0 $0x1B000;
	s0 =	sadd.s32 @!p0 $0x2400, s0;
	[tilespmem:s8+$0x0] =	vst v9  }
0x257: {  	[tilespmem:s2], [sflag:$0x1] =	stream.linear.gather @!p0 [spmem:s0], $0x1200, $0x38;
	[tilespmem:$0x1F800] =	vst v63  }
0x258: {  	_ =	swait.ge [sflag:s19], $0x1200  }
0x259: {  	s21 =	simm.s32 $0x0;
	[sflag:s19] =	ssyncset.done $0x0  }
0x25a: {  	s6 =	sand.u32 $0x7C0, s21;
	[sflag:s19] =	ssyncadd.s32 $0xFFFFEE00  }
0x25b: {  	s31 =	simm.s32 $0x1C200;
	v9 =	vld [tilespmem:s6+$0x1C680]  }
0x25c: {  	v10 =	vld [tilespmem:s31+$0x0]  }
0x25d: {  	v11 =	vld [tilespmem:s31+$0x490]  }
0x25e: {  	v12 =	vld [tilespmem:s6+$0x1CB00]  }
0x25f: {  	v13 =	vld [tilespmem:s31+$0x4A0]  }
0x260: {  	v14 =	vld [tilespmem:s6+$0x1CF80]  }
0x261: {  	v15 =	vld [tilespmem:s31+$0x4B0]  }
0x262: {  	v17 =	vld [tilespmem:s31+$0x10]  }
0x263: {  	v18 =	vld [tilespmem:s31+$0x20]  }
0x264: {  	v19 =	vld [tilespmem:s31+$0x30];
	v9 =	vadd.s32 $0xFFFEE000, v9;
	v10 =	vadd.s32 $0xFFFEE000, v10;
	v12 =	vadd.s32 $0xFFFEE000, v12  }
0x265: {  	v20 =	vld [tilespmem:s31+$0x910];
	v14 =	vadd.s32 $0xFFFEE000, v14;
	v11 =	vadd.s32 $0xFFFEE000, v11;
	vm1 =	vgt.s32 v9, $0x0  }
0x266: {  	v13 =	vadd.s32 $0xFFFEE000, v13;
	vm0 =	vlt.s32 v10, $0x0;
	v16 =	vnsel vm1, $0x0, v9  }
0x267: {  	v21 =	vld [tilespmem:s31+$0x920];
	v15 =	vadd.s32 $0xFFFEE000, v15;
	vm6 =	vlt.s32 v12, $0x0;
	v10 =	vsel vm0, $0x0, v10  }
0x268: {  	v23 =	vld [tilespmem:s31+$0x930];
	v17 =	vadd.s32 $0xFFFEE000, v17;
	vm7 =	vlt.s32 v14, $0x0;
	v12 =	vsel vm6, $0x0, v12  }
0x269: {  	v25 =	vld [tilespmem:s31+$0xD90];
	v18 =	vadd.s32 $0xFFFEE000, v18;
	v19 =	vadd.s32 $0xFFFEE000, v19;
	v14 =	vsel vm7, $0x0, v14  }
0x26a: {  	v27 =	vld [tilespmem:s31+$0xDB0];
	v20 =	vadd.s32 $0xFFFEE000, v20;
	vm8 =	vlt.s32 v18, $0x0;
	vm9 =	vlt.s32 v19, $0x0  }
0x26b: {  	vm10 =	vlt.s32 v20, $0x0;
	vm1 =	vgt.s32 v11, $0x0;
	v18 =	vsel vm8, $0x0, v18;
	v16 =	vld.idx.msk [tilespmem:v16+s3+$0x0], $0xffff  }
0x26c: {  	v19 =	vsel vm9, $0x0, v19;
	v22 =	vnsel vm1, $0x0, v11;
	vm1 =	vgt.s32 v13, $0x0;
	v10 =	vld.idx.msk [tilespmem:v10+s3+$0x0], $0xffff  }
0x26d: {  	v20 =	vsel vm10, $0x0, v20;
	v24 =	vnsel vm1, $0x0, v13;
	vm1 =	vgt.s32 v15, $0x0;
	v12 =	vld.idx.msk [tilespmem:v12+s3+$0x0], $0xffff  }
0x26e: {  	vm5 =	vlt.s32 v17, $0x0;
	v26 =	vnsel vm1, $0x0, v15;
	vm1 =	vgt.s32 v9, $0xFFFFFFFF;
	v9 =	vld.idx.msk [tilespmem:v14+s3+$0x0], $0xffff  }
0x26f: {  	v14 =	vsel vm5, $0x0, v17;
	v17 =	vld [tilespmem:s31+$0xDA0]  }
0x270: {  	v18 =	vld.idx.msk [tilespmem:v18+s3+$0x0], $0xffff  }
0x271: {  	v21 =	vadd.s32 $0xFFFEE000, v21;
	v25 =	vadd.s32 $0xFFFEE000, v25;
	v19 =	vld.idx.msk [tilespmem:v19+s3+$0x0], $0xffff;
	v16 =	vnsel vm1, $0xFF800000, v16  }
0x272: {  	s7 =	sadd.s32 $0x0, s28;
	v23 =	vadd.s32 $0xFFFEE000, v23;
	vm2 =	vlt.s32 v25, $0x0;
	v20 =	vld.idx.msk [tilespmem:v20+s3+$0x0], $0xffff;
	v10 =	vmax.f32 v10, v16  }
0x273: {  	s2 =	sand.u32 $0x3FF80, s7;
	v25 =	vsel vm2, $0x0, v25;
	v22 =	vld.idx.msk [tilespmem:v22+s3+$0x0], $0xffff;
	v10 =	vsel vm0, v16, v10;
	vm0 =	vlt.s32 v21, $0x0  }
0x274: {  	s0 =	sand.u32 $0x40, s21;
	s2 =	sadd.s32 $0x12000, s2;
	v24 =	vld.idx.msk [tilespmem:v24+s3+$0x0], $0xffff;
	vm1 =	vlt.s32 v23, $0x0;
	v17 =	vadd.s32 $0xFFFEE000, v17;
	v21 =	vsel vm0, $0x0, v21  }
0x275: {  	s9 =	sor.u32 s0, s2;
	v27 =	vadd.s32 $0xFFFEE000, v27;
	v14 =	vld.idx.msk [tilespmem:v14+s3+$0x0], $0xffff;
	v23 =	vsel vm1, $0x0, v23;
	vm3 =	vlt.s32 v17, $0x0  }
0x276: {  	vm4 =	vlt.s32 v27, $0x0;
	v16 =	vld [tilespmem:s9+$0x0];
	v17 =	vsel vm3, $0x0, v17;
	v12 =	vmax.f32 v10, v12  }
0x277: {  	v26 =	vld.idx.msk [tilespmem:v26+s3+$0x0], $0xffff;
	v10 =	vsel vm6, v10, v12;
	v12 =	vsel vm4, $0x0, v27  }
0x278: {  	vm6 =	vgt.s32 v11, $0xFFFFFFFF;
	v11 =	vld.idx.msk [tilespmem:v25+s3+$0x0], $0xffff  }
0x279: {  	vm11 =	vgt.s32 v15, $0xFFFFFFFF;
	v9 =	vmax.f32 v10, v9;
	v21 =	vld.idx.msk [tilespmem:v21+s3+$0x0], $0xffff  }
0x27a: {  	s8 =	simm.s32 $0x10;
	v9 =	vsel vm7, v10, v9;
	v10 =	vld.idx.msk [tilespmem:v23+s3+$0x0], $0xffff;
	vm7 =	vgt.s32 v13, $0xFFFFFFFF;
	v13 =	vnsel vm6, $0xFF800000, v22  }
0x27b: {  	s12 =	simm.s32 $0x20;
	s0 =	sand.u32 $0x50, s8;
	v15 =	vmax.f32 v16, v9;
	v16 =	vnsel vm7, $0xFF800000, v24;
	v14 =	vmax.f32 v14, v13;
	v9 =	vld.idx.msk [tilespmem:v17+s3+$0x0], $0xffff  }
0x27c: {  	s20 =	sand.u32 $0x60, s12;
	s21 =	simm.s32 $0x30;
	s6 =	sor.u32 s0, s2;
	v17 =	vnsel vm11, $0xFF800000, v26;
	v14 =	vsel vm5, v13, v14;
	v13 =	vmax.f32 v18, v16;
	v12 =	vld.idx.msk [tilespmem:v12+s3+$0x0], $0xffff  }
0x27d: {  	s8 =	sand.u32 $0x70, s21;
	s7 =	sor.u32 s20, s2;
	v18 =	vmax.f32 v19, v17;
	v16 =	vsel vm8, v16, v13;
	v19 =	vmax.f32 v14, v20;
	v13 =	vld [tilespmem:s6+$0x0]  }
0x27e: {  	s8 =	sor.u32 s8, s2;
	s0 =	simm.s32 $0x0;
	s2 =	simm.s32 $0x40;
	[tilespmem:s9+$0x0] =	vst v15;
	v17 =	vsel vm9, v17, v18;
	v15 =	vsel vm10, v14, v19;
	v14 =	vld [tilespmem:s7+$0x0];
	v18 =	vmax.f32 v16, v21  }
.LBB2_53:
0x27f: {  	s20 =	sand.u32 $0x7C0, s2;
	s9 =	sadd.s32 $0x10, s2;
	s0 =	sadd.s32 $0x4, s0;
	v16 =	vsel vm0, v16, v18;
	v10 =	vmax.f32 v17, v10;
	v18 =	vld [tilespmem:s8+$0x0]  }
0x280: {  	s12 =	sadd.s32 $0x20, s2;
	v11 =	vmax.f32 v15, v11;
	s31 =	sadd.s32 $0x40, s31;
	v19 =	vld [tilespmem:s20+$0x1C680];
	p1 =	slt.u32 s0, $0x44;
	v10 =	vsel vm1, v17, v10  }
0x281: {  	s21 =	sand.u32 $0x50, s9;
	s12 =	sand.u32 $0x60, s12;
	s9 =	sadd.s32 $0x30, s2;
	v11 =	vsel vm2, v15, v11;
	v9 =	vmax.f32 v16, v9;
	v17 =	vld [tilespmem:s31+$0x0]  }
0x282: {  	s9 =	sand.u32 $0x70, s9;
	v9 =	vsel vm3, v16, v9;
	v12 =	vmax.f32 v10, v12;
	v15 =	vld [tilespmem:s31+$0x490];
	v11 =	vmax.f32 v13, v11  }
0x283: {  	v10 =	vsel vm4, v10, v12;
	v13 =	vld [tilespmem:s20+$0x1CB00];
	[tilespmem:s6+$0x0] =	vst v11;
	v9 =	vmax.f32 v14, v9  }
0x284: {  	v11 =	vld [tilespmem:s31+$0x4A0];
	[tilespmem:s7+$0x0] =	vst v9;
	v9 =	vmax.f32 v18, v10  }
0x285: {  	v10 =	vadd.s32 $0xFFFEE000, v19;
	v12 =	vld [tilespmem:s20+$0x1CF80];
	[tilespmem:s8+$0x0] =	vst v9  }
0x286: {  	v9 =	vadd.s32 $0xFFFEE000, v17;
	vm0 =	vgt.s32 v10, $0x0;
	v14 =	vld [tilespmem:s31+$0x4B0]  }
0x287: {  	vm1 =	vlt.s32 v9, $0x0;
	v16 =	vnsel vm0, $0x0, v10;
	v17 =	vld [tilespmem:s31+$0x10];
	v15 =	vadd.s32 $0xFFFEE000, v15  }
0x288: {  	v9 =	vsel vm1, $0x0, v9;
	v13 =	vadd.s32 $0xFFFEE000, v13;
	vm0 =	vgt.s32 v15, $0x0;
	v18 =	vld [tilespmem:s31+$0x20]  }
0x289: {  	vm2 =	vlt.s32 v13, $0x0;
	v19 =	vnsel vm0, $0x0, v15;
	v11 =	vadd.s32 $0xFFFEE000, v11;
	v20 =	vld [tilespmem:s31+$0x30]  }
0x28a: {  	v13 =	vsel vm2, $0x0, v13;
	v12 =	vadd.s32 $0xFFFEE000, v12;
	v21 =	vld [tilespmem:s31+$0x910];
	vm0 =	vgt.s32 v11, $0x0  }
0x28b: {  	vm3 =	vlt.s32 v12, $0x0;
	v22 =	vnsel vm0, $0x0, v11;
	v23 =	vld [tilespmem:s31+$0x920];
	v14 =	vadd.s32 $0xFFFEE000, v14  }
0x28c: {  	v16 =	vld.idx.msk [tilespmem:v16+s3+$0x0], $0xffff;
	v12 =	vsel vm3, $0x0, v12;
	v17 =	vadd.s32 $0xFFFEE000, v17;
	vm0 =	vgt.s32 v14, $0x0  }
0x28d: {  	v9 =	vld.idx.msk [tilespmem:v9+s3+$0x0], $0xffff;
	vm5 =	vlt.s32 v17, $0x0;
	v18 =	vadd.s32 $0xFFFEE000, v18;
	v24 =	vnsel vm0, $0x0, v14  }
0x28e: {  	v17 =	vsel vm5, $0x0, v17;
	vm6 =	vlt.s32 v18, $0x0;
	v20 =	vadd.s32 $0xFFFEE000, v20;
	v25 =	vld [tilespmem:s31+$0x930]  }
0x28f: {  	v13 =	vld.idx.msk [tilespmem:v13+s3+$0x0], $0xffff;
	v21 =	vadd.s32 $0xFFFEE000, v21;
	v18 =	vsel vm6, $0x0, v18;
	vm7 =	vlt.s32 v20, $0x0  }
0x290: {  	s6 =	sadd.s32 s2, s28;
	vm8 =	vlt.s32 v21, $0x0;
	v26 =	vld [tilespmem:s31+$0xD90];
	v23 =	vadd.s32 $0xFFFEE000, v23;
	v20 =	vsel vm7, $0x0, v20  }
0x291: {  	s6 =	sand.u32 $0x3FF80, s6;
	vm4 =	vgt.s32 v10, $0xFFFFFFFF;
	v10 =	vld.idx.msk [tilespmem:v12+s3+$0x0], $0xffff;
	v12 =	vsel vm8, $0x0, v21;
	vm0 =	vlt.s32 v23, $0x0  }
0x292: {  	s7 =	sand.u32 $0x40, s2;
	s8 =	sadd.s32 $0x12000, s6;
	vm9 =	vgt.s32 v15, $0xFFFFFFFF;
	v16 =	vnsel vm4, $0xFF800000, v16;
	v15 =	vsel vm0, $0x0, v23;
	v21 =	vld [tilespmem:s31+$0xDA0]  }
0x293: {  	s20 =	sor.u32 s7, s8;
	s6 =	sor.u32 s21, s8;
	s7 =	sor.u32 s12, s8;
	vm10 =	vgt.s32 v11, $0xFFFFFFFF;
	v9 =	vmax.f32 v9, v16;
	v11 =	vadd.s32 $0xFFFEE000, v25;
	v23 =	vld [tilespmem:s31+$0xDB0]  }
0x294: {  	s8 =	sor.u32 s9, s8;
	vm11 =	vgt.s32 v14, $0xFFFFFFFF;
	v9 =	vsel vm1, v16, v9;
	v16 =	vld [tilespmem:s20+$0x0];
	vm1 =	vlt.s32 v11, $0x0  }
0x295: {  	v13 =	vmax.f32 v9, v13;
	v14 =	vld.idx.msk [tilespmem:v19+s3+$0x0], $0xffff;
	v19 =	vadd.s32 $0xFFFEE000, v26;
	v11 =	vsel vm1, $0x0, v11  }
0x296: {  	v9 =	vsel vm2, v9, v13;
	vm2 =	vlt.s32 v19, $0x0;
	v13 =	vld.idx.msk [tilespmem:v22+s3+$0x0], $0xffff  }
0x297: {  	v10 =	vmax.f32 v9, v10;
	v19 =	vsel vm2, $0x0, v19;
	v21 =	vadd.s32 $0xFFFEE000, v21;
	v22 =	vld.idx.msk [tilespmem:v24+s3+$0x0], $0xffff  }
0x298: {  	v9 =	vsel vm3, v9, v10;
	v17 =	vld.idx.msk [tilespmem:v17+s3+$0x0], $0xffff;
	vm3 =	vlt.s32 v21, $0x0;
	v10 =	vadd.s32 $0xFFFEE000, v23  }
0x299: {  	v9 =	vmax.f32 v16, v9;
	v16 =	vld.idx.msk [tilespmem:v18+s3+$0x0], $0xffff;
	v18 =	vsel vm3, $0x0, v21;
	vm4 =	vlt.s32 v10, $0x0  }
0x29a: {  	[tilespmem:s20+$0x0] =	vst v9;
	v20 =	vld.idx.msk [tilespmem:v20+s3+$0x0], $0xffff;
	v21 =	vsel vm4, $0x0, v10  }
0x29b: {  	v9 =	vnsel vm9, $0xFF800000, v14;
	v14 =	vld.idx.msk [tilespmem:v12+s3+$0x0], $0xffff  }
0x29c: {  	v12 =	vnsel vm10, $0xFF800000, v13;
	v23 =	vld.idx.msk [tilespmem:v15+s3+$0x0], $0xffff  }
0x29d: {  	v15 =	vnsel vm11, $0xFF800000, v22;
	v10 =	vld.idx.msk [tilespmem:v11+s3+$0x0], $0xffff  }
.Ltmp29:
0x29e: {  	v13 =	vmax.f32 v17, v9;
	v11 =	vld.idx.msk [tilespmem:v19+s3+$0x0], $0xffff;
	(pc) =	sbr.rel @p1 .LBB2_53-.Ltmp29, $4  }
0x29f: {  	v19 =	vsel vm5, v9, v13;
	v13 =	vmax.f32 v16, v12;
	v9 =	vld.idx.msk [tilespmem:v18+s3+$0x0], $0xffff  }
0x2a0: {  	v16 =	vsel vm6, v12, v13;
	v17 =	vmax.f32 v20, v15;
	v12 =	vld.idx.msk [tilespmem:v21+s3+$0x0], $0xffff  }
0x2a1: {  	v14 =	vmax.f32 v19, v14;
	v17 =	vsel vm7, v15, v17;
	v13 =	vld [tilespmem:s6+$0x0]  }
0x2a2: {  	s2 =	sadd.s32 $0x40, s2;
	v15 =	vsel vm8, v19, v14;
	v18 =	vmax.f32 v16, v23;
	v14 =	vld [tilespmem:s7+$0x0]  }
0x2a3: {  	v19 =	vld [tilespmem:s8+$0x0]  }
0x2a4: {  	v16 =	vsel vm0, v16, v18;
	v10 =	vmax.f32 v17, v10;
	v11 =	vmax.f32 v15, v11  }
.Ltmp30:
0x2a5: {  	v10 =	vsel vm1, v17, v10;
	v11 =	vsel vm2, v15, v11;
	v9 =	vmax.f32 v16, v9;
	(pc) =	sbr.rel @p0 .LBB2_56-.Ltmp30, $4  }
0x2a6: {  	v9 =	vsel vm3, v16, v9;
	v12 =	vmax.f32 v10, v12;
	v11 =	vmax.f32 v13, v11  }
0x2a7: {  	v10 =	vsel vm4, v10, v12;
	[tilespmem:s6+$0x0] =	vst v11;
	v9 =	vmax.f32 v14, v9  }
0x2a8: {  	[tilespmem:s7+$0x0] =	vst v9;
	v9 =	vmax.f32 v19, v10  }
0x2a9: {  	[tilespmem:s8+$0x0] =	vst v9  }
0x2aa: {  	s0 =	smul.u32 $0x9000, s30  }
.Ltmp31:
0x2ab: {  	_ = 	snop;
	(pc) =	sbr.rel .LBB2_50-.Ltmp31, $4  }
0x2ac: {  	s0 =	sshra.s32 s0, $0x2  }
0x2ad: {  	s30 =	sadd.s32 $0x1, s30;
	s0 =	sadd.s32 s0, s1  }
0x2ae: {  	s29 =	sadd.s32 $0x900, s29;
	s28 =	sadd.s32 $0x900, s28;
	s0 =	sadd.s32 $0x3600, s0  }
0x2af: {  	[tilespmem:s15], [sflag:$0x2] =	stream.linear.gather [spmem:s0], $0x1200, $0x38;
	[tilespmem:$0x1F800] =	vst v63  }
.LBB2_6:
.Ltmp32:
0x2b0: {  	(pc) =	sbr.rel .LBB2_13-.Ltmp32, $2  }
0x2b1: {  	_ =	sdelay $0x2  }
0x2b2: {  	s0 =	simm.s32 $0x30;
	p3 =	por $0x0, $0x0  }
.LBB2_14:
.Ltmp33:
0x2b3: {  	(pc) =	sbr.rel .LBB2_21-.Ltmp33, $2  }
0x2b4: {  	_ =	sdelay $0x2  }
0x2b5: {  	s2 =	simm.s32 $0x30;
	p1 =	por $0x0, $0x0  }
.LBB2_26:
.Ltmp34:
0x2b6: {  	(pc) =	sbr.rel .LBB2_33-.Ltmp34, $2  }
0x2b7: {  	_ =	sdelay $0x2  }
0x2b8: {  	s0 =	simm.s32 $0x30;
	p3 =	por $0x0, $0x0  }
.LBB2_34:
.Ltmp35:
0x2b9: {  	(pc) =	sbr.rel .LBB2_41-.Ltmp35, $2  }
0x2ba: {  	_ =	sdelay $0x2  }
0x2bb: {  	s6 =	simm.s32 $0x30;
	p1 =	por $0x0, $0x0  }
.LBB2_8:
.Ltmp36:
0x2bc: {  	(pc) =	sbr.rel .LBB2_13-.Ltmp36, $2  }
0x2bd: {  	_ =	sdelay $0x2  }
0x2be: {  	v10 =	vmov v15;
	v9 =	vmov v13;
	s0 =	simm.s32 $0x30;
	v11 =	vmov v14;
	p3 =	por $0x0, $0x0  }
.LBB2_16:
.Ltmp37:
0x2bf: {  	(pc) =	sbr.rel .LBB2_21-.Ltmp37, $2  }
0x2c0: {  	_ =	sdelay $0x2  }
0x2c1: {  	s2 =	simm.s32 $0x30  }
.LBB2_28:
.Ltmp38:
0x2c2: {  	(pc) =	sbr.rel .LBB2_33-.Ltmp38, $2  }
0x2c3: {  	_ =	sdelay $0x2  }
0x2c4: {  	v10 =	vmov v15;
	v9 =	vmov v13;
	s0 =	simm.s32 $0x30;
	v11 =	vmov v14;
	p3 =	por $0x0, $0x0  }
.LBB2_36:
.Ltmp39:
0x2c5: {  	(pc) =	sbr.rel .LBB2_41-.Ltmp39, $2  }
0x2c6: {  	_ =	sdelay $0x2  }
0x2c7: {  	s6 =	simm.s32 $0x30  }
.LBB2_10:
.Ltmp40:
0x2c8: {  	(pc) =	sbr.rel .LBB2_13-.Ltmp40, $2  }
0x2c9: {  	_ =	sdelay $0x2  }
0x2ca: {  	v23 =	vmov v13;
	s0 =	simm.s32 $0x30;
	v22 =	vmov v14  }
.LBB2_18:
.Ltmp41:
0x2cb: {  	(pc) =	sbr.rel .LBB2_21-.Ltmp41, $2  }
0x2cc: {  	_ =	sdelay $0x2  }
0x2cd: {  	v18 =	vmov v13;
	s2 =	simm.s32 $0x30;
	v14 =	vmov v19  }
.LBB2_30:
.Ltmp42:
0x2ce: {  	(pc) =	sbr.rel .LBB2_33-.Ltmp42, $2  }
0x2cf: {  	_ =	sdelay $0x2  }
0x2d0: {  	v23 =	vmov v13;
	s0 =	simm.s32 $0x30;
	v22 =	vmov v14  }
.LBB2_38:
.Ltmp43:
0x2d1: {  	(pc) =	sbr.rel .LBB2_41-.Ltmp43, $2  }
0x2d2: {  	_ =	sdelay $0x2  }
0x2d3: {  	v18 =	vmov v13;
	s6 =	simm.s32 $0x30;
	v14 =	vmov v19  }
.LBB2_58:
0x2d4: {  	_ =	sfence.sel $0x180000  }
0x2d5: {  	[bflag:$0x0] =	sbarrier.arrive $0xFFFF  }
0x2d6: {  	_ =	strace $0x9000004A  }
0x2d7: {  	s0 =	stileid.u32;
	[bflag:$0x2] =	sbarrier.arrive $0xFFFF  }
0x2d8: {  	p0 =	sne.s32 s0, $0x0;
	s0 =	rddreg [dreg:$0x3]  }
0x2d9: {  	s0 =	sadd.s32 @!p0 $0x100000, s0  }
0x2da: {  	[sflag:s0] =	ssyncadd.tile.s32 @!p0 $0x1;
	_ =	shalt  }
.Lfunc_end2:
_tile_overlayer_lowered:
.L_overlay_start_2:
0x2db: {  	(tag) =	ssettag $0x2  }
0x2dc: {  	s0 =	rddreg [dreg:$0x0];
	s2 =	stileid.u32  }
0x2dd: {  	s1 =	rddreg [dreg:$0x1];
	p0 =	sne.s32 s2, $0x0  }
0x2de: {  	s3 =	rddreg [dreg:$0x2];
	[bflag:$0x3] =	sbarrier.arrive $0xFFFF;
	s2 =	simm.s32 @!p0 $0x1C03  }
0x2df: {  	[timem:s3], [sflag:s2] =	dma.local @!p0 [hbm:s0], s1  }
0x2e0: {  	s0 =	simm.s32 @!p0 $0x3  }
0x2e1: {  	_ =	swait.ge @!p0 [sflag:s0], s1  }
0x2e2: {  	s1 =	ssub.s32 @!p0 $0x0, s1;
	[sflag:s0] =	ssyncset.done @!p0 $0x0  }
0x2e3: {  	[sflag:s0] =	ssyncadd.s32 @!p0 s1  }
0x2e4: {  	[bflag:$0x3] =	sbarrier.arrive $0xFFFF  }
0x2e5: {  	_ =	shalt  }

// kernel: sparse-core-data-format-call.cloned.1.call-start
scs
called_computation_lowered:
.L_overlay_start_0:
0x0: {  	s2 =	sld [smem:$0x3FD9]  }
0x1: {  	s3 =	sld [smem:$0x3FFE];
	_ =	sdelay $0x1  }
0x2: {  	s1 =	srdreg.scid  }
0x3: {  	s0 =	sand.u32 $0x1, s1  }
0x4: {  	s18 =	sshll.u32 s0, $0xA;
	s2 =	sadd.s32 s3, s2  }
0x5: {  	s2 =	sadd.s32 s2, s18  }
0x6: {  	[smem:$0x3FC6] =	sst s2  }
0x7: {  	_ = 	snop  }
0x8: {  	s2 =	sld [smem:$0x3FC9];
	(tm) =	ssettm $0x1  }
0x9: {  	s19 =	sld [smem:$0x3FFB];
	_ =	sdelay $0x3  }
0xa: {  	_ =	strace s19  }
0xb: {  	s3 =	sld [smem:$0x3FFC];
	_ =	sdelay $0x3  }
0xc: {  	_ =	strace s3  }
0xd: {  	s3 =	sld [smem:$0x3FFD];
	_ =	sdelay $0x3  }
0xe: {  	_ =	strace s3  }
0xf: {  	_ =	strace $0x8FFFFFFF  }
0x10: {  	s20 =	sld [smem:$0x3FDB];
	_ =	sdelay $0x1  }
0x11: {  	s4 =	simm.s32 $_scs_section_size  }
0x12: {  	s5 =	simm.s32 $_size__tile_overlayer_lowered;
	s6 =	simm.s32 $_tile_overlayer_lowered  }
0x13: {  	s23 =	simm.s32 $0x1BFF;
	s22 =	sshll.u32 s6, $0x1;
	s3 =	sadd.s32 s4, s20  }
0x14: {  	s7 =	simm.s32 $0x0;
	s21 =	sshll.u32 s5, $0x1;
	s5 =	sadd.s32 s22, s3  }
0x15: {  	[timem:s7], [sflag:s23] =	dma.local [hbm:s5], s21  }
0x16: {  	_ =	swait.ge [sflag:s23], s21  }
0x17: {  	s4 =	ssub.s32 $0x0, s21;
	[sflag:s23] =	ssyncset.done $0x0  }
0x18: {  	[sflag:s23] =	ssyncadd.s32 s4;
	_ =	sdelay $0x1  }
0x19: {  	s24 =	simm.s32 $0x1B8B  }
0x1a: {  	_ =	swait.ge [sflag:s24], $0x1  }
0x1b: {  	[sflag:s24] =	ssyncset.done $0x0  }
0x1c: {  	s26 =	simm.s32 $0x1B8E;
	s25 =	sld [smem:$0x3FFE];
	[sflag:s24] =	ssyncadd.s32 $0xFFFFFFFF  }
0x1d: {  	s27 =	simm.s32 $execute0_lowered;
	[smem:$0x3FD2] =	sst s26  }
0x1e: {  	s5 =	sshll.u32 s27, $0x1;
	_ =	strace $0x80000046;
	[dreg:$0x1] =	wrdreg $0xFFFFFFFF  }
0x1f: {  	s28 =	simm.s32 $_size_execute0_lowered;
	s3 =	sadd.s32 s3, s5;
	[dreg:$0x0] =	wrdreg $0x0  }
0x20: {  	s5 =	sshll.u32 s28, $0x1;
	[dreg:$0x2] =	wrdreg s3  }
0x21: {  	[dreg:$0x3] =	wrdreg s5  }
0x22: {  	[dreg:$0x4] =	wrdreg $0xC0  }
0x23: {  	_ =	task [dreg:s7], $0x5FFFF  }
0x24: {  	[dreg:$0x1] =	wrdreg $0xFFFFFFFF  }
0x25: {  	[dreg:$0x0] =	wrdreg $0x60  }
0x26: {  	[dreg:$0x2] =	wrdreg s2  }
0x27: {  	[dreg:$0x3] =	wrdreg s25  }
0x28: {  	[dreg:$0x4] =	wrdreg $0x9  }
0x29: {  	_ =	task.clear_ibuf [dreg:s7], $0x5FFFF;
	_ =	strace $0x90000046  }
0x2a: {  	s29 =	simm.s32 $0x9;
	_ =	strace $0x80000048  }
0x2b: {  	_ =	swait.ge [sflag:s29], $0x1  }
0x2c: {  	[sflag:s29] =	ssyncadd.s32 $0xFFFFFFFF  }
0x2d: {  	_ =	strace $0x90000048  }
0x2e: {  	_ =	sfence  }
0x2f: {  	s30 =	sld [smem:$0x0];
	_ =	sdelay $0x2  }
0x30: {  	s31 =	sshll.u32 s1, $0xD;
	s1 =	sshrl.u32 s1, $0x2  }
0x31: {  	s3 =	sand.u32 $0x4000, s31;
	s1 =	sadd.s32 s1, s30  }
0x32: {  	s0 =	sor.u32 s3, s0;
	s1 =	sshll.u32 s1, $0x11  }
0x33: {  	s0 =	sor.u32 s1, s0  }
0x34: {  	s0 =	sadd.s32 $0x8F2B, s0  }
0x35: {  	[sflag:s0] =	ssyncadd.remote.s32 $0x1  }
0x36: {  	_ =	sfence.sel $0xFFFF  }
0x37: {  	[dreg:$0x0] =	wrdreg $0xFFFFFFFF;
	(pc) =	sbr.abs _section_cstart, $3  }
0x38: {  	[dreg:$0x1] =	wrdreg $0xFFFFFFFF  }
0x39: {  	_ =	task.clear_ibuf [dreg:s7], $0x2FFFF;
	_ =	strace $0x9FFFFFFF  }
0x3a: {  	(tm) =	ssettm $0x7FFFFFFF  }
0x3b: {  	_ =	shalt  }
tec
execute0_lowered:
.L_overlay_start_1:
0x0: {  	(tag) =	ssettag $0x1  }
0x1: {  	s2 =	rddreg [dreg:$0x0]  }
0x2: {  	s1 =	rddreg [dreg:$0x1]  }
0x3: {  	s0 =	rddreg [dreg:$0x2];
	s4 =	srdreg.scid  }
0x4: {  	_ =	strace $0x80000047;
	s7 =	simm.s32 $0x2;
	s15 =	simm.s32 $0x0  }
0x5: {  	p0 =	por $0x0, $0x0;
	s13 =	simm.s32 $0x0;
	s16 =	simm.s32 $0x0  }
0x6: {  	s14 =	simm.s32 $0x0;
	s9 =	simm.s32 $0x0;
	s10 =	simm.s32 $0x0  }
.Ltmp0:
0x7: {  	s3 =	sadd.s32 $0xA00, s1;
	s4 =	sshll.u32 s4, $0x4;
	(pc) =	sbr.rel .LBB1_1-.Ltmp0, $4  }
0x8: {  	s1 =	stileid.u32;
	s5 =	sand.u32 $0x10, s4;
	s4 =	simm.s32 $0x1  }
0x9: {  	s8 =	simm.s32 $0x0;
	s6 =	sor.u32 s1, s5;
	[sflag:s4] =	ssyncpa.u1 $0x0  }
0xa: {  	s5 =	sand.u32 $0x3, s1;
	s6 =	sshrl.u32 s6, $0x2;
	[sflag:s7] =	ssyncpa.u1 $0x0  }
0xb: {  	s7 =	simm.s32 $0xC00;
	s12 =	smov.u32 s5;
	s11 =	smov.u32 s6  }
.LBB1_5:
0xc: {  	s17 =	sadd.s32 $0x80, s9  }
0xd: {  	s13 =	sadd.s32 $0x80, s10;
	s18 =	smov.u32 s10;
	p2 =	sgt.s32 s17, $0x17F  }
0xe: {  	s18 =	smov.u32 @p2 s13  }
0xf: {  	s19 =	smov.u32 s11;
	s13 =	sadd.s32 $0x8, s11;
	p3 =	sgt.s32 s18, $0x17F  }
0x10: {  	s19 =	smov.u32 @p3 s13  }
0x11: {  	s20 =	smov.u32 s12;
	s13 =	sadd.s32 $0x4, s12;
	p4 =	sgt.s32 s19, $0x7  }
0x12: {  	p1 =	slt.u32 s8, $0x2;
	s20 =	smov.u32 @p4 s13  }
0x13: {  	s8 =	sadd.s32 $0x1, s8;
	s17 =	simm.s32 @p2 $0x0;
	p2 =	sgt.s32 s20, $0x2F  }
0x14: {  	s15 =	smov.u32 s9;
	s20 =	smov.u32 @p2 s5;
	p2 =	sne.s32 s8, $0x6E  }
.Ltmp1:
0x15: {  	s16 =	smov.u32 s11;
	s21 =	simm.s32 @!p1 $0x2;
	(pc) =	sbr.rel @!p2 .LBB1_6-.Ltmp1, $4  }
0x16: {  	s14 =	smov.u32 s12;
	p0 =	por !p0, !p0;
	_ =	swait.ge @!p1 [sflag:s21], $0x4000  }
0x17: {  	[sflag:s21] =	ssyncset.done @!p1 $0x0;
	s9 =	smov.u32 s17;
	s18 =	simm.s32 @p3 $0x0  }
0x18: {  	[sflag:s21] =	ssyncadd.s32 @!p1 $0xFFFFC000;
	s19 =	smov.u32 @p4 s6;
	s13 =	smov.u32 s10  }
0x19: {  	s10 =	smov.u32 s18;
	s11 =	smov.u32 s19;
	s12 =	smov.u32 s20  }
.LBB1_1:
0x1a: {  	p1 =	sgt.u32 s8, $0x6B  }
0x1b: {  	s17 =	sshrl.u32 @!p1 s10, $0x3  }
0x1c: {  	s18 =	sshll.u32 @!p1 s9, $0x3;
	s17 =	smul.u32 @!p1 $0xC00, s17  }
0x1d: {  	s19 =	sshll.u32 @!p1 s10, $0x7;
	s18 =	sand.u32 @!p1 $0xFFFFFC00, s18  }
0x1e: {  	s17 =	sadd.s32 @!p1 s17, s18;
	s18 =	sand.u32 @!p1 $0x380, s19  }
0x1f: {  	s19 =	sand.u32 @!p1 $0x7F, s9;
	s17 =	sor.u32 @!p1 s18, s17  }
0x20: {  	s18 =	sor.u32 @!p1 s19, s17;
	s17 =	smulhi.u32 @!p1 $0xAAAAAAAB, s17;
	_ =	sdelay $0x1  }
0x21: {  	s19 =	smulhi.u32 @!p1 $0xAAAAAAAB, s18;
	s17 =	sshrl.u32 @!p1 s17, $0x8  }
0x22: {  	s20 =	smulhi.u32 @!p1 $0xAAAAAB, s17  }
0x23: {  	s22 =	smul.u32 @!p1 $0x24000, s12  }
0x24: {  	s19 =	sshrl.u32 @!p1 s19, $0x8;
	s20 =	smul.u32 @!p1 $0x180, s20  }
0x25: {  	s21 =	sxor.u32 @!p1 $0xFFFFFFFF, s8;
	s19 =	smul.u32 @!p1 $0x180, s19  }
0x26: {  	s21 =	sshll.u32 @!p1 s21, $0xE;
	s17 =	ssub.s32 @!p1 s17, s20;
	s20 =	smul.u32 @!p1 $0x4800, s11  }
0x27: {  	s18 =	ssub.s32 @!p1 s18, s19;
	s19 =	sadd.s32 @!p1 s2, s22;
	s17 =	smul.u32 @!p1 $0x30, s17  }
0x28: {  	s21 =	sand.u32 @!p1 $0x4000, s21;
	s19 =	sadd.s32 @!p1 s20, s19;
	s20 =	sand.u32 @!p1 $0x7, s18  }
0x29: {  	s18 =	sshrl.u32 @!p1 s18, $0x3;
	s17 =	sadd.s32 @!p1 s17, s19;
	s19 =	sshll.u32 @!p1 s20, $0x12  }
0x2a: {  	s17 =	sadd.s32 @!p1 s18, s17;
	s18 =	sor.u32 @!p1 $0x400, s19;
	s19 =	simm.s32 @!p1 $0xC00  }
0x2b: {  	[tilespmem:s21], [sflag:$0x1] =	stream.strided.gather @!p1 [hbm4b:s17+s18], $0x4000, s19, s18, $0x38;
	[tilespmem:$0x10000] =	vst v63  }
0x2c: {  	p1 =	seq.s32 s8, $0x0  }
0x2d: {  	p2 =	seq.s32 @!p1 s8, $0x6D  }
0x2e: {  	p1 =	por p1, p2  }
.Ltmp2:
0x2f: {  	_ = 	snop;
	(pc) =	sbr.rel @p1 .LBB1_5-.Ltmp2, $1  }
0x30: {  	_ =	sdelay $0x3  }
0x31: {  	s17 =	simm.s32 $0x1  }
0x32: {  	s17 =	simm.s32 @!p0 $0x0  }
0x33: {  	s17 =	sshll.u32 s17, $0xE  }
0x34: {  	s18 =	sor.u32 $0x40, s17  }
0x35: {  	v1 =	vmov s18;
	_ =	sdelay $0x1  }
0x36: {  	_ =	swait.ge [sflag:s4], $0x4000  }
0x37: {  	[sflag:s4] =	ssyncset.done $0x0  }
0x38: {  	s19 =	simm.s32 $0x0;
	[sflag:s4] =	ssyncadd.s32 $0xFFFFC000  }
0x39: {  	s17 =	sor.u32 $0x8070, s17;
	v6 =	vld.idx.msk [tilespmem:v1+s19+$0x30 ss:$0x1], $0xffff  }
0x3a: {  	v0 =	vmov s17;
	v8 =	vld.idx.msk [tilespmem:v1+s19+$0xFFFFFFC0 ss:$0x1], $0xffff  }
0x3b: {  	v7 =	vld.idx.msk [tilespmem:v1+s19+$0xFFFFFFD0 ss:$0x1], $0xffff  }
0x3c: {  	v5 =	vld.idx.msk [tilespmem:v1+s19+$0xFFFFFFE0 ss:$0x1], $0xffff  }
0x3d: {  	v4 =	vld.idx.msk [tilespmem:v1+s19+$0xFFFFFFF0 ss:$0x1], $0xffff  }
0x3e: {  	s31 =	sshll.u32 s8, $0xE;
	v2 =	vld.idx.msk [tilespmem:v1+s19+$0x0 ss:$0x1], $0xffff  }
0x3f: {  	s17 =	sand.u32 $0x4000, s31;
	v3 =	vld.idx.msk [tilespmem:v1+s19+$0x10 ss:$0x1], $0xffff;
	[tilespmem:v0+s19+$0x0 ss:$0x1] =	vst.idx.msk $0xffff, v6  }
0x40: {  	s20 =	simm.s32 $0x400;
	s18 =	simm.s32 $0x80;
	s17 =	sor.u32 $0x8000, s17;
	[tilespmem:v0+s19+$0xFFFFFF90 ss:$0x1] =	vst.idx.msk $0xffff, v8;
	v6 =	vld.idx.msk [tilespmem:v1+s19+$0x20 ss:$0x1], $0xffff  }
.LBB1_3:
0x41: {  	p1 =	sne.s32 s20, $0xFE00;
	v8 =	vld.idx.msk [tilespmem:v1+s18+$0x30 ss:$0x1], $0xffff;
	[tilespmem:v0+s19+$0xFFFFFFA0 ss:$0x1] =	vst.idx.msk $0xffff, v7  }
0x42: {  	v9 =	vld.idx.msk [tilespmem:v1+s18+$0xFFFFFFC0 ss:$0x1], $0xffff;
	[tilespmem:v0+s19+$0xFFFFFFB0 ss:$0x1] =	vst.idx.msk $0xffff, v5  }
0x43: {  	v7 =	vld.idx.msk [tilespmem:v1+s18+$0xFFFFFFD0 ss:$0x1], $0xffff;
	[tilespmem:v0+s19+$0xFFFFFFC0 ss:$0x1] =	vst.idx.msk $0xffff, v4  }
.Ltmp3:
0x44: {  	v5 =	vld.idx.msk [tilespmem:v1+s18+$0xFFFFFFE0 ss:$0x1], $0xffff;
	[tilespmem:v0+s19+$0xFFFFFFD0 ss:$0x1] =	vst.idx.msk $0xffff, v2;
	(pc) =	sbr.rel @p1 .LBB1_3-.Ltmp3, $4  }
0x45: {  	v4 =	vld.idx.msk [tilespmem:v1+s18+$0xFFFFFFF0 ss:$0x1], $0xffff;
	[tilespmem:v0+s19+$0xFFFFFFE0 ss:$0x1] =	vst.idx.msk $0xffff, v3  }
0x46: {  	v2 =	vld.idx.msk [tilespmem:v1+s18+$0x0 ss:$0x1], $0xffff;
	[tilespmem:v0+s19+$0xFFFFFFF0 ss:$0x1] =	vst.idx.msk $0xffff, v6;
	s19 =	smov.u32 s18  }
0x47: {  	v3 =	vld.idx.msk [tilespmem:v1+s19+$0x10 ss:$0x1], $0xffff;
	[tilespmem:v0+s19+$0x0 ss:$0x1] =	vst.idx.msk $0xffff, v8  }
0x48: {  	s18 =	sshra.s32 s20, $0x2;
	s20 =	sadd.s32 $0x200, s20;
	[tilespmem:v0+s19+$0xFFFFFF90 ss:$0x1] =	vst.idx.msk $0xffff, v9;
	v6 =	vld.idx.msk [tilespmem:v1+s19+$0x20 ss:$0x1], $0xffff  }
0x49: {  	_ =	sdelay $0x2  }
0x4a: {  	s20 =	sshrl.u32 s16, $0x3  }
0x4b: {  	s21 =	sshll.u32 s15, $0x3;
	[tilespmem:v0+s19+$0xFFFFFFA0 ss:$0x1] =	vst.idx.msk $0xffff, v7;
	s20 =	smul.u32 $0xC00, s20  }
0x4c: {  	s27 =	sshll.u32 s16, $0x7;
	v56 =	vld.idx.msk [tilespmem:v1+s18+$0x30 ss:$0x1], $0xffff;
	[tilespmem:v0+s19+$0xFFFFFFB0 ss:$0x1] =	vst.idx.msk $0xffff, v5;
	s21 =	sand.u32 $0xFFFFFC00, s21  }
0x4d: {  	v57 =	vld.idx.msk [tilespmem:v1+s18+$0xFFFFFFC0 ss:$0x1], $0xffff;
	s16 =	sand.u32 $0x380, s27;
	[tilespmem:v0+s19+$0xFFFFFFC0 ss:$0x1] =	vst.idx.msk $0xffff, v4;
	s20 =	sadd.s32 s20, s21  }
0x4e: {  	s28 =	sand.u32 $0x7F, s15;
	v58 =	vld.idx.msk [tilespmem:v1+s18+$0xFFFFFFD0 ss:$0x1], $0xffff;
	[tilespmem:v0+s19+$0xFFFFFFD0 ss:$0x1] =	vst.idx.msk $0xffff, v2;
	s16 =	sor.u32 s16, s20  }
0x4f: {  	v59 =	vld.idx.msk [tilespmem:v1+s18+$0xFFFFFFE0 ss:$0x1], $0xffff;
	[tilespmem:v0+s19+$0xFFFFFFE0 ss:$0x1] =	vst.idx.msk $0xffff, v3;
	s15 =	sor.u32 s28, s16;
	s16 =	smulhi.u32 $0xAAAAAAAB, s16  }
0x50: {  	v60 =	vld.idx.msk [tilespmem:v1+s18+$0xFFFFFFF0 ss:$0x1], $0xffff;
	[tilespmem:v0+s19+$0xFFFFFFF0 ss:$0x1] =	vst.idx.msk $0xffff, v6;
	s29 =	smulhi.u32 $0xAAAAAAAB, s15  }
0x51: {  	v61 =	vld.idx.msk [tilespmem:v1+s18+$0x0 ss:$0x1], $0xffff;
	s14 =	smul.u32 $0x24000, s14;
	[tilespmem:v0+s18+$0x0 ss:$0x1] =	vst.idx.msk $0xffff, v56  }
0x52: {  	v62 =	vld.idx.msk [tilespmem:v1+s18+$0x10 ss:$0x1], $0xffff;
	s13 =	smul.u32 $0x180, s13;
	[tilespmem:v0+s18+$0xFFFFFF90 ss:$0x1] =	vst.idx.msk $0xffff, v57;
	s16 =	sshrl.u32 s16, $0x8;
	s30 =	sshrl.u32 s29, $0x8  }
0x53: {  	v63 =	vld.idx.msk [tilespmem:v1+s18+$0x20 ss:$0x1], $0xffff;
	[tilespmem:v0+s18+$0xFFFFFFA0 ss:$0x1] =	vst.idx.msk $0xffff, v58;
	s16 =	sand.u32 $0x7, s16;
	s19 =	smul.u32 $0x180, s30  }
0x54: {  	[tilespmem:v0+s18+$0xFFFFFFB0 ss:$0x1] =	vst.idx.msk $0xffff, v59;
	s16 =	smul.u32 $0x30, s16  }
.Ltmp4:
0x55: {  	s14 =	sadd.s32 s3, s14;
	[tilespmem:v0+s18+$0xFFFFFFC0 ss:$0x1] =	vst.idx.msk $0xffff, v60;
	s15 =	ssub.s32 s15, s19;
	(pc) =	sbr.rel .LBB1_5-.Ltmp4, $4  }
0x56: {  	s13 =	sadd.s32 s13, s14;
	[tilespmem:v0+s18+$0xFFFFFFD0 ss:$0x1] =	vst.idx.msk $0xffff, v61;
	s31 =	sand.u32 $0x7, s15  }
0x57: {  	[tilespmem:v0+s18+$0xFFFFFFE0 ss:$0x1] =	vst.idx.msk $0xffff, v62;
	s13 =	sadd.s32 s16, s13;
	s15 =	sshrl.u32 s15, $0x3;
	s14 =	sshll.u32 s31, $0x12  }
0x58: {  	[tilespmem:v0+s18+$0xFFFFFFF0 ss:$0x1] =	vst.idx.msk $0xffff, v63;
	s13 =	sadd.s32 s15, s13;
	s14 =	sor.u32 $0x80, s14  }
0x59: {  	[hbm4b:s13+s14] =	stream.strided.scatter [tilespmem:s17], [sflag:$0x2], $0x4000, s7, s14, $0x38;
	[tilespmem:$0x10000] =	vst v63  }
.LBB1_6:
0x5a: {  	_ =	sfence.sel $0x180000  }
0x5b: {  	s2 =	simm.s32 $0x1;
	[bflag:$0x0] =	sbarrier.arrive $0xFFFF  }
0x5c: {  	s31 =	simm.s32 $0x2;
	[sflag:s2] =	ssyncpa.u1 $0x1  }
0x5d: {  	[sflag:s31] =	ssyncpa.u1 $0x1  }
0x5e: {  	p0 =	sne.s32 s1, $0x0;
	_ =	strace $0x90000047  }
0x5f: {  	s0 =	sadd.s32 @!p0 $0x100000, s0;
	[bflag:$0x2] =	sbarrier.arrive $0xFFFF  }
0x60: {  	[sflag:s0] =	ssyncadd.tile.s32 @!p0 $0x1;
	_ =	shalt  }
.Lfunc_end1:
_tile_overlayer_lowered:
.L_overlay_start_2:
0x61: {  	(tag) =	ssettag $0x2  }
0x62: {  	s0 =	rddreg [dreg:$0x0];
	s2 =	stileid.u32  }
0x63: {  	s1 =	rddreg [dreg:$0x1];
	p0 =	sne.s32 s2, $0x0  }
0x64: {  	s3 =	rddreg [dreg:$0x2];
	[bflag:$0x3] =	sbarrier.arrive $0xFFFF;
	s2 =	simm.s32 @!p0 $0x1C01  }
0x65: {  	[timem:s3], [sflag:s2] =	dma.local @!p0 [hbm:s0], s1  }
0x66: {  	s0 =	simm.s32 @!p0 $0x1  }
0x67: {  	_ =	swait.ge @!p0 [sflag:s0], s1  }
0x68: {  	s1 =	ssub.s32 @!p0 $0x0, s1;
	[sflag:s0] =	ssyncset.done @!p0 $0x0  }
0x69: {  	[sflag:s0] =	ssyncadd.s32 @!p0 s1  }
0x6a: {  	[bflag:$0x3] =	sbarrier.arrive $0xFFFF  }
0x6b: {  	_ =	shalt  }

</sc_bundles>
